<compile_context>
chip_gen: v7x
topology: tpu7x:2x2x1
jax: 0.10.2.dev20260603
libtpu: 0.0.44.dev20260713+nightly
codegen_flags: <defaults>
</compile_context>

<pallas_src>
import jax
import jax.numpy as jnp
from jax import lax
from jax.experimental import pallas as pl
from jax.experimental.pallas import tpu as pltpu
from jax.experimental.pallas import tpu_sc as plsc

N = 10000
E = 320000
D = 128
NC = 2
NS = 16
NW = NC * NS
CHUNK = 80
RCH = 125
EPW = RCH * CHUNK
N_HIST = 10240
N_ACC = 10112
RPT_H = N_HIST // NS
RPT_A = N_ACC // NS

_mesh = plsc.VectorSubcoreMesh(core_axis_name="c", subcore_axis_name="s")
_MASK16 = 0xFFFF


def _unpack_src(pk_v, j, out_ref):
    for i in range(CHUNK // 16):
        pv = pk_v[pl.ds(CHUNK * j + i * 16, 16)]
        out_ref[pl.ds(i * 16, 16)] = pv & _MASK16


def _unpack_dst(pk_v, j, out_ref):
    for i in range(CHUNK // 16):
        pv = pk_v[pl.ds(CHUNK * j + i * 16, 16)]
        out_ref[pl.ds(i * 16, 16)] = lax.shift_right_logical(pv, 16)


_DEG_BATCH = 5


def _deg_body(eif_hbm, ones1_hbm, zeros1_hbm, deg_out, pk_out,
              src_v, dst_v, ones_v, didx, hist, sem):
    c = lax.axis_index("c")
    s = lax.axis_index("s")
    w = c * NS + s
    pltpu.sync_copy(zeros1_hbm, hist.at[pl.ds(s * RPT_H, RPT_H)])
    plsc.subcore_barrier()
    pltpu.sync_copy(eif_hbm.at[pl.ds(w * EPW, EPW)], src_v)
    pltpu.sync_copy(eif_hbm.at[pl.ds(E + w * EPW, EPW)], dst_v)
    pltpu.sync_copy(ones1_hbm, ones_v)

    def batch(kb, carry):
        j0 = kb * _DEG_BATCH
        for i in range(_DEG_BATCH):
            for q in range(CHUNK // 16):
                didx[i][pl.ds(q * 16, 16)] = dst_v[
                    pl.ds(CHUNK * (j0 + i) + q * 16, 16)]
            pltpu.async_copy(ones_v, hist.at[didx[i]], sem, add=True)
        for i in range(_DEG_BATCH):
            for q in range(CHUNK // 16):
                sl = pl.ds(CHUNK * (j0 + i) + q * 16, 16)
                src_v[sl] = src_v[sl] | lax.shift_left(dst_v[sl], 16)
        for i in range(_DEG_BATCH):
            pltpu.make_async_copy(ones_v, hist.at[didx[i]], sem).wait()
        return carry

    lax.fori_loop(0, RCH // _DEG_BATCH, batch, 0)
    pltpu.sync_copy(src_v, pk_out.at[pl.ds(w * EPW, EPW)])
    plsc.subcore_barrier()
    pltpu.sync_copy(hist.at[pl.ds(s * RPT_H, RPT_H)],
                    deg_out.at[c, pl.ds(s * RPT_H, RPT_H)])


_deg_call = pl.kernel(
    _deg_body,
    out_type=(
        jax.ShapeDtypeStruct((NC, N_HIST), jnp.float32),
        jax.ShapeDtypeStruct((E,), jnp.int32),
    ),
    mesh=_mesh,
    scratch_types=[
        pltpu.VMEM((EPW,), jnp.int32),
        pltpu.VMEM((EPW,), jnp.int32),
        pltpu.VMEM((CHUNK,), jnp.float32),
        [pltpu.VMEM((CHUNK,), jnp.int32) for _ in range(_DEG_BATCH)],
        pltpu.VMEM_SHARED((N_HIST,), jnp.float32),
        pltpu.SemaphoreType.DMA,
    ],
)


def _agg_body(pk_hbm, xs_hbm, zrow_hbm, s_out,
              pk_v, sidx, didx, rows, acc, sems):
    c = lax.axis_index("c")
    s = lax.axis_index("s")
    w = c * NS + s
    base = s * RPT_A
    pltpu.sync_copy(zrow_hbm, rows[0])
    for k in range(RPT_A // CHUNK):
        pltpu.sync_copy(rows[0], acc.at[pl.ds(base + k * CHUNK, CHUNK)])
    tail = RPT_A - (RPT_A // CHUNK) * CHUNK
    pltpu.sync_copy(rows[0].at[pl.ds(0, tail)],
                    acc.at[pl.ds(base + RPT_A - tail, tail)])
    plsc.subcore_barrier()

    pltpu.sync_copy(pk_hbm.at[pl.ds(w * EPW, EPW)], pk_v)

    for j in range(2):
        _unpack_src(pk_v, j, sidx[j])
        pltpu.async_copy(xs_hbm.at[sidx[j]], rows[j], sems[j])

    def body(k, carry):
        for i in range(3):
            j = 3 * k + i
            nxt = (i + 2) % 3
            pltpu.make_async_copy(
                xs_hbm.at[sidx[i]], rows[i], sems[i]).wait()
            _unpack_src(pk_v, j + 2, sidx[nxt])
            pltpu.async_copy(xs_hbm.at[sidx[nxt]], rows[nxt], sems[nxt])
            _unpack_dst(pk_v, j, didx)
            pltpu.sync_copy(rows[i], acc.at[didx], add=True)
        return carry

    nloop = (RCH - 2) // 3
    lax.fori_loop(0, nloop, body, 0)
    for j in range(3 * nloop, RCH):
        i = j % 3
        pltpu.make_async_copy(xs_hbm.at[sidx[i]], rows[i], sems[i]).wait()
        _unpack_dst(pk_v, j, didx)
        pltpu.sync_copy(rows[i], acc.at[didx], add=True)

    plsc.subcore_barrier()
    pltpu.sync_copy(acc.at[pl.ds(base, RPT_A)],
                    s_out.at[c, pl.ds(base, RPT_A)])


_agg_call = pl.kernel(
    _agg_body,
    out_type=jax.ShapeDtypeStruct((NC, N_ACC, D), jnp.float32),
    mesh=_mesh,
    scratch_types=[
        pltpu.VMEM((EPW,), jnp.int32),
        [pltpu.VMEM((CHUNK,), jnp.int32) for _ in range(3)],
        pltpu.VMEM((CHUNK,), jnp.int32),
        [pltpu.VMEM((CHUNK, D), jnp.float32) for _ in range(3)],
        pltpu.VMEM_SHARED((N_ACC, D), jnp.float32),
        [pltpu.SemaphoreType.DMA for _ in range(3)],
    ],
)


def _scale_body(x_ref, d_ref, xs_ref, dis_ref):
    deg = d_ref[...].astype(jnp.float32) + 1.0
    dis = lax.rsqrt(deg)
    dis_ref[...] = dis.astype(jnp.bfloat16)
    xs_ref[...] = dis * x_ref[...]


_B_BLK = 1024


def _scale_call(x, dsum):
    nb = N_HIST // _B_BLK
    return pl.pallas_call(
        _scale_body,
        grid=(nb,),
        in_specs=[
            pl.BlockSpec((_B_BLK, D), lambda i: (i, 0)),
            pl.BlockSpec((_B_BLK, 1), lambda i: (i, 0)),
        ],
        out_specs=[
            pl.BlockSpec((_B_BLK, D), lambda i: (i, 0)),
            pl.BlockSpec((_B_BLK, 1), lambda i: (i, 0)),
        ],
        out_shape=[
            jax.ShapeDtypeStruct((N, D), jnp.float32),
            jax.ShapeDtypeStruct((N_HIST, 1), jnp.bfloat16),
        ],
    )(x, dsum)


def _final_body(s0_ref, s1_ref, xs_ref, dis_ref, w_ref, b_ref, nz_ref, o_ref):
    t = dis_ref[...].astype(jnp.float32) * (
        s0_ref[...] + s1_ref[...] + xs_ref[...])
    h = jnp.dot(t, w_ref[...], preferred_element_type=jnp.float32)
    o_ref[...] = jnp.maximum(h + b_ref[...], 0.0) + nz_ref[...]


_D_BLK = 632
_NB = N_ACC // _D_BLK


def _final_call(s_flat, xs, dis, W, b2, noise):
    return pl.pallas_call(
        _final_body,
        grid=(_NB,),
        in_specs=[
            pl.BlockSpec((_D_BLK, D), lambda i: (i, 0)),
            pl.BlockSpec((_D_BLK, D), lambda i: (i + _NB, 0)),
            pl.BlockSpec((_D_BLK, D), lambda i: (i, 0)),
            pl.BlockSpec((_D_BLK, 1), lambda i: (i, 0)),
            pl.BlockSpec((D, D), lambda i: (0, 0)),
            pl.BlockSpec((1, D), lambda i: (0, 0)),
            pl.BlockSpec((_D_BLK, D), lambda i: (i, 0)),
        ],
        out_specs=pl.BlockSpec((_D_BLK, D), lambda i: (i, 0)),
        out_shape=jax.ShapeDtypeStruct((N, D), jnp.float32),
    )(s_flat, s_flat, xs, dis, W, b2, noise)


def kernel(x, edge_index, W, b):
    ones1 = jnp.ones((CHUNK,), jnp.float32)
    zeros1 = jnp.zeros((RPT_H,), jnp.float32)
    zrow = jnp.zeros((CHUNK, D), jnp.float32)

    dego, packed = _deg_call(edge_index.reshape(2 * E), ones1, zeros1)
    dsum = (dego[0] + dego[1]).astype(jnp.bfloat16).reshape(N_HIST, 1)
    xs, dis = _scale_call(x, dsum)
    s_part = _agg_call(packed, xs, zrow)

    noise = jax.random.laplace(
        jax.random.fold_in(jax.random.key(42), 7), (N, D), jnp.float32)
    b2 = b.reshape(1, D)
    return _final_call(s_part.reshape(2 * N_ACC, D), xs, dis, W, b2, noise)

# --- scband reference (transcript-rebuilt; emitter-appended) ---
"""Pipeline reference for scband-client-gnn-23502061043923 (READ-ONLY COPY).

The authoritative reference and input builder live on the scoring server;
editing this copy changes nothing except your own understanding.
"""

import jax, jax.numpy as jnp
import numpy as np

N = 10000
E = 320000
D_IN = 128
D_HID = 128
PRIVACY_BUDGET = 1.0


def setup_inputs(seed: int = 0) -> dict:
    key = jax.random.key(seed)
    k1, k2, k3 = jax.random.split(key, 3)
    x = jax.random.normal(k1, (N, D_IN), dtype=jnp.float32)
    edge_index = jax.random.randint(k2, (2, E), 0, N, dtype=jnp.int32)
    # GCNConv learned parameters (lin weight stored as [in, out] for x @ W) + bias
    W = jax.random.normal(k3, (D_IN, D_HID), dtype=jnp.float32) * (1.0 / np.sqrt(D_IN))
    b = jnp.zeros((D_HID,), dtype=jnp.float32)
    return {"x": x, "edge_index": edge_index, "W": W, "b": b}


def _gcn_conv(x, edge_index, W, b):
    # Faithful PyG GCNConv: add self-loops, symmetric degree normalization,
    # linear transform, scatter-add aggregation, bias.
    src = edge_index[0]
    dst = edge_index[1]
    loop = jnp.arange(N, dtype=src.dtype)
    src = jnp.concatenate([src, loop])
    dst = jnp.concatenate([dst, loop])
    ones = jnp.ones(src.shape[0], dtype=x.dtype)
    deg = jnp.zeros((N,), dtype=x.dtype).at[dst].add(ones)
    deg_inv_sqrt = jnp.where(deg > 0, jax.lax.rsqrt(jnp.maximum(deg, 1e-12)), 0.0)
    norm = deg_inv_sqrt[src] * deg_inv_sqrt[dst]
    h = x @ W
    msg = h[src] * norm[:, None]
    out = jnp.zeros((N, D_HID), dtype=x.dtype).at[dst].add(msg)
    return out + b


def reference(x, edge_index, W, b):
    # forward_front: GCNConv -> ReLU -> add Laplace noise
    h = _gcn_conv(x, edge_index, W, b)
    h = jax.nn.relu(h)
    noise_scale = 1.0 / PRIVACY_BUDGET
    noise_key = jax.random.fold_in(jax.random.key(42), 7)
    noise = jax.random.laplace(noise_key, h.shape, dtype=h.dtype) * noise_scale
    return h + noise

if __name__ == "__main__":
    import jax
    _d = setup_inputs()
    print(jax.jit(kernel)(*tuple(_d.values())))

</pallas_src>

<mosaic_0001>
#map = affine_map<(d0, d1) -> (0)>
#map1 = affine_map<(d0, d1) -> (0, 0)>
#map2 = affine_map<(d0, d1) -> (0, 0, 0)>
module attributes {stable_mosaic.version = 14 : i64} {
  func.func @_agg_body(%arg0: i32, %arg1: i32, %arg2: memref<320000xi32, #tpu.memory_space<hbm>>, %arg3: memref<10000x128xf32, #tpu.memory_space<hbm>>, %arg4: memref<80x128xf32, #tpu.memory_space<hbm>>, %arg5: memref<2x10112x128xf32, #tpu.memory_space<hbm>>, %arg6: memref<10000xi32, #tpu.memory_space<vmem>>, %arg7: memref<80xi32, #tpu.memory_space<vmem>>, %arg8: memref<80xi32, #tpu.memory_space<vmem>>, %arg9: memref<80xi32, #tpu.memory_space<vmem>>, %arg10: memref<80xi32, #tpu.memory_space<vmem>>, %arg11: memref<80x128xf32, #tpu.memory_space<vmem>>, %arg12: memref<80x128xf32, #tpu.memory_space<vmem>>, %arg13: memref<80x128xf32, #tpu.memory_space<vmem>>, %arg14: memref<10112x128xf32, #tpu.memory_space<vmem_shared>>, %arg15: memref<!tpu.dma_semaphore, #tpu.memory_space<semaphore_mem>>, %arg16: memref<!tpu.dma_semaphore, #tpu.memory_space<semaphore_mem>>, %arg17: memref<!tpu.dma_semaphore, #tpu.memory_space<semaphore_mem>>) attributes {dimension_semantics = [#tpu.dimension_semantics<core_parallel>, #tpu.dimension_semantics<subcore_parallel>], iteration_bounds = array<i64: 2, 16>, scalar_prefetch = 0 : i64, scratch_operands = 12 : i64, tpu.core_type = #tpu.core_type<sc_vector_subcore>, window_params = [{transform_indices = #map}, {transform_indices = #map1}, {transform_indices = #map1}, {transform_indices = #map2}]} {
    %mul3A = arith.constant 16 : i32
    %mul3A_0 = arith.muli %arg0, %mul3A : i32
    %add3A = arith.addi %mul3A_0, %arg1 : i32
    %mul3A_1 = arith.constant 632 : i32
    %mul3A_2 = arith.muli %arg1, %mul3A_1 : i32
    "tpu.region"() ({
      %run_scoped3A = tpu.sem_alloc : memref<!tpu.dma_semaphore, #tpu.memory_space<semaphore_mem>>
      tpu.enqueue_dma source(%arg4 : memref<80x128xf32, #tpu.memory_space<hbm>>) target(%arg11 : memref<80x128xf32, #tpu.memory_space<vmem>>) target_semaphore(%run_scoped3A : memref<!tpu.dma_semaphore, #tpu.memory_space<semaphore_mem>>)
      tpu.wait_dma2 semaphore(%run_scoped3A : memref<!tpu.dma_semaphore, #tpu.memory_space<semaphore_mem>>) src(%arg4 : memref<80x128xf32, #tpu.memory_space<hbm>>) dst(%arg11 : memref<80x128xf32, #tpu.memory_space<vmem>>)
      tpu.yield
    }) : () -> ()
    %add3A_3 = arith.constant 0 : i32
    %add3A_4 = arith.addi %mul3A_2, %add3A_3 : i32
    "tpu.region"() ({
      %run_scoped3A = tpu.sem_alloc : memref<!tpu.dma_semaphore, #tpu.memory_space<semaphore_mem>>
      %dma_start3A_234 = arith.constant 0 : i32
      %dma_start3A_235 = tpu.memref_slice %arg14[%add3A_4, %dma_start3A_234] : memref<10112x128xf32, #tpu.memory_space<vmem_shared>> -> memref<80x128xf32, #tpu.memory_space<vmem_shared>>
      %dma_start3A_236 = arith.constant 0 : i32
      %dma_start3A_237 = tpu.memref_slice %arg14[%add3A_4, %dma_start3A_236] : memref<10112x128xf32, #tpu.memory_space<vmem_shared>> -> memref<80x128xf32, #tpu.memory_space<vmem_shared>>
      tpu.enqueue_dma source(%arg11 : memref<80x128xf32, #tpu.memory_space<vmem>>) target(%dma_start3A_237 : memref<80x128xf32, #tpu.memory_space<vmem_shared>>) target_semaphore(%run_scoped3A : memref<!tpu.dma_semaphore, #tpu.memory_space<semaphore_mem>>)
      %dma_wait3A_238 = arith.constant 0 : i32
      %dma_wait3A_239 = tpu.memref_slice %arg14[%add3A_4, %dma_wait3A_238] : memref<10112x128xf32, #tpu.memory_space<vmem_shared>> -> memref<80x128xf32, #tpu.memory_space<vmem_shared>>
      %dma_wait3A_240 = arith.constant 0 : i32
      %dma_wait3A_241 = tpu.memref_slice %arg14[%add3A_4, %dma_wait3A_240] : memref<10112x128xf32, #tpu.memory_space<vmem_shared>> -> memref<80x128xf32, #tpu.memory_space<vmem_shared>>
      tpu.wait_dma2 semaphore(%run_scoped3A : memref<!tpu.dma_semaphore, #tpu.memory_space<semaphore_mem>>) src(%arg11 : memref<80x128xf32, #tpu.memory_space<vmem>>) dst(%dma_wait3A_241 : memref<80x128xf32, #tpu.memory_space<vmem_shared>>)
      tpu.yield
    }) : () -> ()
    %add3A_5 = arith.constant 80 : i32
    %add3A_6 = arith.addi %mul3A_2, %add3A_5 : i32
    "tpu.region"() ({
      %run_scoped3A = tpu.sem_alloc : memref<!tpu.dma_semaphore, #tpu.memory_space<semaphore_mem>>
      %dma_start3A_234 = arith.constant 0 : i32
      %dma_start3A_235 = tpu.memref_slice %arg14[%add3A_6, %dma_start3A_234] : memref<10112x128xf32, #tpu.memory_space<vmem_shared>> -> memref<80x128xf32, #tpu.memory_space<vmem_shared>>
      %dma_start3A_236 = arith.constant 0 : i32
      %dma_start3A_237 = tpu.memref_slice %arg14[%add3A_6, %dma_start3A_236] : memref<10112x128xf32, #tpu.memory_space<vmem_shared>> -> memref<80x128xf32, #tpu.memory_space<vmem_shared>>
      tpu.enqueue_dma source(%arg11 : memref<80x128xf32, #tpu.memory_space<vmem>>) target(%dma_start3A_237 : memref<80x128xf32, #tpu.memory_space<vmem_shared>>) target_semaphore(%run_scoped3A : memref<!tpu.dma_semaphore, #tpu.memory_space<semaphore_mem>>)
      %dma_wait3A_238 = arith.constant 0 : i32
      %dma_wait3A_239 = tpu.memref_slice %arg14[%add3A_6, %dma_wait3A_238] : memref<10112x128xf32, #tpu.memory_space<vmem_shared>> -> memref<80x128xf32, #tpu.memory_space<vmem_shared>>
      %dma_wait3A_240 = arith.constant 0 : i32
      %dma_wait3A_241 = tpu.memref_slice %arg14[%add3A_6, %dma_wait3A_240] : memref<10112x128xf32, #tpu.memory_space<vmem_shared>> -> memref<80x128xf32, #tpu.memory_space<vmem_shared>>
      tpu.wait_dma2 semaphore(%run_scoped3A : memref<!tpu.dma_semaphore, #tpu.memory_space<semaphore_mem>>) src(%arg11 : memref<80x128xf32, #tpu.memory_space<vmem>>) dst(%dma_wait3A_241 : memref<80x128xf32, #tpu.memory_space<vmem_shared>>)
      tpu.yield
    }) : () -> ()
    %add3A_7 = arith.constant 160 : i32
    %add3A_8 = arith.addi %mul3A_2, %add3A_7 : i32
    "tpu.region"() ({
      %run_scoped3A = tpu.sem_alloc : memref<!tpu.dma_semaphore, #tpu.memory_space<semaphore_mem>>
      %dma_start3A_234 = arith.constant 0 : i32
      %dma_start3A_235 = tpu.memref_slice %arg14[%add3A_8, %dma_start3A_234] : memref<10112x128xf32, #tpu.memory_space<vmem_shared>> -> memref<80x128xf32, #tpu.memory_space<vmem_shared>>
      %dma_start3A_236 = arith.constant 0 : i32
      %dma_start3A_237 = tpu.memref_slice %arg14[%add3A_8, %dma_start3A_236] : memref<10112x128xf32, #tpu.memory_space<vmem_shared>> -> memref<80x128xf32, #tpu.memory_space<vmem_shared>>
      tpu.enqueue_dma source(%arg11 : memref<80x128xf32, #tpu.memory_space<vmem>>) target(%dma_start3A_237 : memref<80x128xf32, #tpu.memory_space<vmem_shared>>) target_semaphore(%run_scoped3A : memref<!tpu.dma_semaphore, #tpu.memory_space<semaphore_mem>>)
      %dma_wait3A_238 = arith.constant 0 : i32
      %dma_wait3A_239 = tpu.memref_slice %arg14[%add3A_8, %dma_wait3A_238] : memref<10112x128xf32, #tpu.memory_space<vmem_shared>> -> memref<80x128xf32, #tpu.memory_space<vmem_shared>>
      %dma_wait3A_240 = arith.constant 0 : i32
      %dma_wait3A_241 = tpu.memref_slice %arg14[%add3A_8, %dma_wait3A_240] : memref<10112x128xf32, #tpu.memory_space<vmem_shared>> -> memref<80x128xf32, #tpu.memory_space<vmem_shared>>
      tpu.wait_dma2 semaphore(%run_scoped3A : memref<!tpu.dma_semaphore, #tpu.memory_space<semaphore_mem>>) src(%arg11 : memref<80x128xf32, #tpu.memory_space<vmem>>) dst(%dma_wait3A_241 : memref<80x128xf32, #tpu.memory_space<vmem_shared>>)
      tpu.yield
    }) : () -> ()
    %add3A_9 = arith.constant 240 : i32
    %add3A_10 = arith.addi %mul3A_2, %add3A_9 : i32
    "tpu.region"() ({
      %run_scoped3A = tpu.sem_alloc : memref<!tpu.dma_semaphore, #tpu.memory_space<semaphore_mem>>
      %dma_start3A_234 = arith.constant 0 : i32
      %dma_start3A_235 = tpu.memref_slice %arg14[%add3A_10, %dma_start3A_234] : memref<10112x128xf32, #tpu.memory_space<vmem_shared>> -> memref<80x128xf32, #tpu.memory_space<vmem_shared>>
      %dma_start3A_236 = arith.constant 0 : i32
      %dma_start3A_237 = tpu.memref_slice %arg14[%add3A_10, %dma_start3A_236] : memref<10112x128xf32, #tpu.memory_space<vmem_shared>> -> memref<80x128xf32, #tpu.memory_space<vmem_shared>>
      tpu.enqueue_dma source(%arg11 : memref<80x128xf32, #tpu.memory_space<vmem>>) target(%dma_start3A_237 : memref<80x128xf32, #tpu.memory_space<vmem_shared>>) target_semaphore(%run_scoped3A : memref<!tpu.dma_semaphore, #tpu.memory_space<semaphore_mem>>)
      %dma_wait3A_238 = arith.constant 0 : i32
      %dma_wait3A_239 = tpu.memref_slice %arg14[%add3A_10, %dma_wait3A_238] : memref<10112x128xf32, #tpu.memory_space<vmem_shared>> -> memref<80x128xf32, #tpu.memory_space<vmem_shared>>
      %dma_wait3A_240 = arith.constant 0 : i32
      %dma_wait3A_241 = tpu.memref_slice %arg14[%add3A_10, %dma_wait3A_240] : memref<10112x128xf32, #tpu.memory_space<vmem_shared>> -> memref<80x128xf32, #tpu.memory_space<vmem_shared>>
      tpu.wait_dma2 semaphore(%run_scoped3A : memref<!tpu.dma_semaphore, #tpu.memory_space<semaphore_mem>>) src(%arg11 : memref<80x128xf32, #tpu.memory_space<vmem>>) dst(%dma_wait3A_241 : memref<80x128xf32, #tpu.memory_space<vmem_shared>>)
      tpu.yield
    }) : () -> ()
    %add3A_11 = arith.constant 320 : i32
    %add3A_12 = arith.addi %mul3A_2, %add3A_11 : i32
    "tpu.region"() ({
      %run_scoped3A = tpu.sem_alloc : memref<!tpu.dma_semaphore, #tpu.memory_space<semaphore_mem>>
      %dma_start3A_234 = arith.constant 0 : i32
      %dma_start3A_235 = tpu.memref_slice %arg14[%add3A_12, %dma_start3A_234] : memref<10112x128xf32, #tpu.memory_space<vmem_shared>> -> memref<80x128xf32, #tpu.memory_space<vmem_shared>>
      %dma_start3A_236 = arith.constant 0 : i32
      %dma_start3A_237 = tpu.memref_slice %arg14[%add3A_12, %dma_start3A_236] : memref<10112x128xf32, #tpu.memory_space<vmem_shared>> -> memref<80x128xf32, #tpu.memory_space<vmem_shared>>
      tpu.enqueue_dma source(%arg11 : memref<80x128xf32, #tpu.memory_space<vmem>>) target(%dma_start3A_237 : memref<80x128xf32, #tpu.memory_space<vmem_shared>>) target_semaphore(%run_scoped3A : memref<!tpu.dma_semaphore, #tpu.memory_space<semaphore_mem>>)
      %dma_wait3A_238 = arith.constant 0 : i32
      %dma_wait3A_239 = tpu.memref_slice %arg14[%add3A_12, %dma_wait3A_238] : memref<10112x128xf32, #tpu.memory_space<vmem_shared>> -> memref<80x128xf32, #tpu.memory_space<vmem_shared>>
      %dma_wait3A_240 = arith.constant 0 : i32
      %dma_wait3A_241 = tpu.memref_slice %arg14[%add3A_12, %dma_wait3A_240] : memref<10112x128xf32, #tpu.memory_space<vmem_shared>> -> memref<80x128xf32, #tpu.memory_space<vmem_shared>>
      tpu.wait_dma2 semaphore(%run_scoped3A : memref<!tpu.dma_semaphore, #tpu.memory_space<semaphore_mem>>) src(%arg11 : memref<80x128xf32, #tpu.memory_space<vmem>>) dst(%dma_wait3A_241 : memref<80x128xf32, #tpu.memory_space<vmem_shared>>)
      tpu.yield
    }) : () -> ()
    %add3A_13 = arith.constant 400 : i32
    %add3A_14 = arith.addi %mul3A_2, %add3A_13 : i32
    "tpu.region"() ({
      %run_scoped3A = tpu.sem_alloc : memref<!tpu.dma_semaphore, #tpu.memory_space<semaphore_mem>>
      %dma_start3A_234 = arith.constant 0 : i32
      %dma_start3A_235 = tpu.memref_slice %arg14[%add3A_14, %dma_start3A_234] : memref<10112x128xf32, #tpu.memory_space<vmem_shared>> -> memref<80x128xf32, #tpu.memory_space<vmem_shared>>
      %dma_start3A_236 = arith.constant 0 : i32
      %dma_start3A_237 = tpu.memref_slice %arg14[%add3A_14, %dma_start3A_236] : memref<10112x128xf32, #tpu.memory_space<vmem_shared>> -> memref<80x128xf32, #tpu.memory_space<vmem_shared>>
      tpu.enqueue_dma source(%arg11 : memref<80x128xf32, #tpu.memory_space<vmem>>) target(%dma_start3A_237 : memref<80x128xf32, #tpu.memory_space<vmem_shared>>) target_semaphore(%run_scoped3A : memref<!tpu.dma_semaphore, #tpu.memory_space<semaphore_mem>>)
      %dma_wait3A_238 = arith.constant 0 : i32
      %dma_wait3A_239 = tpu.memref_slice %arg14[%add3A_14, %dma_wait3A_238] : memref<10112x128xf32, #tpu.memory_space<vmem_shared>> -> memref<80x128xf32, #tpu.memory_space<vmem_shared>>
      %dma_wait3A_240 = arith.constant 0 : i32
      %dma_wait3A_241 = tpu.memref_slice %arg14[%add3A_14, %dma_wait3A_240] : memref<10112x128xf32, #tpu.memory_space<vmem_shared>> -> memref<80x128xf32, #tpu.memory_space<vmem_shared>>
      tpu.wait_dma2 semaphore(%run_scoped3A : memref<!tpu.dma_semaphore, #tpu.memory_space<semaphore_mem>>) src(%arg11 : memref<80x128xf32, #tpu.memory_space<vmem>>) dst(%dma_wait3A_241 : memref<80x128xf32, #tpu.memory_space<vmem_shared>>)
      tpu.yield
    }) : () -> ()
    %add3A_15 = arith.constant 480 : i32
    %add3A_16 = arith.addi %mul3A_2, %add3A_15 : i32
    "tpu.region"() ({
      %run_scoped3A = tpu.sem_alloc : memref<!tpu.dma_semaphore, #tpu.memory_space<semaphore_mem>>
      %dma_start3A_234 = arith.constant 0 : i32
      %dma_start3A_235 = tpu.memref_slice %arg14[%add3A_16, %dma_start3A_234] : memref<10112x128xf32, #tpu.memory_space<vmem_shared>> -> memref<80x128xf32, #tpu.memory_space<vmem_shared>>
      %dma_start3A_236 = arith.constant 0 : i32
      %dma_start3A_237 = tpu.memref_slice %arg14[%add3A_16, %dma_start3A_236] : memref<10112x128xf32, #tpu.memory_space<vmem_shared>> -> memref<80x128xf32, #tpu.memory_space<vmem_shared>>
      tpu.enqueue_dma source(%arg11 : memref<80x128xf32, #tpu.memory_space<vmem>>) target(%dma_start3A_237 : memref<80x128xf32, #tpu.memory_space<vmem_shared>>) target_semaphore(%run_scoped3A : memref<!tpu.dma_semaphore, #tpu.memory_space<semaphore_mem>>)
      %dma_wait3A_238 = arith.constant 0 : i32
      %dma_wait3A_239 = tpu.memref_slice %arg14[%add3A_16, %dma_wait3A_238] : memref<10112x128xf32, #tpu.memory_space<vmem_shared>> -> memref<80x128xf32, #tpu.memory_space<vmem_shared>>
      %dma_wait3A_240 = arith.constant 0 : i32
      %dma_wait3A_241 = tpu.memref_slice %arg14[%add3A_16, %dma_wait3A_240] : memref<10112x128xf32, #tpu.memory_space<vmem_shared>> -> memref<80x128xf32, #tpu.memory_space<vmem_shared>>
      tpu.wait_dma2 semaphore(%run_scoped3A : memref<!tpu.dma_semaphore, #tpu.memory_space<semaphore_mem>>) src(%arg11 : memref<80x128xf32, #tpu.memory_space<vmem>>) dst(%dma_wait3A_241 : memref<80x128xf32, #tpu.memory_space<vmem_shared>>)
      tpu.yield
    }) : () -> ()
    %add3A_17 = arith.constant 632 : i32
    %add3A_18 = arith.addi %mul3A_2, %add3A_17 : i32
    %sub3A = arith.constant 72 : i32
    %sub3A_19 = arith.subi %add3A_18, %sub3A : i32
    "tpu.region"() ({
      %run_scoped3A = tpu.sem_alloc : memref<!tpu.dma_semaphore, #tpu.memory_space<semaphore_mem>>
      %dma_start3A_234 = arith.constant 0 : i32
      %dma_start3A_235 = arith.constant 0 : i32
      %dma_start3A_236 = tpu.memref_slice %arg11[%dma_start3A_234, %dma_start3A_235] : memref<80x128xf32, #tpu.memory_space<vmem>> -> memref<72x128xf32, #tpu.memory_space<vmem>>
      %dma_start3A_237 = arith.constant 0 : i32
      %dma_start3A_238 = tpu.memref_slice %arg14[%sub3A_19, %dma_start3A_237] : memref<10112x128xf32, #tpu.memory_space<vmem_shared>> -> memref<72x128xf32, #tpu.memory_space<vmem_shared>>
      %dma_start3A_239 = arith.constant 0 : i32
      %dma_start3A_240 = tpu.memref_slice %arg14[%sub3A_19, %dma_start3A_239] : memref<10112x128xf32, #tpu.memory_space<vmem_shared>> -> memref<72x128xf32, #tpu.memory_space<vmem_shared>>
      %dma_start3A_241 = arith.constant 0 : i32
      %dma_start3A_242 = arith.constant 0 : i32
      %dma_start3A_243 = tpu.memref_slice %arg11[%dma_start3A_241, %dma_start3A_242] : memref<80x128xf32, #tpu.memory_space<vmem>> -> memref<72x128xf32, #tpu.memory_space<vmem>>
      tpu.enqueue_dma source(%dma_start3A_243 : memref<72x128xf32, #tpu.memory_space<vmem>>) target(%dma_start3A_240 : memref<72x128xf32, #tpu.memory_space<vmem_shared>>) target_semaphore(%run_scoped3A : memref<!tpu.dma_semaphore, #tpu.memory_space<semaphore_mem>>)
      %dma_wait3A_244 = arith.constant 0 : i32
      %dma_wait3A_245 = arith.constant 0 : i32
      %dma_wait3A_246 = tpu.memref_slice %arg11[%dma_wait3A_244, %dma_wait3A_245] : memref<80x128xf32, #tpu.memory_space<vmem>> -> memref<72x128xf32, #tpu.memory_space<vmem>>
      %dma_wait3A_247 = arith.constant 0 : i32
      %dma_wait3A_248 = tpu.memref_slice %arg14[%sub3A_19, %dma_wait3A_247] : memref<10112x128xf32, #tpu.memory_space<vmem_shared>> -> memref<72x128xf32, #tpu.memory_space<vmem_shared>>
      %dma_wait3A_249 = arith.constant 0 : i32
      %dma_wait3A_250 = tpu.memref_slice %arg14[%sub3A_19, %dma_wait3A_249] : memref<10112x128xf32, #tpu.memory_space<vmem_shared>> -> memref<72x128xf32, #tpu.memory_space<vmem_shared>>
      %dma_wait3A_251 = arith.constant 0 : i32
      %dma_wait3A_252 = arith.constant 0 : i32
      %dma_wait3A_253 = tpu.memref_slice %arg11[%dma_wait3A_251, %dma_wait3A_252] : memref<80x128xf32, #tpu.memory_space<vmem>> -> memref<72x128xf32, #tpu.memory_space<vmem>>
      tpu.wait_dma2 semaphore(%run_scoped3A : memref<!tpu.dma_semaphore, #tpu.memory_space<semaphore_mem>>) src(%dma_wait3A_253 : memref<72x128xf32, #tpu.memory_space<vmem>>) dst(%dma_wait3A_250 : memref<72x128xf32, #tpu.memory_space<vmem_shared>>)
      tpu.yield
    }) : () -> ()
    %barrier3A = arith.constant 0 : index
    tpu.barrier barrier_id(%barrier3A)
    %mul3A_20 = arith.constant 10000 : i32
    %mul3A_21 = arith.muli %add3A, %mul3A_20 : i32
    "tpu.region"() ({
      %run_scoped3A = tpu.sem_alloc : memref<!tpu.dma_semaphore, #tpu.memory_space<semaphore_mem>>
      %dma_start3A_234 = tpu.memref_slice %arg2[%mul3A_21] : memref<320000xi32, #tpu.memory_space<hbm>> -> memref<10000xi32, #tpu.memory_space<hbm>>
      %dma_start3A_235 = tpu.memref_slice %arg2[%mul3A_21] : memref<320000xi32, #tpu.memory_space<hbm>> -> memref<10000xi32, #tpu.memory_space<hbm>>
      tpu.enqueue_dma source(%dma_start3A_235 : memref<10000xi32, #tpu.memory_space<hbm>>) target(%arg6 : memref<10000xi32, #tpu.memory_space<vmem>>) target_semaphore(%run_scoped3A : memref<!tpu.dma_semaphore, #tpu.memory_space<semaphore_mem>>)
      %dma_wait3A_236 = tpu.memref_slice %arg2[%mul3A_21] : memref<320000xi32, #tpu.memory_space<hbm>> -> memref<10000xi32, #tpu.memory_space<hbm>>
      %dma_wait3A_237 = tpu.memref_slice %arg2[%mul3A_21] : memref<320000xi32, #tpu.memory_space<hbm>> -> memref<10000xi32, #tpu.memory_space<hbm>>
      tpu.wait_dma2 semaphore(%run_scoped3A : memref<!tpu.dma_semaphore, #tpu.memory_space<semaphore_mem>>) src(%dma_wait3A_237 : memref<10000xi32, #tpu.memory_space<hbm>>) dst(%arg6 : memref<10000xi32, #tpu.memory_space<vmem>>)
      tpu.yield
    }) : () -> ()
    %get3A = arith.constant 0 : index
    %get3A_22 = tpu.vector_load %arg6[%get3A] {strides = array<i32>} : memref<10000xi32, #tpu.memory_space<vmem>>, vector<16xi32>,
    %get3A_23 = vector.shape_cast %get3A_22 : vector<16xi32> to vector<16xi32>
    %and3A = arith.constant 65535 : i32
    %and3A_24 = vector.broadcast %and3A : i32 to vector<16xi32>
    %and3A_25 = arith.andi %get3A_23, %and3A_24 : vector<16xi32>
    %swap3A = arith.constant 0 : index
    %swap3A_26 = tpu.vector_load %arg7[%swap3A] {strides = array<i32>} : memref<80xi32, #tpu.memory_space<vmem>>, vector<16xi32>,
    %swap3A_27 = vector.shape_cast %swap3A_26 : vector<16xi32> to vector<16xi32>
    %swap3A_28 = vector.shape_cast %and3A_25 : vector<16xi32> to vector<16xi32>
    tpu.vector_store %arg7[%swap3A], %swap3A_28 {strides = array<i32>} : memref<80xi32, #tpu.memory_space<vmem>>, vector<16xi32>,
    %get3A_29 = arith.constant 16 : index
    %get3A_30 = tpu.vector_load %arg6[%get3A_29] {strides = array<i32>} : memref<10000xi32, #tpu.memory_space<vmem>>, vector<16xi32>,
    %get3A_31 = vector.shape_cast %get3A_30 : vector<16xi32> to vector<16xi32>
    %and3A_32 = arith.constant 65535 : i32
    %and3A_33 = vector.broadcast %and3A_32 : i32 to vector<16xi32>
    %and3A_34 = arith.andi %get3A_31, %and3A_33 : vector<16xi32>
    %swap3A_35 = arith.constant 16 : index
    %swap3A_36 = tpu.vector_load %arg7[%swap3A_35] {strides = array<i32>} : memref<80xi32, #tpu.memory_space<vmem>>, vector<16xi32>,
    %swap3A_37 = vector.shape_cast %swap3A_36 : vector<16xi32> to vector<16xi32>
    %swap3A_38 = vector.shape_cast %and3A_34 : vector<16xi32> to vector<16xi32>
    tpu.vector_store %arg7[%swap3A_35], %swap3A_38 {strides = array<i32>} : memref<80xi32, #tpu.memory_space<vmem>>, vector<16xi32>,
    %get3A_39 = arith.constant 32 : index
    %get3A_40 = tpu.vector_load %arg6[%get3A_39] {strides = array<i32>} : memref<10000xi32, #tpu.memory_space<vmem>>, vector<16xi32>,
    %get3A_41 = vector.shape_cast %get3A_40 : vector<16xi32> to vector<16xi32>
    %and3A_42 = arith.constant 65535 : i32
    %and3A_43 = vector.broadcast %and3A_42 : i32 to vector<16xi32>
    %and3A_44 = arith.andi %get3A_41, %and3A_43 : vector<16xi32>
    %swap3A_45 = arith.constant 32 : index
    %swap3A_46 = tpu.vector_load %arg7[%swap3A_45] {strides = array<i32>} : memref<80xi32, #tpu.memory_space<vmem>>, vector<16xi32>,
    %swap3A_47 = vector.shape_cast %swap3A_46 : vector<16xi32> to vector<16xi32>
    %swap3A_48 = vector.shape_cast %and3A_44 : vector<16xi32> to vector<16xi32>
    tpu.vector_store %arg7[%swap3A_45], %swap3A_48 {strides = array<i32>} : memref<80xi32, #tpu.memory_space<vmem>>, vector<16xi32>,
    %get3A_49 = arith.constant 48 : index
    %get3A_50 = tpu.vector_load %arg6[%get3A_49] {strides = array<i32>} : memref<10000xi32, #tpu.memory_space<vmem>>, vector<16xi32>,
    %get3A_51 = vector.shape_cast %get3A_50 : vector<16xi32> to vector<16xi32>
    %and3A_52 = arith.constant 65535 : i32
    %and3A_53 = vector.broadcast %and3A_52 : i32 to vector<16xi32>
    %and3A_54 = arith.andi %get3A_51, %and3A_53 : vector<16xi32>
    %swap3A_55 = arith.constant 48 : index
    %swap3A_56 = tpu.vector_load %arg7[%swap3A_55] {strides = array<i32>} : memref<80xi32, #tpu.memory_space<vmem>>, vector<16xi32>,
    %swap3A_57 = vector.shape_cast %swap3A_56 : vector<16xi32> to vector<16xi32>
    %swap3A_58 = vector.shape_cast %and3A_54 : vector<16xi32> to vector<16xi32>
    tpu.vector_store %arg7[%swap3A_55], %swap3A_58 {strides = array<i32>} : memref<80xi32, #tpu.memory_space<vmem>>, vector<16xi32>,
    %get3A_59 = arith.constant 64 : index
    %get3A_60 = tpu.vector_load %arg6[%get3A_59] {strides = array<i32>} : memref<10000xi32, #tpu.memory_space<vmem>>, vector<16xi32>,
    %get3A_61 = vector.shape_cast %get3A_60 : vector<16xi32> to vector<16xi32>
    %and3A_62 = arith.constant 65535 : i32
    %and3A_63 = vector.broadcast %and3A_62 : i32 to vector<16xi32>
    %and3A_64 = arith.andi %get3A_61, %and3A_63 : vector<16xi32>
    %swap3A_65 = arith.constant 64 : index
    %swap3A_66 = tpu.vector_load %arg7[%swap3A_65] {strides = array<i32>} : memref<80xi32, #tpu.memory_space<vmem>>, vector<16xi32>,
    %swap3A_67 = vector.shape_cast %swap3A_66 : vector<16xi32> to vector<16xi32>
    %swap3A_68 = vector.shape_cast %and3A_64 : vector<16xi32> to vector<16xi32>
    tpu.vector_store %arg7[%swap3A_65], %swap3A_68 {strides = array<i32>} : memref<80xi32, #tpu.memory_space<vmem>>, vector<16xi32>,
    %dma_start3A = arith.constant 0 : i32
    %dma_start3A_69 = arith.constant 0 : i32
    %dma_start3A_70 = tpu.memref_slice %arg3[%dma_start3A, %dma_start3A_69] : memref<10000x128xf32, #tpu.memory_space<hbm>> -> memref<10000x128xf32, #tpu.memory_space<hbm>>
    tpu.enqueue_indirect_dma source(%dma_start3A_70 : memref<10000x128xf32, #tpu.memory_space<hbm>>) target(%arg11 : memref<80x128xf32, #tpu.memory_space<vmem>>) offsets(%arg7 : memref<80xi32, #tpu.memory_space<vmem>>) semaphore(%arg15 : memref<!tpu.dma_semaphore, #tpu.memory_space<semaphore_mem>>)
    %get3A_71 = arith.constant 80 : index
    %get3A_72 = tpu.vector_load %arg6[%get3A_71] {strides = array<i32>} : memref<10000xi32, #tpu.memory_space<vmem>>, vector<16xi32>,
    %get3A_73 = vector.shape_cast %get3A_72 : vector<16xi32> to vector<16xi32>
    %and3A_74 = arith.constant 65535 : i32
    %and3A_75 = vector.broadcast %and3A_74 : i32 to vector<16xi32>
    %and3A_76 = arith.andi %get3A_73, %and3A_75 : vector<16xi32>
    %swap3A_77 = arith.constant 0 : index
    %swap3A_78 = tpu.vector_load %arg8[%swap3A_77] {strides = array<i32>} : memref<80xi32, #tpu.memory_space<vmem>>, vector<16xi32>,
    %swap3A_79 = vector.shape_cast %swap3A_78 : vector<16xi32> to vector<16xi32>
    %swap3A_80 = vector.shape_cast %and3A_76 : vector<16xi32> to vector<16xi32>
    tpu.vector_store %arg8[%swap3A_77], %swap3A_80 {strides = array<i32>} : memref<80xi32, #tpu.memory_space<vmem>>, vector<16xi32>,
    %get3A_81 = arith.constant 96 : index
    %get3A_82 = tpu.vector_load %arg6[%get3A_81] {strides = array<i32>} : memref<10000xi32, #tpu.memory_space<vmem>>, vector<16xi32>,
    %get3A_83 = vector.shape_cast %get3A_82 : vector<16xi32> to vector<16xi32>
    %and3A_84 = arith.constant 65535 : i32
    %and3A_85 = vector.broadcast %and3A_84 : i32 to vector<16xi32>
    %and3A_86 = arith.andi %get3A_83, %and3A_85 : vector<16xi32>
    %swap3A_87 = arith.constant 16 : index
    %swap3A_88 = tpu.vector_load %arg8[%swap3A_87] {strides = array<i32>} : memref<80xi32, #tpu.memory_space<vmem>>, vector<16xi32>,
    %swap3A_89 = vector.shape_cast %swap3A_88 : vector<16xi32> to vector<16xi32>
    %swap3A_90 = vector.shape_cast %and3A_86 : vector<16xi32> to vector<16xi32>
    tpu.vector_store %arg8[%swap3A_87], %swap3A_90 {strides = array<i32>} : memref<80xi32, #tpu.memory_space<vmem>>, vector<16xi32>,
    %get3A_91 = arith.constant 112 : index
    %get3A_92 = tpu.vector_load %arg6[%get3A_91] {strides = array<i32>} : memref<10000xi32, #tpu.memory_space<vmem>>, vector<16xi32>,
    %get3A_93 = vector.shape_cast %get3A_92 : vector<16xi32> to vector<16xi32>
    %and3A_94 = arith.constant 65535 : i32
    %and3A_95 = vector.broadcast %and3A_94 : i32 to vector<16xi32>
    %and3A_96 = arith.andi %get3A_93, %and3A_95 : vector<16xi32>
    %swap3A_97 = arith.constant 32 : index
    %swap3A_98 = tpu.vector_load %arg8[%swap3A_97] {strides = array<i32>} : memref<80xi32, #tpu.memory_space<vmem>>, vector<16xi32>,
    %swap3A_99 = vector.shape_cast %swap3A_98 : vector<16xi32> to vector<16xi32>
    %swap3A_100 = vector.shape_cast %and3A_96 : vector<16xi32> to vector<16xi32>
    tpu.vector_store %arg8[%swap3A_97], %swap3A_100 {strides = array<i32>} : memref<80xi32, #tpu.memory_space<vmem>>, vector<16xi32>,
    %get3A_101 = arith.constant 128 : index
    %get3A_102 = tpu.vector_load %arg6[%get3A_101] {strides = array<i32>} : memref<10000xi32, #tpu.memory_space<vmem>>, vector<16xi32>,
    %get3A_103 = vector.shape_cast %get3A_102 : vector<16xi32> to vector<16xi32>
    %and3A_104 = arith.constant 65535 : i32
    %and3A_105 = vector.broadcast %and3A_104 : i32 to vector<16xi32>
    %and3A_106 = arith.andi %get3A_103, %and3A_105 : vector<16xi32>
    %swap3A_107 = arith.constant 48 : index
    %swap3A_108 = tpu.vector_load %arg8[%swap3A_107] {strides = array<i32>} : memref<80xi32, #tpu.memory_space<vmem>>, vector<16xi32>,
    %swap3A_109 = vector.shape_cast %swap3A_108 : vector<16xi32> to vector<16xi32>
    %swap3A_110 = vector.shape_cast %and3A_106 : vector<16xi32> to vector<16xi32>
    tpu.vector_store %arg8[%swap3A_107], %swap3A_110 {strides = array<i32>} : memref<80xi32, #tpu.memory_space<vmem>>, vector<16xi32>,
    %get3A_111 = arith.constant 144 : index
    %get3A_112 = tpu.vector_load %arg6[%get3A_111] {strides = array<i32>} : memref<10000xi32, #tpu.memory_space<vmem>>, vector<16xi32>,
    %get3A_113 = vector.shape_cast %get3A_112 : vector<16xi32> to vector<16xi32>
    %and3A_114 = arith.constant 65535 : i32
    %and3A_115 = vector.broadcast %and3A_114 : i32 to vector<16xi32>
    %and3A_116 = arith.andi %get3A_113, %and3A_115 : vector<16xi32>
    %swap3A_117 = arith.constant 64 : index
    %swap3A_118 = tpu.vector_load %arg8[%swap3A_117] {strides = array<i32>} : memref<80xi32, #tpu.memory_space<vmem>>, vector<16xi32>,
    %swap3A_119 = vector.shape_cast %swap3A_118 : vector<16xi32> to vector<16xi32>
    %swap3A_120 = vector.shape_cast %and3A_116 : vector<16xi32> to vector<16xi32>
    tpu.vector_store %arg8[%swap3A_117], %swap3A_120 {strides = array<i32>} : memref<80xi32, #tpu.memory_space<vmem>>, vector<16xi32>,
    %dma_start3A_121 = arith.constant 0 : i32
    %dma_start3A_122 = arith.constant 0 : i32
    %dma_start3A_123 = tpu.memref_slice %arg3[%dma_start3A_121, %dma_start3A_122] : memref<10000x128xf32, #tpu.memory_space<hbm>> -> memref<10000x128xf32, #tpu.memory_space<hbm>>
    tpu.enqueue_indirect_dma source(%dma_start3A_123 : memref<10000x128xf32, #tpu.memory_space<hbm>>) target(%arg12 : memref<80x128xf32, #tpu.memory_space<vmem>>) offsets(%arg8 : memref<80xi32, #tpu.memory_space<vmem>>) semaphore(%arg16 : memref<!tpu.dma_semaphore, #tpu.memory_space<semaphore_mem>>)
    %scan3A = arith.constant 0 : i32
    %scan3A_124 = arith.constant 0 : i32
    %scan3A_125 = arith.constant 41 : i32
    %scan3A_126 = arith.addi %scan3A_124, %scan3A_125 : i32
    %scan3A_127 = arith.constant 1 : i32
    scf.for %scan3A_234 = %scan3A_124 to %scan3A_126 step %scan3A_127  : i32 {
      %mul3A_235 = arith.constant 3 : i32
      %mul3A_236 = arith.muli %mul3A_235, %scan3A_234 : i32
      %add3A_237 = arith.constant 0 : i32
      %add3A_238 = arith.addi %mul3A_236, %add3A_237 : i32
      %dma_wait3A_239 = arith.constant 0 : i32
      %dma_wait3A_240 = arith.constant 0 : i32
      %dma_wait3A_241 = tpu.memref_slice %arg3[%dma_wait3A_239, %dma_wait3A_240] : memref<10000x128xf32, #tpu.memory_space<hbm>> -> memref<10000x128xf32, #tpu.memory_space<hbm>>
      tpu.wait_indirect_dma semaphore(%arg15 : memref<!tpu.dma_semaphore, #tpu.memory_space<semaphore_mem>>) src(%dma_wait3A_241 : memref<10000x128xf32, #tpu.memory_space<hbm>>) dst(%arg11 : memref<80x128xf32, #tpu.memory_space<vmem>>)
      %add3A_242 = arith.constant 2 : i32
      %add3A_243 = arith.addi %add3A_238, %add3A_242 : i32
      %mul3A_244 = arith.constant 80 : i32
      %mul3A_245 = arith.muli %mul3A_244, %add3A_243 : i32
      %add3A_246 = arith.constant 0 : i32
      %add3A_247 = arith.addi %mul3A_245, %add3A_246 : i32
      %get3A_248 = arith.index_cast %add3A_247 : i32 to index
      %get3A_249 = tpu.vector_load %arg6[%get3A_248] {strides = array<i32>} : memref<10000xi32, #tpu.memory_space<vmem>>, vector<16xi32>,
      %get3A_250 = vector.shape_cast %get3A_249 : vector<16xi32> to vector<16xi32>
      %and3A_251 = arith.constant 65535 : i32
      %and3A_252 = vector.broadcast %and3A_251 : i32 to vector<16xi32>
      %and3A_253 = arith.andi %get3A_250, %and3A_252 : vector<16xi32>
      %swap3A_254 = arith.constant 0 : index
      %swap3A_255 = tpu.vector_load %arg9[%swap3A_254] {strides = array<i32>} : memref<80xi32, #tpu.memory_space<vmem>>, vector<16xi32>,
      %swap3A_256 = vector.shape_cast %swap3A_255 : vector<16xi32> to vector<16xi32>
      %swap3A_257 = vector.shape_cast %and3A_253 : vector<16xi32> to vector<16xi32>
      tpu.vector_store %arg9[%swap3A_254], %swap3A_257 {strides = array<i32>} : memref<80xi32, #tpu.memory_space<vmem>>, vector<16xi32>,
      %mul3A_258 = arith.constant 80 : i32
      %mul3A_259 = arith.muli %mul3A_258, %add3A_243 : i32
      %add3A_260 = arith.constant 16 : i32
      %add3A_261 = arith.addi %mul3A_259, %add3A_260 : i32
      %get3A_262 = arith.index_cast %add3A_261 : i32 to index
      %get3A_263 = tpu.vector_load %arg6[%get3A_262] {strides = array<i32>} : memref<10000xi32, #tpu.memory_space<vmem>>, vector<16xi32>,
      %get3A_264 = vector.shape_cast %get3A_263 : vector<16xi32> to vector<16xi32>
      %and3A_265 = arith.constant 65535 : i32
      %and3A_266 = vector.broadcast %and3A_265 : i32 to vector<16xi32>
      %and3A_267 = arith.andi %get3A_264, %and3A_266 : vector<16xi32>
      %swap3A_268 = arith.constant 16 : index
      %swap3A_269 = tpu.vector_load %arg9[%swap3A_268] {strides = array<i32>} : memref<80xi32, #tpu.memory_space<vmem>>, vector<16xi32>,
      %swap3A_270 = vector.shape_cast %swap3A_269 : vector<16xi32> to vector<16xi32>
      %swap3A_271 = vector.shape_cast %and3A_267 : vector<16xi32> to vector<16xi32>
      tpu.vector_store %arg9[%swap3A_268], %swap3A_271 {strides = array<i32>} : memref<80xi32, #tpu.memory_space<vmem>>, vector<16xi32>,
      %mul3A_272 = arith.constant 80 : i32
      %mul3A_273 = arith.muli %mul3A_272, %add3A_243 : i32
      %add3A_274 = arith.constant 32 : i32
      %add3A_275 = arith.addi %mul3A_273, %add3A_274 : i32
      %get3A_276 = arith.index_cast %add3A_275 : i32 to index
      %get3A_277 = tpu.vector_load %arg6[%get3A_276] {strides = array<i32>} : memref<10000xi32, #tpu.memory_space<vmem>>, vector<16xi32>,
      %get3A_278 = vector.shape_cast %get3A_277 : vector<16xi32> to vector<16xi32>
      %and3A_279 = arith.constant 65535 : i32
      %and3A_280 = vector.broadcast %and3A_279 : i32 to vector<16xi32>
      %and3A_281 = arith.andi %get3A_278, %and3A_280 : vector<16xi32>
      %swap3A_282 = arith.constant 32 : index
      %swap3A_283 = tpu.vector_load %arg9[%swap3A_282] {strides = array<i32>} : memref<80xi32, #tpu.memory_space<vmem>>, vector<16xi32>,
      %swap3A_284 = vector.shape_cast %swap3A_283 : vector<16xi32> to vector<16xi32>
      %swap3A_285 = vector.shape_cast %and3A_281 : vector<16xi32> to vector<16xi32>
      tpu.vector_store %arg9[%swap3A_282], %swap3A_285 {strides = array<i32>} : memref<80xi32, #tpu.memory_space<vmem>>, vector<16xi32>,
      %mul3A_286 = arith.constant 80 : i32
      %mul3A_287 = arith.muli %mul3A_286, %add3A_243 : i32
      %add3A_288 = arith.constant 48 : i32
      %add3A_289 = arith.addi %mul3A_287, %add3A_288 : i32
      %get3A_290 = arith.index_cast %add3A_289 : i32 to index
      %get3A_291 = tpu.vector_load %arg6[%get3A_290] {strides = array<i32>} : memref<10000xi32, #tpu.memory_space<vmem>>, vector<16xi32>,
      %get3A_292 = vector.shape_cast %get3A_291 : vector<16xi32> to vector<16xi32>
      %and3A_293 = arith.constant 65535 : i32
      %and3A_294 = vector.broadcast %and3A_293 : i32 to vector<16xi32>
      %and3A_295 = arith.andi %get3A_292, %and3A_294 : vector<16xi32>
      %swap3A_296 = arith.constant 48 : index
      %swap3A_297 = tpu.vector_load %arg9[%swap3A_296] {strides = array<i32>} : memref<80xi32, #tpu.memory_space<vmem>>, vector<16xi32>,
      %swap3A_298 = vector.shape_cast %swap3A_297 : vector<16xi32> to vector<16xi32>
      %swap3A_299 = vector.shape_cast %and3A_295 : vector<16xi32> to vector<16xi32>
      tpu.vector_store %arg9[%swap3A_296], %swap3A_299 {strides = array<i32>} : memref<80xi32, #tpu.memory_space<vmem>>, vector<16xi32>,
      %mul3A_300 = arith.constant 80 : i32
      %mul3A_301 = arith.muli %mul3A_300, %add3A_243 : i32
      %add3A_302 = arith.constant 64 : i32
      %add3A_303 = arith.addi %mul3A_301, %add3A_302 : i32
      %get3A_304 = arith.index_cast %add3A_303 : i32 to index
      %get3A_305 = tpu.vector_load %arg6[%get3A_304] {strides = array<i32>} : memref<10000xi32, #tpu.memory_space<vmem>>, vector<16xi32>,
      %get3A_306 = vector.shape_cast %get3A_305 : vector<16xi32> to vector<16xi32>
      %and3A_307 = arith.constant 65535 : i32
      %and3A_308 = vector.broadcast %and3A_307 : i32 to vector<16xi32>
      %and3A_309 = arith.andi %get3A_306, %and3A_308 : vector<16xi32>
      %swap3A_310 = arith.constant 64 : index
      %swap3A_311 = tpu.vector_load %arg9[%swap3A_310] {strides = array<i32>} : memref<80xi32, #tpu.memory_space<vmem>>, vector<16xi32>,
      %swap3A_312 = vector.shape_cast %swap3A_311 : vector<16xi32> to vector<16xi32>
      %swap3A_313 = vector.shape_cast %and3A_309 : vector<16xi32> to vector<16xi32>
      tpu.vector_store %arg9[%swap3A_310], %swap3A_313 {strides = array<i32>} : memref<80xi32, #tpu.memory_space<vmem>>, vector<16xi32>,
      %dma_start3A_314 = arith.constant 0 : i32
      %dma_start3A_315 = arith.constant 0 : i32
      %dma_start3A_316 = tpu.memref_slice %arg3[%dma_start3A_314, %dma_start3A_315] : memref<10000x128xf32, #tpu.memory_space<hbm>> -> memref<10000x128xf32, #tpu.memory_space<hbm>>
      tpu.enqueue_indirect_dma source(%dma_start3A_316 : memref<10000x128xf32, #tpu.memory_space<hbm>>) target(%arg13 : memref<80x128xf32, #tpu.memory_space<vmem>>) offsets(%arg9 : memref<80xi32, #tpu.memory_space<vmem>>) semaphore(%arg17 : memref<!tpu.dma_semaphore, #tpu.memory_space<semaphore_mem>>)
      %mul3A_317 = arith.constant 80 : i32
      %mul3A_318 = arith.muli %mul3A_317, %add3A_238 : i32
      %add3A_319 = arith.constant 0 : i32
      %add3A_320 = arith.addi %mul3A_318, %add3A_319 : i32
      %get3A_321 = arith.index_cast %add3A_320 : i32 to index
      %get3A_322 = tpu.vector_load %arg6[%get3A_321] {strides = array<i32>} : memref<10000xi32, #tpu.memory_space<vmem>>, vector<16xi32>,
      %get3A_323 = vector.shape_cast %get3A_322 : vector<16xi32> to vector<16xi32>
      %shift_right_logical3A_324 = arith.constant 16 : i32
      %shift_right_logical3A_325 = vector.broadcast %shift_right_logical3A_324 : i32 to vector<16xi32>
      %shift_right_logical3A_326 = arith.shrui %get3A_323, %shift_right_logical3A_325 : vector<16xi32>
      %swap3A_327 = arith.constant 0 : index
      %swap3A_328 = tpu.vector_load %arg10[%swap3A_327] {strides = array<i32>} : memref<80xi32, #tpu.memory_space<vmem>>, vector<16xi32>,
      %swap3A_329 = vector.shape_cast %swap3A_328 : vector<16xi32> to vector<16xi32>
      %swap3A_330 = vector.shape_cast %shift_right_logical3A_326 : vector<16xi32> to vector<16xi32>
      tpu.vector_store %arg10[%swap3A_327], %swap3A_330 {strides = array<i32>} : memref<80xi32, #tpu.memory_space<vmem>>, vector<16xi32>,
      %mul3A_331 = arith.constant 80 : i32
      %mul3A_332 = arith.muli %mul3A_331, %add3A_238 : i32
      %add3A_333 = arith.constant 16 : i32
      %add3A_334 = arith.addi %mul3A_332, %add3A_333 : i32
      %get3A_335 = arith.index_cast %add3A_334 : i32 to index
      %get3A_336 = tpu.vector_load %arg6[%get3A_335] {strides = array<i32>} : memref<10000xi32, #tpu.memory_space<vmem>>, vector<16xi32>,
      %get3A_337 = vector.shape_cast %get3A_336 : vector<16xi32> to vector<16xi32>
      %shift_right_logical3A_338 = arith.constant 16 : i32
      %shift_right_logical3A_339 = vector.broadcast %shift_right_logical3A_338 : i32 to vector<16xi32>
      %shift_right_logical3A_340 = arith.shrui %get3A_337, %shift_right_logical3A_339 : vector<16xi32>
      %swap3A_341 = arith.constant 16 : index
      %swap3A_342 = tpu.vector_load %arg10[%swap3A_341] {strides = array<i32>} : memref<80xi32, #tpu.memory_space<vmem>>, vector<16xi32>,
      %swap3A_343 = vector.shape_cast %swap3A_342 : vector<16xi32> to vector<16xi32>
      %swap3A_344 = vector.shape_cast %shift_right_logical3A_340 : vector<16xi32> to vector<16xi32>
      tpu.vector_store %arg10[%swap3A_341], %swap3A_344 {strides = array<i32>} : memref<80xi32, #tpu.memory_space<vmem>>, vector<16xi32>,
      %mul3A_345 = arith.constant 80 : i32
      %mul3A_346 = arith.muli %mul3A_345, %add3A_238 : i32
      %add3A_347 = arith.constant 32 : i32
      %add3A_348 = arith.addi %mul3A_346, %add3A_347 : i32
      %get3A_349 = arith.index_cast %add3A_348 : i32 to index
      %get3A_350 = tpu.vector_load %arg6[%get3A_349] {strides = array<i32>} : memref<10000xi32, #tpu.memory_space<vmem>>, vector<16xi32>,
      %get3A_351 = vector.shape_cast %get3A_350 : vector<16xi32> to vector<16xi32>
      %shift_right_logical3A_352 = arith.constant 16 : i32
      %shift_right_logical3A_353 = vector.broadcast %shift_right_logical3A_352 : i32 to vector<16xi32>
      %shift_right_logical3A_354 = arith.shrui %get3A_351, %shift_right_logical3A_353 : vector<16xi32>
      %swap3A_355 = arith.constant 32 : index
      %swap3A_356 = tpu.vector_load %arg10[%swap3A_355] {strides = array<i32>} : memref<80xi32, #tpu.memory_space<vmem>>, vector<16xi32>,
      %swap3A_357 = vector.shape_cast %swap3A_356 : vector<16xi32> to vector<16xi32>
      %swap3A_358 = vector.shape_cast %shift_right_logical3A_354 : vector<16xi32> to vector<16xi32>
      tpu.vector_store %arg10[%swap3A_355], %swap3A_358 {strides = array<i32>} : memref<80xi32, #tpu.memory_space<vmem>>, vector<16xi32>,
      %mul3A_359 = arith.constant 80 : i32
      %mul3A_360 = arith.muli %mul3A_359, %add3A_238 : i32
      %add3A_361 = arith.constant 48 : i32
      %add3A_362 = arith.addi %mul3A_360, %add3A_361 : i32
      %get3A_363 = arith.index_cast %add3A_362 : i32 to index
      %get3A_364 = tpu.vector_load %arg6[%get3A_363] {strides = array<i32>} : memref<10000xi32, #tpu.memory_space<vmem>>, vector<16xi32>,
      %get3A_365 = vector.shape_cast %get3A_364 : vector<16xi32> to vector<16xi32>
      %shift_right_logical3A_366 = arith.constant 16 : i32
      %shift_right_logical3A_367 = vector.broadcast %shift_right_logical3A_366 : i32 to vector<16xi32>
      %shift_right_logical3A_368 = arith.shrui %get3A_365, %shift_right_logical3A_367 : vector<16xi32>
      %swap3A_369 = arith.constant 48 : index
      %swap3A_370 = tpu.vector_load %arg10[%swap3A_369] {strides = array<i32>} : memref<80xi32, #tpu.memory_space<vmem>>, vector<16xi32>,
      %swap3A_371 = vector.shape_cast %swap3A_370 : vector<16xi32> to vector<16xi32>
      %swap3A_372 = vector.shape_cast %shift_right_logical3A_368 : vector<16xi32> to vector<16xi32>
      tpu.vector_store %arg10[%swap3A_369], %swap3A_372 {strides = array<i32>} : memref<80xi32, #tpu.memory_space<vmem>>, vector<16xi32>,
      %mul3A_373 = arith.constant 80 : i32
      %mul3A_374 = arith.muli %mul3A_373, %add3A_238 : i32
      %add3A_375 = arith.constant 64 : i32
      %add3A_376 = arith.addi %mul3A_374, %add3A_375 : i32
      %get3A_377 = arith.index_cast %add3A_376 : i32 to index
      %get3A_378 = tpu.vector_load %arg6[%get3A_377] {strides = array<i32>} : memref<10000xi32, #tpu.memory_space<vmem>>, vector<16xi32>,
      %get3A_379 = vector.shape_cast %get3A_378 : vector<16xi32> to vector<16xi32>
      %shift_right_logical3A_380 = arith.constant 16 : i32
      %shift_right_logical3A_381 = vector.broadcast %shift_right_logical3A_380 : i32 to vector<16xi32>
      %shift_right_logical3A_382 = arith.shrui %get3A_379, %shift_right_logical3A_381 : vector<16xi32>
      %swap3A_383 = arith.constant 64 : index
      %swap3A_384 = tpu.vector_load %arg10[%swap3A_383] {strides = array<i32>} : memref<80xi32, #tpu.memory_space<vmem>>, vector<16xi32>,
      %swap3A_385 = vector.shape_cast %swap3A_384 : vector<16xi32> to vector<16xi32>
      %swap3A_386 = vector.shape_cast %shift_right_logical3A_382 : vector<16xi32> to vector<16xi32>
      tpu.vector_store %arg10[%swap3A_383], %swap3A_386 {strides = array<i32>} : memref<80xi32, #tpu.memory_space<vmem>>, vector<16xi32>,
      "tpu.region"() ({
        %run_scoped3A = tpu.sem_alloc : memref<!tpu.dma_semaphore, #tpu.memory_space<semaphore_mem>>
        %dma_start3A_691 = arith.constant 0 : i32
        %dma_start3A_692 = arith.constant 0 : i32
        %dma_start3A_693 = tpu.memref_slice %arg14[%dma_start3A_691, %dma_start3A_692] : memref<10112x128xf32, #tpu.memory_space<vmem_shared>> -> memref<10112x128xf32, #tpu.memory_space<vmem_shared>>
        tpu.enqueue_indirect_dma source(%arg11 : memref<80x128xf32, #tpu.memory_space<vmem>>) target(%dma_start3A_693 : memref<10112x128xf32, #tpu.memory_space<vmem_shared>>) offsets(%arg10 : memref<80xi32, #tpu.memory_space<vmem>>) semaphore(%run_scoped3A : memref<!tpu.dma_semaphore, #tpu.memory_space<semaphore_mem>>) {add = true}
        %dma_wait3A_694 = arith.constant 0 : i32
        %dma_wait3A_695 = arith.constant 0 : i32
        %dma_wait3A_696 = tpu.memref_slice %arg14[%dma_wait3A_694, %dma_wait3A_695] : memref<10112x128xf32, #tpu.memory_space<vmem_shared>> -> memref<10112x128xf32, #tpu.memory_space<vmem_shared>>
        tpu.wait_indirect_dma semaphore(%run_scoped3A : memref<!tpu.dma_semaphore, #tpu.memory_space<semaphore_mem>>) src(%arg11 : memref<80x128xf32, #tpu.memory_space<vmem>>) dst(%dma_wait3A_696 : memref<10112x128xf32, #tpu.memory_space<vmem_shared>>)
        tpu.yield
      }) : () -> ()
      %mul3A_387 = arith.constant 3 : i32
      %mul3A_388 = arith.muli %mul3A_387, %scan3A_234 : i32
      %add3A_389 = arith.constant 1 : i32
      %add3A_390 = arith.addi %mul3A_388, %add3A_389 : i32
      %dma_wait3A_391 = arith.constant 0 : i32
      %dma_wait3A_392 = arith.constant 0 : i32
      %dma_wait3A_393 = tpu.memref_slice %arg3[%dma_wait3A_391, %dma_wait3A_392] : memref<10000x128xf32, #tpu.memory_space<hbm>> -> memref<10000x128xf32, #tpu.memory_space<hbm>>
      tpu.wait_indirect_dma semaphore(%arg16 : memref<!tpu.dma_semaphore, #tpu.memory_space<semaphore_mem>>) src(%dma_wait3A_393 : memref<10000x128xf32, #tpu.memory_space<hbm>>) dst(%arg12 : memref<80x128xf32, #tpu.memory_space<vmem>>)
      %add3A_394 = arith.constant 2 : i32
      %add3A_395 = arith.addi %add3A_390, %add3A_394 : i32
      %mul3A_396 = arith.constant 80 : i32
      %mul3A_397 = arith.muli %mul3A_396, %add3A_395 : i32
      %add3A_398 = arith.constant 0 : i32
      %add3A_399 = arith.addi %mul3A_397, %add3A_398 : i32
      %get3A_400 = arith.index_cast %add3A_399 : i32 to index
      %get3A_401 = tpu.vector_load %arg6[%get3A_400] {strides = array<i32>} : memref<10000xi32, #tpu.memory_space<vmem>>, vector<16xi32>,
      %get3A_402 = vector.shape_cast %get3A_401 : vector<16xi32> to vector<16xi32>
      %and3A_403 = arith.constant 65535 : i32
      %and3A_404 = vector.broadcast %and3A_403 : i32 to vector<16xi32>
      %and3A_405 = arith.andi %get3A_402, %and3A_404 : vector<16xi32>
      %swap3A_406 = arith.constant 0 : index
      %swap3A_407 = tpu.vector_load %arg7[%swap3A_406] {strides = array<i32>} : memref<80xi32, #tpu.memory_space<vmem>>, vector<16xi32>,
      %swap3A_408 = vector.shape_cast %swap3A_407 : vector<16xi32> to vector<16xi32>
      %swap3A_409 = vector.shape_cast %and3A_405 : vector<16xi32> to vector<16xi32>
      tpu.vector_store %arg7[%swap3A_406], %swap3A_409 {strides = array<i32>} : memref<80xi32, #tpu.memory_space<vmem>>, vector<16xi32>,
      %mul3A_410 = arith.constant 80 : i32
      %mul3A_411 = arith.muli %mul3A_410, %add3A_395 : i32
      %add3A_412 = arith.constant 16 : i32
      %add3A_413 = arith.addi %mul3A_411, %add3A_412 : i32
      %get3A_414 = arith.index_cast %add3A_413 : i32 to index
      %get3A_415 = tpu.vector_load %arg6[%get3A_414] {strides = array<i32>} : memref<10000xi32, #tpu.memory_space<vmem>>, vector<16xi32>,
      %get3A_416 = vector.shape_cast %get3A_415 : vector<16xi32> to vector<16xi32>
      %and3A_417 = arith.constant 65535 : i32
      %and3A_418 = vector.broadcast %and3A_417 : i32 to vector<16xi32>
      %and3A_419 = arith.andi %get3A_416, %and3A_418 : vector<16xi32>
      %swap3A_420 = arith.constant 16 : index
      %swap3A_421 = tpu.vector_load %arg7[%swap3A_420] {strides = array<i32>} : memref<80xi32, #tpu.memory_space<vmem>>, vector<16xi32>,
      %swap3A_422 = vector.shape_cast %swap3A_421 : vector<16xi32> to vector<16xi32>
      %swap3A_423 = vector.shape_cast %and3A_419 : vector<16xi32> to vector<16xi32>
      tpu.vector_store %arg7[%swap3A_420], %swap3A_423 {strides = array<i32>} : memref<80xi32, #tpu.memory_space<vmem>>, vector<16xi32>,
      %mul3A_424 = arith.constant 80 : i32
      %mul3A_425 = arith.muli %mul3A_424, %add3A_395 : i32
      %add3A_426 = arith.constant 32 : i32
      %add3A_427 = arith.addi %mul3A_425, %add3A_426 : i32
      %get3A_428 = arith.index_cast %add3A_427 : i32 to index
      %get3A_429 = tpu.vector_load %arg6[%get3A_428] {strides = array<i32>} : memref<10000xi32, #tpu.memory_space<vmem>>, vector<16xi32>,
      %get3A_430 = vector.shape_cast %get3A_429 : vector<16xi32> to vector<16xi32>
      %and3A_431 = arith.constant 65535 : i32
      %and3A_432 = vector.broadcast %and3A_431 : i32 to vector<16xi32>
      %and3A_433 = arith.andi %get3A_430, %and3A_432 : vector<16xi32>
      %swap3A_434 = arith.constant 32 : index
      %swap3A_435 = tpu.vector_load %arg7[%swap3A_434] {strides = array<i32>} : memref<80xi32, #tpu.memory_space<vmem>>, vector<16xi32>,
      %swap3A_436 = vector.shape_cast %swap3A_435 : vector<16xi32> to vector<16xi32>
      %swap3A_437 = vector.shape_cast %and3A_433 : vector<16xi32> to vector<16xi32>
      tpu.vector_store %arg7[%swap3A_434], %swap3A_437 {strides = array<i32>} : memref<80xi32, #tpu.memory_space<vmem>>, vector<16xi32>,
      %mul3A_438 = arith.constant 80 : i32
      %mul3A_439 = arith.muli %mul3A_438, %add3A_395 : i32
      %add3A_440 = arith.constant 48 : i32
      %add3A_441 = arith.addi %mul3A_439, %add3A_440 : i32
      %get3A_442 = arith.index_cast %add3A_441 : i32 to index
      %get3A_443 = tpu.vector_load %arg6[%get3A_442] {strides = array<i32>} : memref<10000xi32, #tpu.memory_space<vmem>>, vector<16xi32>,
      %get3A_444 = vector.shape_cast %get3A_443 : vector<16xi32> to vector<16xi32>
      %and3A_445 = arith.constant 65535 : i32
      %and3A_446 = vector.broadcast %and3A_445 : i32 to vector<16xi32>
      %and3A_447 = arith.andi %get3A_444, %and3A_446 : vector<16xi32>
      %swap3A_448 = arith.constant 48 : index
      %swap3A_449 = tpu.vector_load %arg7[%swap3A_448] {strides = array<i32>} : memref<80xi32, #tpu.memory_space<vmem>>, vector<16xi32>,
      %swap3A_450 = vector.shape_cast %swap3A_449 : vector<16xi32> to vector<16xi32>
      %swap3A_451 = vector.shape_cast %and3A_447 : vector<16xi32> to vector<16xi32>
      tpu.vector_store %arg7[%swap3A_448], %swap3A_451 {strides = array<i32>} : memref<80xi32, #tpu.memory_space<vmem>>, vector<16xi32>,
      %mul3A_452 = arith.constant 80 : i32
      %mul3A_453 = arith.muli %mul3A_452, %add3A_395 : i32
      %add3A_454 = arith.constant 64 : i32
      %add3A_455 = arith.addi %mul3A_453, %add3A_454 : i32
      %get3A_456 = arith.index_cast %add3A_455 : i32 to index
      %get3A_457 = tpu.vector_load %arg6[%get3A_456] {strides = array<i32>} : memref<10000xi32, #tpu.memory_space<vmem>>, vector<16xi32>,
      %get3A_458 = vector.shape_cast %get3A_457 : vector<16xi32> to vector<16xi32>
      %and3A_459 = arith.constant 65535 : i32
      %and3A_460 = vector.broadcast %and3A_459 : i32 to vector<16xi32>
      %and3A_461 = arith.andi %get3A_458, %and3A_460 : vector<16xi32>
      %swap3A_462 = arith.constant 64 : index
      %swap3A_463 = tpu.vector_load %arg7[%swap3A_462] {strides = array<i32>} : memref<80xi32, #tpu.memory_space<vmem>>, vector<16xi32>,
      %swap3A_464 = vector.shape_cast %swap3A_463 : vector<16xi32> to vector<16xi32>
      %swap3A_465 = vector.shape_cast %and3A_461 : vector<16xi32> to vector<16xi32>
      tpu.vector_store %arg7[%swap3A_462], %swap3A_465 {strides = array<i32>} : memref<80xi32, #tpu.memory_space<vmem>>, vector<16xi32>,
      %dma_start3A_466 = arith.constant 0 : i32
      %dma_start3A_467 = arith.constant 0 : i32
      %dma_start3A_468 = tpu.memref_slice %arg3[%dma_start3A_466, %dma_start3A_467] : memref<10000x128xf32, #tpu.memory_space<hbm>> -> memref<10000x128xf32, #tpu.memory_space<hbm>>
      tpu.enqueue_indirect_dma source(%dma_start3A_468 : memref<10000x128xf32, #tpu.memory_space<hbm>>) target(%arg11 : memref<80x128xf32, #tpu.memory_space<vmem>>) offsets(%arg7 : memref<80xi32, #tpu.memory_space<vmem>>) semaphore(%arg15 : memref<!tpu.dma_semaphore, #tpu.memory_space<semaphore_mem>>)
      %mul3A_469 = arith.constant 80 : i32
      %mul3A_470 = arith.muli %mul3A_469, %add3A_390 : i32
      %add3A_471 = arith.constant 0 : i32
      %add3A_472 = arith.addi %mul3A_470, %add3A_471 : i32
      %get3A_473 = arith.index_cast %add3A_472 : i32 to index
      %get3A_474 = tpu.vector_load %arg6[%get3A_473] {strides = array<i32>} : memref<10000xi32, #tpu.memory_space<vmem>>, vector<16xi32>,
      %get3A_475 = vector.shape_cast %get3A_474 : vector<16xi32> to vector<16xi32>
      %shift_right_logical3A_476 = arith.constant 16 : i32
      %shift_right_logical3A_477 = vector.broadcast %shift_right_logical3A_476 : i32 to vector<16xi32>
      %shift_right_logical3A_478 = arith.shrui %get3A_475, %shift_right_logical3A_477 : vector<16xi32>
      %swap3A_479 = arith.constant 0 : index
      %swap3A_480 = tpu.vector_load %arg10[%swap3A_479] {strides = array<i32>} : memref<80xi32, #tpu.memory_space<vmem>>, vector<16xi32>,
      %swap3A_481 = vector.shape_cast %swap3A_480 : vector<16xi32> to vector<16xi32>
      %swap3A_482 = vector.shape_cast %shift_right_logical3A_478 : vector<16xi32> to vector<16xi32>
      tpu.vector_store %arg10[%swap3A_479], %swap3A_482 {strides = array<i32>} : memref<80xi32, #tpu.memory_space<vmem>>, vector<16xi32>,
      %mul3A_483 = arith.constant 80 : i32
      %mul3A_484 = arith.muli %mul3A_483, %add3A_390 : i32
      %add3A_485 = arith.constant 16 : i32
      %add3A_486 = arith.addi %mul3A_484, %add3A_485 : i32
      %get3A_487 = arith.index_cast %add3A_486 : i32 to index
      %get3A_488 = tpu.vector_load %arg6[%get3A_487] {strides = array<i32>} : memref<10000xi32, #tpu.memory_space<vmem>>, vector<16xi32>,
      %get3A_489 = vector.shape_cast %get3A_488 : vector<16xi32> to vector<16xi32>
      %shift_right_logical3A_490 = arith.constant 16 : i32
      %shift_right_logical3A_491 = vector.broadcast %shift_right_logical3A_490 : i32 to vector<16xi32>
      %shift_right_logical3A_492 = arith.shrui %get3A_489, %shift_right_logical3A_491 : vector<16xi32>
      %swap3A_493 = arith.constant 16 : index
      %swap3A_494 = tpu.vector_load %arg10[%swap3A_493] {strides = array<i32>} : memref<80xi32, #tpu.memory_space<vmem>>, vector<16xi32>,
      %swap3A_495 = vector.shape_cast %swap3A_494 : vector<16xi32> to vector<16xi32>
      %swap3A_496 = vector.shape_cast %shift_right_logical3A_492 : vector<16xi32> to vector<16xi32>
      tpu.vector_store %arg10[%swap3A_493], %swap3A_496 {strides = array<i32>} : memref<80xi32, #tpu.memory_space<vmem>>, vector<16xi32>,
      %mul3A_497 = arith.constant 80 : i32
      %mul3A_498 = arith.muli %mul3A_497, %add3A_390 : i32
      %add3A_499 = arith.constant 32 : i32
      %add3A_500 = arith.addi %mul3A_498, %add3A_499 : i32
      %get3A_501 = arith.index_cast %add3A_500 : i32 to index
      %get3A_502 = tpu.vector_load %arg6[%get3A_501] {strides = array<i32>} : memref<10000xi32, #tpu.memory_space<vmem>>, vector<16xi32>,
      %get3A_503 = vector.shape_cast %get3A_502 : vector<16xi32> to vector<16xi32>
      %shift_right_logical3A_504 = arith.constant 16 : i32
      %shift_right_logical3A_505 = vector.broadcast %shift_right_logical3A_504 : i32 to vector<16xi32>
      %shift_right_logical3A_506 = arith.shrui %get3A_503, %shift_right_logical3A_505 : vector<16xi32>
      %swap3A_507 = arith.constant 32 : index
      %swap3A_508 = tpu.vector_load %arg10[%swap3A_507] {strides = array<i32>} : memref<80xi32, #tpu.memory_space<vmem>>, vector<16xi32>,
      %swap3A_509 = vector.shape_cast %swap3A_508 : vector<16xi32> to vector<16xi32>
      %swap3A_510 = vector.shape_cast %shift_right_logical3A_506 : vector<16xi32> to vector<16xi32>
      tpu.vector_store %arg10[%swap3A_507], %swap3A_510 {strides = array<i32>} : memref<80xi32, #tpu.memory_space<vmem>>, vector<16xi32>,
      %mul3A_511 = arith.constant 80 : i32
      %mul3A_512 = arith.muli %mul3A_511, %add3A_390 : i32
      %add3A_513 = arith.constant 48 : i32
      %add3A_514 = arith.addi %mul3A_512, %add3A_513 : i32
      %get3A_515 = arith.index_cast %add3A_514 : i32 to index
      %get3A_516 = tpu.vector_load %arg6[%get3A_515] {strides = array<i32>} : memref<10000xi32, #tpu.memory_space<vmem>>, vector<16xi32>,
      %get3A_517 = vector.shape_cast %get3A_516 : vector<16xi32> to vector<16xi32>
      %shift_right_logical3A_518 = arith.constant 16 : i32
      %shift_right_logical3A_519 = vector.broadcast %shift_right_logical3A_518 : i32 to vector<16xi32>
      %shift_right_logical3A_520 = arith.shrui %get3A_517, %shift_right_logical3A_519 : vector<16xi32>
      %swap3A_521 = arith.constant 48 : index
      %swap3A_522 = tpu.vector_load %arg10[%swap3A_521] {strides = array<i32>} : memref<80xi32, #tpu.memory_space<vmem>>, vector<16xi32>,
      %swap3A_523 = vector.shape_cast %swap3A_522 : vector<16xi32> to vector<16xi32>
      %swap3A_524 = vector.shape_cast %shift_right_logical3A_520 : vector<16xi32> to vector<16xi32>
      tpu.vector_store %arg10[%swap3A_521], %swap3A_524 {strides = array<i32>} : memref<80xi32, #tpu.memory_space<vmem>>, vector<16xi32>,
      %mul3A_525 = arith.constant 80 : i32
      %mul3A_526 = arith.muli %mul3A_525, %add3A_390 : i32
      %add3A_527 = arith.constant 64 : i32
      %add3A_528 = arith.addi %mul3A_526, %add3A_527 : i32
      %get3A_529 = arith.index_cast %add3A_528 : i32 to index
      %get3A_530 = tpu.vector_load %arg6[%get3A_529] {strides = array<i32>} : memref<10000xi32, #tpu.memory_space<vmem>>, vector<16xi32>,
      %get3A_531 = vector.shape_cast %get3A_530 : vector<16xi32> to vector<16xi32>
      %shift_right_logical3A_532 = arith.constant 16 : i32
      %shift_right_logical3A_533 = vector.broadcast %shift_right_logical3A_532 : i32 to vector<16xi32>
      %shift_right_logical3A_534 = arith.shrui %get3A_531, %shift_right_logical3A_533 : vector<16xi32>
      %swap3A_535 = arith.constant 64 : index
      %swap3A_536 = tpu.vector_load %arg10[%swap3A_535] {strides = array<i32>} : memref<80xi32, #tpu.memory_space<vmem>>, vector<16xi32>,
      %swap3A_537 = vector.shape_cast %swap3A_536 : vector<16xi32> to vector<16xi32>
      %swap3A_538 = vector.shape_cast %shift_right_logical3A_534 : vector<16xi32> to vector<16xi32>
      tpu.vector_store %arg10[%swap3A_535], %swap3A_538 {strides = array<i32>} : memref<80xi32, #tpu.memory_space<vmem>>, vector<16xi32>,
      "tpu.region"() ({
        %run_scoped3A = tpu.sem_alloc : memref<!tpu.dma_semaphore, #tpu.memory_space<semaphore_mem>>
        %dma_start3A_691 = arith.constant 0 : i32
        %dma_start3A_692 = arith.constant 0 : i32
        %dma_start3A_693 = tpu.memref_slice %arg14[%dma_start3A_691, %dma_start3A_692] : memref<10112x128xf32, #tpu.memory_space<vmem_shared>> -> memref<10112x128xf32, #tpu.memory_space<vmem_shared>>
        tpu.enqueue_indirect_dma source(%arg12 : memref<80x128xf32, #tpu.memory_space<vmem>>) target(%dma_start3A_693 : memref<10112x128xf32, #tpu.memory_space<vmem_shared>>) offsets(%arg10 : memref<80xi32, #tpu.memory_space<vmem>>) semaphore(%run_scoped3A : memref<!tpu.dma_semaphore, #tpu.memory_space<semaphore_mem>>) {add = true}
        %dma_wait3A_694 = arith.constant 0 : i32
        %dma_wait3A_695 = arith.constant 0 : i32
        %dma_wait3A_696 = tpu.memref_slice %arg14[%dma_wait3A_694, %dma_wait3A_695] : memref<10112x128xf32, #tpu.memory_space<vmem_shared>> -> memref<10112x128xf32, #tpu.memory_space<vmem_shared>>
        tpu.wait_indirect_dma semaphore(%run_scoped3A : memref<!tpu.dma_semaphore, #tpu.memory_space<semaphore_mem>>) src(%arg12 : memref<80x128xf32, #tpu.memory_space<vmem>>) dst(%dma_wait3A_696 : memref<10112x128xf32, #tpu.memory_space<vmem_shared>>)
        tpu.yield
      }) : () -> ()
      %mul3A_539 = arith.constant 3 : i32
      %mul3A_540 = arith.muli %mul3A_539, %scan3A_234 : i32
      %add3A_541 = arith.constant 2 : i32
      %add3A_542 = arith.addi %mul3A_540, %add3A_541 : i32
      %dma_wait3A_543 = arith.constant 0 : i32
      %dma_wait3A_544 = arith.constant 0 : i32
      %dma_wait3A_545 = tpu.memref_slice %arg3[%dma_wait3A_543, %dma_wait3A_544] : memref<10000x128xf32, #tpu.memory_space<hbm>> -> memref<10000x128xf32, #tpu.memory_space<hbm>>
      tpu.wait_indirect_dma semaphore(%arg17 : memref<!tpu.dma_semaphore, #tpu.memory_space<semaphore_mem>>) src(%dma_wait3A_545 : memref<10000x128xf32, #tpu.memory_space<hbm>>) dst(%arg13 : memref<80x128xf32, #tpu.memory_space<vmem>>)
      %add3A_546 = arith.constant 2 : i32
      %add3A_547 = arith.addi %add3A_542, %add3A_546 : i32
      %mul3A_548 = arith.constant 80 : i32
      %mul3A_549 = arith.muli %mul3A_548, %add3A_547 : i32
      %add3A_550 = arith.constant 0 : i32
      %add3A_551 = arith.addi %mul3A_549, %add3A_550 : i32
      %get3A_552 = arith.index_cast %add3A_551 : i32 to index
      %get3A_553 = tpu.vector_load %arg6[%get3A_552] {strides = array<i32>} : memref<10000xi32, #tpu.memory_space<vmem>>, vector<16xi32>,
      %get3A_554 = vector.shape_cast %get3A_553 : vector<16xi32> to vector<16xi32>
      %and3A_555 = arith.constant 65535 : i32
      %and3A_556 = vector.broadcast %and3A_555 : i32 to vector<16xi32>
      %and3A_557 = arith.andi %get3A_554, %and3A_556 : vector<16xi32>
      %swap3A_558 = arith.constant 0 : index
      %swap3A_559 = tpu.vector_load %arg8[%swap3A_558] {strides = array<i32>} : memref<80xi32, #tpu.memory_space<vmem>>, vector<16xi32>,
      %swap3A_560 = vector.shape_cast %swap3A_559 : vector<16xi32> to vector<16xi32>
      %swap3A_561 = vector.shape_cast %and3A_557 : vector<16xi32> to vector<16xi32>
      tpu.vector_store %arg8[%swap3A_558], %swap3A_561 {strides = array<i32>} : memref<80xi32, #tpu.memory_space<vmem>>, vector<16xi32>,
      %mul3A_562 = arith.constant 80 : i32
      %mul3A_563 = arith.muli %mul3A_562, %add3A_547 : i32
      %add3A_564 = arith.constant 16 : i32
      %add3A_565 = arith.addi %mul3A_563, %add3A_564 : i32
      %get3A_566 = arith.index_cast %add3A_565 : i32 to index
      %get3A_567 = tpu.vector_load %arg6[%get3A_566] {strides = array<i32>} : memref<10000xi32, #tpu.memory_space<vmem>>, vector<16xi32>,
      %get3A_568 = vector.shape_cast %get3A_567 : vector<16xi32> to vector<16xi32>
      %and3A_569 = arith.constant 65535 : i32
      %and3A_570 = vector.broadcast %and3A_569 : i32 to vector<16xi32>
      %and3A_571 = arith.andi %get3A_568, %and3A_570 : vector<16xi32>
      %swap3A_572 = arith.constant 16 : index
      %swap3A_573 = tpu.vector_load %arg8[%swap3A_572] {strides = array<i32>} : memref<80xi32, #tpu.memory_space<vmem>>, vector<16xi32>,
      %swap3A_574 = vector.shape_cast %swap3A_573 : vector<16xi32> to vector<16xi32>
      %swap3A_575 = vector.shape_cast %and3A_571 : vector<16xi32> to vector<16xi32>
      tpu.vector_store %arg8[%swap3A_572], %swap3A_575 {strides = array<i32>} : memref<80xi32, #tpu.memory_space<vmem>>, vector<16xi32>,
      %mul3A_576 = arith.constant 80 : i32
      %mul3A_577 = arith.muli %mul3A_576, %add3A_547 : i32
      %add3A_578 = arith.constant 32 : i32
      %add3A_579 = arith.addi %mul3A_577, %add3A_578 : i32
      %get3A_580 = arith.index_cast %add3A_579 : i32 to index
      %get3A_581 = tpu.vector_load %arg6[%get3A_580] {strides = array<i32>} : memref<10000xi32, #tpu.memory_space<vmem>>, vector<16xi32>,
      %get3A_582 = vector.shape_cast %get3A_581 : vector<16xi32> to vector<16xi32>
      %and3A_583 = arith.constant 65535 : i32
      %and3A_584 = vector.broadcast %and3A_583 : i32 to vector<16xi32>
      %and3A_585 = arith.andi %get3A_582, %and3A_584 : vector<16xi32>
      %swap3A_586 = arith.constant 32 : index
      %swap3A_587 = tpu.vector_load %arg8[%swap3A_586] {strides = array<i32>} : memref<80xi32, #tpu.memory_space<vmem>>, vector<16xi32>,
      %swap3A_588 = vector.shape_cast %swap3A_587 : vector<16xi32> to vector<16xi32>
      %swap3A_589 = vector.shape_cast %and3A_585 : vector<16xi32> to vector<16xi32>
      tpu.vector_store %arg8[%swap3A_586], %swap3A_589 {strides = array<i32>} : memref<80xi32, #tpu.memory_space<vmem>>, vector<16xi32>,
      %mul3A_590 = arith.constant 80 : i32
      %mul3A_591 = arith.muli %mul3A_590, %add3A_547 : i32
      %add3A_592 = arith.constant 48 : i32
      %add3A_593 = arith.addi %mul3A_591, %add3A_592 : i32
      %get3A_594 = arith.index_cast %add3A_593 : i32 to index
      %get3A_595 = tpu.vector_load %arg6[%get3A_594] {strides = array<i32>} : memref<10000xi32, #tpu.memory_space<vmem>>, vector<16xi32>,
      %get3A_596 = vector.shape_cast %get3A_595 : vector<16xi32> to vector<16xi32>
      %and3A_597 = arith.constant 65535 : i32
      %and3A_598 = vector.broadcast %and3A_597 : i32 to vector<16xi32>
      %and3A_599 = arith.andi %get3A_596, %and3A_598 : vector<16xi32>
      %swap3A_600 = arith.constant 48 : index
      %swap3A_601 = tpu.vector_load %arg8[%swap3A_600] {strides = array<i32>} : memref<80xi32, #tpu.memory_space<vmem>>, vector<16xi32>,
      %swap3A_602 = vector.shape_cast %swap3A_601 : vector<16xi32> to vector<16xi32>
      %swap3A_603 = vector.shape_cast %and3A_599 : vector<16xi32> to vector<16xi32>
      tpu.vector_store %arg8[%swap3A_600], %swap3A_603 {strides = array<i32>} : memref<80xi32, #tpu.memory_space<vmem>>, vector<16xi32>,
      %mul3A_604 = arith.constant 80 : i32
      %mul3A_605 = arith.muli %mul3A_604, %add3A_547 : i32
      %add3A_606 = arith.constant 64 : i32
      %add3A_607 = arith.addi %mul3A_605, %add3A_606 : i32
      %get3A_608 = arith.index_cast %add3A_607 : i32 to index
      %get3A_609 = tpu.vector_load %arg6[%get3A_608] {strides = array<i32>} : memref<10000xi32, #tpu.memory_space<vmem>>, vector<16xi32>,
      %get3A_610 = vector.shape_cast %get3A_609 : vector<16xi32> to vector<16xi32>
      %and3A_611 = arith.constant 65535 : i32
      %and3A_612 = vector.broadcast %and3A_611 : i32 to vector<16xi32>
      %and3A_613 = arith.andi %get3A_610, %and3A_612 : vector<16xi32>
      %swap3A_614 = arith.constant 64 : index
      %swap3A_615 = tpu.vector_load %arg8[%swap3A_614] {strides = array<i32>} : memref<80xi32, #tpu.memory_space<vmem>>, vector<16xi32>,
      %swap3A_616 = vector.shape_cast %swap3A_615 : vector<16xi32> to vector<16xi32>
      %swap3A_617 = vector.shape_cast %and3A_613 : vector<16xi32> to vector<16xi32>
      tpu.vector_store %arg8[%swap3A_614], %swap3A_617 {strides = array<i32>} : memref<80xi32, #tpu.memory_space<vmem>>, vector<16xi32>,
      %dma_start3A_618 = arith.constant 0 : i32
      %dma_start3A_619 = arith.constant 0 : i32
      %dma_start3A_620 = tpu.memref_slice %arg3[%dma_start3A_618, %dma_start3A_619] : memref<10000x128xf32, #tpu.memory_space<hbm>> -> memref<10000x128xf32, #tpu.memory_space<hbm>>
      tpu.enqueue_indirect_dma source(%dma_start3A_620 : memref<10000x128xf32, #tpu.memory_space<hbm>>) target(%arg12 : memref<80x128xf32, #tpu.memory_space<vmem>>) offsets(%arg8 : memref<80xi32, #tpu.memory_space<vmem>>) semaphore(%arg16 : memref<!tpu.dma_semaphore, #tpu.memory_space<semaphore_mem>>)
      %mul3A_621 = arith.constant 80 : i32
      %mul3A_622 = arith.muli %mul3A_621, %add3A_542 : i32
      %add3A_623 = arith.constant 0 : i32
      %add3A_624 = arith.addi %mul3A_622, %add3A_623 : i32
      %get3A_625 = arith.index_cast %add3A_624 : i32 to index
      %get3A_626 = tpu.vector_load %arg6[%get3A_625] {strides = array<i32>} : memref<10000xi32, #tpu.memory_space<vmem>>, vector<16xi32>,
      %get3A_627 = vector.shape_cast %get3A_626 : vector<16xi32> to vector<16xi32>
      %shift_right_logical3A_628 = arith.constant 16 : i32
      %shift_right_logical3A_629 = vector.broadcast %shift_right_logical3A_628 : i32 to vector<16xi32>
      %shift_right_logical3A_630 = arith.shrui %get3A_627, %shift_right_logical3A_629 : vector<16xi32>
      %swap3A_631 = arith.constant 0 : index
      %swap3A_632 = tpu.vector_load %arg10[%swap3A_631] {strides = array<i32>} : memref<80xi32, #tpu.memory_space<vmem>>, vector<16xi32>,
      %swap3A_633 = vector.shape_cast %swap3A_632 : vector<16xi32> to vector<16xi32>
      %swap3A_634 = vector.shape_cast %shift_right_logical3A_630 : vector<16xi32> to vector<16xi32>
      tpu.vector_store %arg10[%swap3A_631], %swap3A_634 {strides = array<i32>} : memref<80xi32, #tpu.memory_space<vmem>>, vector<16xi32>,
      %mul3A_635 = arith.constant 80 : i32
      %mul3A_636 = arith.muli %mul3A_635, %add3A_542 : i32
      %add3A_637 = arith.constant 16 : i32
      %add3A_638 = arith.addi %mul3A_636, %add3A_637 : i32
      %get3A_639 = arith.index_cast %add3A_638 : i32 to index
      %get3A_640 = tpu.vector_load %arg6[%get3A_639] {strides = array<i32>} : memref<10000xi32, #tpu.memory_space<vmem>>, vector<16xi32>,
      %get3A_641 = vector.shape_cast %get3A_640 : vector<16xi32> to vector<16xi32>
      %shift_right_logical3A_642 = arith.constant 16 : i32
      %shift_right_logical3A_643 = vector.broadcast %shift_right_logical3A_642 : i32 to vector<16xi32>
      %shift_right_logical3A_644 = arith.shrui %get3A_641, %shift_right_logical3A_643 : vector<16xi32>
      %swap3A_645 = arith.constant 16 : index
      %swap3A_646 = tpu.vector_load %arg10[%swap3A_645] {strides = array<i32>} : memref<80xi32, #tpu.memory_space<vmem>>, vector<16xi32>,
      %swap3A_647 = vector.shape_cast %swap3A_646 : vector<16xi32> to vector<16xi32>
      %swap3A_648 = vector.shape_cast %shift_right_logical3A_644 : vector<16xi32> to vector<16xi32>
      tpu.vector_store %arg10[%swap3A_645], %swap3A_648 {strides = array<i32>} : memref<80xi32, #tpu.memory_space<vmem>>, vector<16xi32>,
      %mul3A_649 = arith.constant 80 : i32
      %mul3A_650 = arith.muli %mul3A_649, %add3A_542 : i32
      %add3A_651 = arith.constant 32 : i32
      %add3A_652 = arith.addi %mul3A_650, %add3A_651 : i32
      %get3A_653 = arith.index_cast %add3A_652 : i32 to index
      %get3A_654 = tpu.vector_load %arg6[%get3A_653] {strides = array<i32>} : memref<10000xi32, #tpu.memory_space<vmem>>, vector<16xi32>,
      %get3A_655 = vector.shape_cast %get3A_654 : vector<16xi32> to vector<16xi32>
      %shift_right_logical3A_656 = arith.constant 16 : i32
      %shift_right_logical3A_657 = vector.broadcast %shift_right_logical3A_656 : i32 to vector<16xi32>
      %shift_right_logical3A_658 = arith.shrui %get3A_655, %shift_right_logical3A_657 : vector<16xi32>
      %swap3A_659 = arith.constant 32 : index
      %swap3A_660 = tpu.vector_load %arg10[%swap3A_659] {strides = array<i32>} : memref<80xi32, #tpu.memory_space<vmem>>, vector<16xi32>,
      %swap3A_661 = vector.shape_cast %swap3A_660 : vector<16xi32> to vector<16xi32>
      %swap3A_662 = vector.shape_cast %shift_right_logical3A_658 : vector<16xi32> to vector<16xi32>
      tpu.vector_store %arg10[%swap3A_659], %swap3A_662 {strides = array<i32>} : memref<80xi32, #tpu.memory_space<vmem>>, vector<16xi32>,
      %mul3A_663 = arith.constant 80 : i32
      %mul3A_664 = arith.muli %mul3A_663, %add3A_542 : i32
      %add3A_665 = arith.constant 48 : i32
      %add3A_666 = arith.addi %mul3A_664, %add3A_665 : i32
      %get3A_667 = arith.index_cast %add3A_666 : i32 to index
      %get3A_668 = tpu.vector_load %arg6[%get3A_667] {strides = array<i32>} : memref<10000xi32, #tpu.memory_space<vmem>>, vector<16xi32>,
      %get3A_669 = vector.shape_cast %get3A_668 : vector<16xi32> to vector<16xi32>
      %shift_right_logical3A_670 = arith.constant 16 : i32
      %shift_right_logical3A_671 = vector.broadcast %shift_right_logical3A_670 : i32 to vector<16xi32>
      %shift_right_logical3A_672 = arith.shrui %get3A_669, %shift_right_logical3A_671 : vector<16xi32>
      %swap3A_673 = arith.constant 48 : index
      %swap3A_674 = tpu.vector_load %arg10[%swap3A_673] {strides = array<i32>} : memref<80xi32, #tpu.memory_space<vmem>>, vector<16xi32>,
      %swap3A_675 = vector.shape_cast %swap3A_674 : vector<16xi32> to vector<16xi32>
      %swap3A_676 = vector.shape_cast %shift_right_logical3A_672 : vector<16xi32> to vector<16xi32>
      tpu.vector_store %arg10[%swap3A_673], %swap3A_676 {strides = array<i32>} : memref<80xi32, #tpu.memory_space<vmem>>, vector<16xi32>,
      %mul3A_677 = arith.constant 80 : i32
      %mul3A_678 = arith.muli %mul3A_677, %add3A_542 : i32
      %add3A_679 = arith.constant 64 : i32
      %add3A_680 = arith.addi %mul3A_678, %add3A_679 : i32
      %get3A_681 = arith.index_cast %add3A_680 : i32 to index
      %get3A_682 = tpu.vector_load %arg6[%get3A_681] {strides = array<i32>} : memref<10000xi32, #tpu.memory_space<vmem>>, vector<16xi32>,
      %get3A_683 = vector.shape_cast %get3A_682 : vector<16xi32> to vector<16xi32>
      %shift_right_logical3A_684 = arith.constant 16 : i32
      %shift_right_logical3A_685 = vector.broadcast %shift_right_logical3A_684 : i32 to vector<16xi32>
      %shift_right_logical3A_686 = arith.shrui %get3A_683, %shift_right_logical3A_685 : vector<16xi32>
      %swap3A_687 = arith.constant 64 : index
      %swap3A_688 = tpu.vector_load %arg10[%swap3A_687] {strides = array<i32>} : memref<80xi32, #tpu.memory_space<vmem>>, vector<16xi32>,
      %swap3A_689 = vector.shape_cast %swap3A_688 : vector<16xi32> to vector<16xi32>
      %swap3A_690 = vector.shape_cast %shift_right_logical3A_686 : vector<16xi32> to vector<16xi32>
      tpu.vector_store %arg10[%swap3A_687], %swap3A_690 {strides = array<i32>} : memref<80xi32, #tpu.memory_space<vmem>>, vector<16xi32>,
      "tpu.region"() ({
        %run_scoped3A = tpu.sem_alloc : memref<!tpu.dma_semaphore, #tpu.memory_space<semaphore_mem>>
        %dma_start3A_691 = arith.constant 0 : i32
        %dma_start3A_692 = arith.constant 0 : i32
        %dma_start3A_693 = tpu.memref_slice %arg14[%dma_start3A_691, %dma_start3A_692] : memref<10112x128xf32, #tpu.memory_space<vmem_shared>> -> memref<10112x128xf32, #tpu.memory_space<vmem_shared>>
        tpu.enqueue_indirect_dma source(%arg13 : memref<80x128xf32, #tpu.memory_space<vmem>>) target(%dma_start3A_693 : memref<10112x128xf32, #tpu.memory_space<vmem_shared>>) offsets(%arg10 : memref<80xi32, #tpu.memory_space<vmem>>) semaphore(%run_scoped3A : memref<!tpu.dma_semaphore, #tpu.memory_space<semaphore_mem>>) {add = true}
        %dma_wait3A_694 = arith.constant 0 : i32
        %dma_wait3A_695 = arith.constant 0 : i32
        %dma_wait3A_696 = tpu.memref_slice %arg14[%dma_wait3A_694, %dma_wait3A_695] : memref<10112x128xf32, #tpu.memory_space<vmem_shared>> -> memref<10112x128xf32, #tpu.memory_space<vmem_shared>>
        tpu.wait_indirect_dma semaphore(%run_scoped3A : memref<!tpu.dma_semaphore, #tpu.memory_space<semaphore_mem>>) src(%arg13 : memref<80x128xf32, #tpu.memory_space<vmem>>) dst(%dma_wait3A_696 : memref<10112x128xf32, #tpu.memory_space<vmem_shared>>)
        tpu.yield
      }) : () -> ()
    }
    %scan3A_128 = arith.constant 41 : i32
    %dma_wait3A = arith.constant 0 : i32
    %dma_wait3A_129 = arith.constant 0 : i32
    %dma_wait3A_130 = tpu.memref_slice %arg3[%dma_wait3A, %dma_wait3A_129] : memref<10000x128xf32, #tpu.memory_space<hbm>> -> memref<10000x128xf32, #tpu.memory_space<hbm>>
    tpu.wait_indirect_dma semaphore(%arg15 : memref<!tpu.dma_semaphore, #tpu.memory_space<semaphore_mem>>) src(%dma_wait3A_130 : memref<10000x128xf32, #tpu.memory_space<hbm>>) dst(%arg11 : memref<80x128xf32, #tpu.memory_space<vmem>>)
    %get3A_131 = arith.constant 9840 : index
    %get3A_132 = tpu.vector_load %arg6[%get3A_131] {strides = array<i32>} : memref<10000xi32, #tpu.memory_space<vmem>>, vector<16xi32>,
    %get3A_133 = vector.shape_cast %get3A_132 : vector<16xi32> to vector<16xi32>
    %shift_right_logical3A = arith.constant 16 : i32
    %shift_right_logical3A_134 = vector.broadcast %shift_right_logical3A : i32 to vector<16xi32>
    %shift_right_logical3A_135 = arith.shrui %get3A_133, %shift_right_logical3A_134 : vector<16xi32>
    %swap3A_136 = arith.constant 0 : index
    %swap3A_137 = tpu.vector_load %arg10[%swap3A_136] {strides = array<i32>} : memref<80xi32, #tpu.memory_space<vmem>>, vector<16xi32>,
    %swap3A_138 = vector.shape_cast %swap3A_137 : vector<16xi32> to vector<16xi32>
    %swap3A_139 = vector.shape_cast %shift_right_logical3A_135 : vector<16xi32> to vector<16xi32>
    tpu.vector_store %arg10[%swap3A_136], %swap3A_139 {strides = array<i32>} : memref<80xi32, #tpu.memory_space<vmem>>, vector<16xi32>,
    %get3A_140 = arith.constant 9856 : index
    %get3A_141 = tpu.vector_load %arg6[%get3A_140] {strides = array<i32>} : memref<10000xi32, #tpu.memory_space<vmem>>, vector<16xi32>,
    %get3A_142 = vector.shape_cast %get3A_141 : vector<16xi32> to vector<16xi32>
    %shift_right_logical3A_143 = arith.constant 16 : i32
    %shift_right_logical3A_144 = vector.broadcast %shift_right_logical3A_143 : i32 to vector<16xi32>
    %shift_right_logical3A_145 = arith.shrui %get3A_142, %shift_right_logical3A_144 : vector<16xi32>
    %swap3A_146 = arith.constant 16 : index
    %swap3A_147 = tpu.vector_load %arg10[%swap3A_146] {strides = array<i32>} : memref<80xi32, #tpu.memory_space<vmem>>, vector<16xi32>,
    %swap3A_148 = vector.shape_cast %swap3A_147 : vector<16xi32> to vector<16xi32>
    %swap3A_149 = vector.shape_cast %shift_right_logical3A_145 : vector<16xi32> to vector<16xi32>
    tpu.vector_store %arg10[%swap3A_146], %swap3A_149 {strides = array<i32>} : memref<80xi32, #tpu.memory_space<vmem>>, vector<16xi32>,
    %get3A_150 = arith.constant 9872 : index
    %get3A_151 = tpu.vector_load %arg6[%get3A_150] {strides = array<i32>} : memref<10000xi32, #tpu.memory_space<vmem>>, vector<16xi32>,
    %get3A_152 = vector.shape_cast %get3A_151 : vector<16xi32> to vector<16xi32>
    %shift_right_logical3A_153 = arith.constant 16 : i32
    %shift_right_logical3A_154 = vector.broadcast %shift_right_logical3A_153 : i32 to vector<16xi32>
    %shift_right_logical3A_155 = arith.shrui %get3A_152, %shift_right_logical3A_154 : vector<16xi32>
    %swap3A_156 = arith.constant 32 : index
    %swap3A_157 = tpu.vector_load %arg10[%swap3A_156] {strides = array<i32>} : memref<80xi32, #tpu.memory_space<vmem>>, vector<16xi32>,
    %swap3A_158 = vector.shape_cast %swap3A_157 : vector<16xi32> to vector<16xi32>
    %swap3A_159 = vector.shape_cast %shift_right_logical3A_155 : vector<16xi32> to vector<16xi32>
    tpu.vector_store %arg10[%swap3A_156], %swap3A_159 {strides = array<i32>} : memref<80xi32, #tpu.memory_space<vmem>>, vector<16xi32>,
    %get3A_160 = arith.constant 9888 : index
    %get3A_161 = tpu.vector_load %arg6[%get3A_160] {strides = array<i32>} : memref<10000xi32, #tpu.memory_space<vmem>>, vector<16xi32>,
    %get3A_162 = vector.shape_cast %get3A_161 : vector<16xi32> to vector<16xi32>
    %shift_right_logical3A_163 = arith.constant 16 : i32
    %shift_right_logical3A_164 = vector.broadcast %shift_right_logical3A_163 : i32 to vector<16xi32>
    %shift_right_logical3A_165 = arith.shrui %get3A_162, %shift_right_logical3A_164 : vector<16xi32>
    %swap3A_166 = arith.constant 48 : index
    %swap3A_167 = tpu.vector_load %arg10[%swap3A_166] {strides = array<i32>} : memref<80xi32, #tpu.memory_space<vmem>>, vector<16xi32>,
    %swap3A_168 = vector.shape_cast %swap3A_167 : vector<16xi32> to vector<16xi32>
    %swap3A_169 = vector.shape_cast %shift_right_logical3A_165 : vector<16xi32> to vector<16xi32>
    tpu.vector_store %arg10[%swap3A_166], %swap3A_169 {strides = array<i32>} : memref<80xi32, #tpu.memory_space<vmem>>, vector<16xi32>,
    %get3A_170 = arith.constant 9904 : index
    %get3A_171 = tpu.vector_load %arg6[%get3A_170] {strides = array<i32>} : memref<10000xi32, #tpu.memory_space<vmem>>, vector<16xi32>,
    %get3A_172 = vector.shape_cast %get3A_171 : vector<16xi32> to vector<16xi32>
    %shift_right_logical3A_173 = arith.constant 16 : i32
    %shift_right_logical3A_174 = vector.broadcast %shift_right_logical3A_173 : i32 to vector<16xi32>
    %shift_right_logical3A_175 = arith.shrui %get3A_172, %shift_right_logical3A_174 : vector<16xi32>
    %swap3A_176 = arith.constant 64 : index
    %swap3A_177 = tpu.vector_load %arg10[%swap3A_176] {strides = array<i32>} : memref<80xi32, #tpu.memory_space<vmem>>, vector<16xi32>,
    %swap3A_178 = vector.shape_cast %swap3A_177 : vector<16xi32> to vector<16xi32>
    %swap3A_179 = vector.shape_cast %shift_right_logical3A_175 : vector<16xi32> to vector<16xi32>
    tpu.vector_store %arg10[%swap3A_176], %swap3A_179 {strides = array<i32>} : memref<80xi32, #tpu.memory_space<vmem>>, vector<16xi32>,
    "tpu.region"() ({
      %run_scoped3A = tpu.sem_alloc : memref<!tpu.dma_semaphore, #tpu.memory_space<semaphore_mem>>
      %dma_start3A_234 = arith.constant 0 : i32
      %dma_start3A_235 = arith.constant 0 : i32
      %dma_start3A_236 = tpu.memref_slice %arg14[%dma_start3A_234, %dma_start3A_235] : memref<10112x128xf32, #tpu.memory_space<vmem_shared>> -> memref<10112x128xf32, #tpu.memory_space<vmem_shared>>
      tpu.enqueue_indirect_dma source(%arg11 : memref<80x128xf32, #tpu.memory_space<vmem>>) target(%dma_start3A_236 : memref<10112x128xf32, #tpu.memory_space<vmem_shared>>) offsets(%arg10 : memref<80xi32, #tpu.memory_space<vmem>>) semaphore(%run_scoped3A : memref<!tpu.dma_semaphore, #tpu.memory_space<semaphore_mem>>) {add = true}
      %dma_wait3A_237 = arith.constant 0 : i32
      %dma_wait3A_238 = arith.constant 0 : i32
      %dma_wait3A_239 = tpu.memref_slice %arg14[%dma_wait3A_237, %dma_wait3A_238] : memref<10112x128xf32, #tpu.memory_space<vmem_shared>> -> memref<10112x128xf32, #tpu.memory_space<vmem_shared>>
      tpu.wait_indirect_dma semaphore(%run_scoped3A : memref<!tpu.dma_semaphore, #tpu.memory_space<semaphore_mem>>) src(%arg11 : memref<80x128xf32, #tpu.memory_space<vmem>>) dst(%dma_wait3A_239 : memref<10112x128xf32, #tpu.memory_space<vmem_shared>>)
      tpu.yield
    }) : () -> ()
    %dma_wait3A_180 = arith.constant 0 : i32
    %dma_wait3A_181 = arith.constant 0 : i32
    %dma_wait3A_182 = tpu.memref_slice %arg3[%dma_wait3A_180, %dma_wait3A_181] : memref<10000x128xf32, #tpu.memory_space<hbm>> -> memref<10000x128xf32, #tpu.memory_space<hbm>>
    tpu.wait_indirect_dma semaphore(%arg16 : memref<!tpu.dma_semaphore, #tpu.memory_space<semaphore_mem>>) src(%dma_wait3A_182 : memref<10000x128xf32, #tpu.memory_space<hbm>>) dst(%arg12 : memref<80x128xf32, #tpu.memory_space<vmem>>)
    %get3A_183 = arith.constant 9920 : index
    %get3A_184 = tpu.vector_load %arg6[%get3A_183] {strides = array<i32>} : memref<10000xi32, #tpu.memory_space<vmem>>, vector<16xi32>,
    %get3A_185 = vector.shape_cast %get3A_184 : vector<16xi32> to vector<16xi32>
    %shift_right_logical3A_186 = arith.constant 16 : i32
    %shift_right_logical3A_187 = vector.broadcast %shift_right_logical3A_186 : i32 to vector<16xi32>
    %shift_right_logical3A_188 = arith.shrui %get3A_185, %shift_right_logical3A_187 : vector<16xi32>
    %swap3A_189 = arith.constant 0 : index
    %swap3A_190 = tpu.vector_load %arg10[%swap3A_189] {strides = array<i32>} : memref<80xi32, #tpu.memory_space<vmem>>, vector<16xi32>,
    %swap3A_191 = vector.shape_cast %swap3A_190 : vector<16xi32> to vector<16xi32>
    %swap3A_192 = vector.shape_cast %shift_right_logical3A_188 : vector<16xi32> to vector<16xi32>
    tpu.vector_store %arg10[%swap3A_189], %swap3A_192 {strides = array<i32>} : memref<80xi32, #tpu.memory_space<vmem>>, vector<16xi32>,
    %get3A_193 = arith.constant 9936 : index
    %get3A_194 = tpu.vector_load %arg6[%get3A_193] {strides = array<i32>} : memref<10000xi32, #tpu.memory_space<vmem>>, vector<16xi32>,
    %get3A_195 = vector.shape_cast %get3A_194 : vector<16xi32> to vector<16xi32>
    %shift_right_logical3A_196 = arith.constant 16 : i32
    %shift_right_logical3A_197 = vector.broadcast %shift_right_logical3A_196 : i32 to vector<16xi32>
    %shift_right_logical3A_198 = arith.shrui %get3A_195, %shift_right_logical3A_197 : vector<16xi32>
    %swap3A_199 = arith.constant 16 : index
    %swap3A_200 = tpu.vector_load %arg10[%swap3A_199] {strides = array<i32>} : memref<80xi32, #tpu.memory_space<vmem>>, vector<16xi32>,
    %swap3A_201 = vector.shape_cast %swap3A_200 : vector<16xi32> to vector<16xi32>
    %swap3A_202 = vector.shape_cast %shift_right_logical3A_198 : vector<16xi32> to vector<16xi32>
    tpu.vector_store %arg10[%swap3A_199], %swap3A_202 {strides = array<i32>} : memref<80xi32, #tpu.memory_space<vmem>>, vector<16xi32>,
    %get3A_203 = arith.constant 9952 : index
    %get3A_204 = tpu.vector_load %arg6[%get3A_203] {strides = array<i32>} : memref<10000xi32, #tpu.memory_space<vmem>>, vector<16xi32>,
    %get3A_205 = vector.shape_cast %get3A_204 : vector<16xi32> to vector<16xi32>
    %shift_right_logical3A_206 = arith.constant 16 : i32
    %shift_right_logical3A_207 = vector.broadcast %shift_right_logical3A_206 : i32 to vector<16xi32>
    %shift_right_logical3A_208 = arith.shrui %get3A_205, %shift_right_logical3A_207 : vector<16xi32>
    %swap3A_209 = arith.constant 32 : index
    %swap3A_210 = tpu.vector_load %arg10[%swap3A_209] {strides = array<i32>} : memref<80xi32, #tpu.memory_space<vmem>>, vector<16xi32>,
    %swap3A_211 = vector.shape_cast %swap3A_210 : vector<16xi32> to vector<16xi32>
    %swap3A_212 = vector.shape_cast %shift_right_logical3A_208 : vector<16xi32> to vector<16xi32>
    tpu.vector_store %arg10[%swap3A_209], %swap3A_212 {strides = array<i32>} : memref<80xi32, #tpu.memory_space<vmem>>, vector<16xi32>,
    %get3A_213 = arith.constant 9968 : index
    %get3A_214 = tpu.vector_load %arg6[%get3A_213] {strides = array<i32>} : memref<10000xi32, #tpu.memory_space<vmem>>, vector<16xi32>,
    %get3A_215 = vector.shape_cast %get3A_214 : vector<16xi32> to vector<16xi32>
    %shift_right_logical3A_216 = arith.constant 16 : i32
    %shift_right_logical3A_217 = vector.broadcast %shift_right_logical3A_216 : i32 to vector<16xi32>
    %shift_right_logical3A_218 = arith.shrui %get3A_215, %shift_right_logical3A_217 : vector<16xi32>
    %swap3A_219 = arith.constant 48 : index
    %swap3A_220 = tpu.vector_load %arg10[%swap3A_219] {strides = array<i32>} : memref<80xi32, #tpu.memory_space<vmem>>, vector<16xi32>,
    %swap3A_221 = vector.shape_cast %swap3A_220 : vector<16xi32> to vector<16xi32>
    %swap3A_222 = vector.shape_cast %shift_right_logical3A_218 : vector<16xi32> to vector<16xi32>
    tpu.vector_store %arg10[%swap3A_219], %swap3A_222 {strides = array<i32>} : memref<80xi32, #tpu.memory_space<vmem>>, vector<16xi32>,
    %get3A_223 = arith.constant 9984 : index
    %get3A_224 = tpu.vector_load %arg6[%get3A_223] {strides = array<i32>} : memref<10000xi32, #tpu.memory_space<vmem>>, vector<16xi32>,
    %get3A_225 = vector.shape_cast %get3A_224 : vector<16xi32> to vector<16xi32>
    %shift_right_logical3A_226 = arith.constant 16 : i32
    %shift_right_logical3A_227 = vector.broadcast %shift_right_logical3A_226 : i32 to vector<16xi32>
    %shift_right_logical3A_228 = arith.shrui %get3A_225, %shift_right_logical3A_227 : vector<16xi32>
    %swap3A_229 = arith.constant 64 : index
    %swap3A_230 = tpu.vector_load %arg10[%swap3A_229] {strides = array<i32>} : memref<80xi32, #tpu.memory_space<vmem>>, vector<16xi32>,
    %swap3A_231 = vector.shape_cast %swap3A_230 : vector<16xi32> to vector<16xi32>
    %swap3A_232 = vector.shape_cast %shift_right_logical3A_228 : vector<16xi32> to vector<16xi32>
    tpu.vector_store %arg10[%swap3A_229], %swap3A_232 {strides = array<i32>} : memref<80xi32, #tpu.memory_space<vmem>>, vector<16xi32>,
    "tpu.region"() ({
      %run_scoped3A = tpu.sem_alloc : memref<!tpu.dma_semaphore, #tpu.memory_space<semaphore_mem>>
      %dma_start3A_234 = arith.constant 0 : i32
      %dma_start3A_235 = arith.constant 0 : i32
      %dma_start3A_236 = tpu.memref_slice %arg14[%dma_start3A_234, %dma_start3A_235] : memref<10112x128xf32, #tpu.memory_space<vmem_shared>> -> memref<10112x128xf32, #tpu.memory_space<vmem_shared>>
      tpu.enqueue_indirect_dma source(%arg12 : memref<80x128xf32, #tpu.memory_space<vmem>>) target(%dma_start3A_236 : memref<10112x128xf32, #tpu.memory_space<vmem_shared>>) offsets(%arg10 : memref<80xi32, #tpu.memory_space<vmem>>) semaphore(%run_scoped3A : memref<!tpu.dma_semaphore, #tpu.memory_space<semaphore_mem>>) {add = true}
      %dma_wait3A_237 = arith.constant 0 : i32
      %dma_wait3A_238 = arith.constant 0 : i32
      %dma_wait3A_239 = tpu.memref_slice %arg14[%dma_wait3A_237, %dma_wait3A_238] : memref<10112x128xf32, #tpu.memory_space<vmem_shared>> -> memref<10112x128xf32, #tpu.memory_space<vmem_shared>>
      tpu.wait_indirect_dma semaphore(%run_scoped3A : memref<!tpu.dma_semaphore, #tpu.memory_space<semaphore_mem>>) src(%arg12 : memref<80x128xf32, #tpu.memory_space<vmem>>) dst(%dma_wait3A_239 : memref<10112x128xf32, #tpu.memory_space<vmem_shared>>)
      tpu.yield
    }) : () -> ()
    %barrier3A_233 = arith.constant 0 : index
    tpu.barrier barrier_id(%barrier3A_233)
    "tpu.region"() ({
      %run_scoped3A = tpu.sem_alloc : memref<!tpu.dma_semaphore, #tpu.memory_space<semaphore_mem>>
      %dma_start3A_234 = arith.constant 0 : i32
      %dma_start3A_235 = tpu.memref_slice %arg5[%arg0, %mul3A_2, %dma_start3A_234] : memref<2x10112x128xf32, #tpu.memory_space<hbm>> -> memref<1x632x128xf32, #tpu.memory_space<hbm>>
      %dma_start3A_236 = tpu.memref_squeeze %dma_start3A_235 : memref<1x632x128xf32, #tpu.memory_space<hbm>> -> memref<632x128xf32, #tpu.memory_space<hbm>>
      %dma_start3A_237 = arith.constant 0 : i32
      %dma_start3A_238 = tpu.memref_slice %arg14[%mul3A_2, %dma_start3A_237] : memref<10112x128xf32, #tpu.memory_space<vmem_shared>> -> memref<632x128xf32, #tpu.memory_space<vmem_shared>>
      tpu.enqueue_dma source(%dma_start3A_238 : memref<632x128xf32, #tpu.memory_space<vmem_shared>>) target(%dma_start3A_236 : memref<632x128xf32, #tpu.memory_space<hbm>>) target_semaphore(%run_scoped3A : memref<!tpu.dma_semaphore, #tpu.memory_space<semaphore_mem>>)
      %dma_wait3A_239 = arith.constant 0 : i32
      %dma_wait3A_240 = tpu.memref_slice %arg5[%arg0, %mul3A_2, %dma_wait3A_239] : memref<2x10112x128xf32, #tpu.memory_space<hbm>> -> memref<1x632x128xf32, #tpu.memory_space<hbm>>
      %dma_wait3A_241 = tpu.memref_squeeze %dma_wait3A_240 : memref<1x632x128xf32, #tpu.memory_space<hbm>> -> memref<632x128xf32, #tpu.memory_space<hbm>>
      %dma_wait3A_242 = arith.constant 0 : i32
      %dma_wait3A_243 = tpu.memref_slice %arg14[%mul3A_2, %dma_wait3A_242] : memref<10112x128xf32, #tpu.memory_space<vmem_shared>> -> memref<632x128xf32, #tpu.memory_space<vmem_shared>>
      tpu.wait_dma2 semaphore(%run_scoped3A : memref<!tpu.dma_semaphore, #tpu.memory_space<semaphore_mem>>) src(%dma_wait3A_243 : memref<632x128xf32, #tpu.memory_space<vmem_shared>>) dst(%dma_wait3A_241 : memref<632x128xf32, #tpu.memory_space<hbm>>)
      tpu.yield
    }) : () -> ()
    return
  }
}

#map = affine_map<(d0, d1) -> (0)>
#map1 = affine_map<(d0, d1) -> (0, 0)>
module attributes {stable_mosaic.version = 14 : i64} {
  func.func @_deg_body(%arg0: i32, %arg1: i32, %arg2: memref<640000xi32, #tpu.memory_space<hbm>>, %arg3: memref<80xf32, #tpu.memory_space<hbm>>, %arg4: memref<640xf32, #tpu.memory_space<hbm>>, %arg5: memref<2x10240xf32, #tpu.memory_space<hbm>>, %arg6: memref<320000xi32, #tpu.memory_space<hbm>>, %arg7: memref<10000xi32, #tpu.memory_space<vmem>>, %arg8: memref<10000xi32, #tpu.memory_space<vmem>>, %arg9: memref<80xf32, #tpu.memory_space<vmem>>, %arg10: memref<80xi32, #tpu.memory_space<vmem>>, %arg11: memref<80xi32, #tpu.memory_space<vmem>>, %arg12: memref<80xi32, #tpu.memory_space<vmem>>, %arg13: memref<80xi32, #tpu.memory_space<vmem>>, %arg14: memref<80xi32, #tpu.memory_space<vmem>>, %arg15: memref<10240xf32, #tpu.memory_space<vmem_shared>>, %arg16: memref<!tpu.dma_semaphore, #tpu.memory_space<semaphore_mem>>) attributes {dimension_semantics = [#tpu.dimension_semantics<core_parallel>, #tpu.dimension_semantics<subcore_parallel>], iteration_bounds = array<i64: 2, 16>, scalar_prefetch = 0 : i64, scratch_operands = 10 : i64, tpu.core_type = #tpu.core_type<sc_vector_subcore>, window_params = [{transform_indices = #map}, {transform_indices = #map}, {transform_indices = #map}, {transform_indices = #map1}, {transform_indices = #map}]} {
    %mul3A = arith.constant 16 : i32
    %mul3A_0 = arith.muli %arg0, %mul3A : i32
    %add3A = arith.addi %mul3A_0, %arg1 : i32
    %mul3A_1 = arith.constant 640 : i32
    %mul3A_2 = arith.muli %arg1, %mul3A_1 : i32
    "tpu.region"() ({
      %run_scoped3A = tpu.sem_alloc : memref<!tpu.dma_semaphore, #tpu.memory_space<semaphore_mem>>
      %dma_start3A = tpu.memref_slice %arg15[%mul3A_2] : memref<10240xf32, #tpu.memory_space<vmem_shared>> -> memref<640xf32, #tpu.memory_space<vmem_shared>>
      tpu.enqueue_dma source(%arg4 : memref<640xf32, #tpu.memory_space<hbm>>) target(%dma_start3A : memref<640xf32, #tpu.memory_space<vmem_shared>>) target_semaphore(%run_scoped3A : memref<!tpu.dma_semaphore, #tpu.memory_space<semaphore_mem>>)
      %dma_wait3A = tpu.memref_slice %arg15[%mul3A_2] : memref<10240xf32, #tpu.memory_space<vmem_shared>> -> memref<640xf32, #tpu.memory_space<vmem_shared>>
      tpu.wait_dma2 semaphore(%run_scoped3A : memref<!tpu.dma_semaphore, #tpu.memory_space<semaphore_mem>>) src(%arg4 : memref<640xf32, #tpu.memory_space<hbm>>) dst(%dma_wait3A : memref<640xf32, #tpu.memory_space<vmem_shared>>)
      tpu.yield
    }) : () -> ()
    %barrier3A = arith.constant 0 : index
    tpu.barrier barrier_id(%barrier3A)
    %mul3A_3 = arith.constant 10000 : i32
    %mul3A_4 = arith.muli %add3A, %mul3A_3 : i32
    "tpu.region"() ({
      %run_scoped3A = tpu.sem_alloc : memref<!tpu.dma_semaphore, #tpu.memory_space<semaphore_mem>>
      %dma_start3A = tpu.memref_slice %arg2[%mul3A_4] : memref<640000xi32, #tpu.memory_space<hbm>> -> memref<10000xi32, #tpu.memory_space<hbm>>
      %dma_start3A_21 = tpu.memref_slice %arg2[%mul3A_4] : memref<640000xi32, #tpu.memory_space<hbm>> -> memref<10000xi32, #tpu.memory_space<hbm>>
      tpu.enqueue_dma source(%dma_start3A_21 : memref<10000xi32, #tpu.memory_space<hbm>>) target(%arg7 : memref<10000xi32, #tpu.memory_space<vmem>>) target_semaphore(%run_scoped3A : memref<!tpu.dma_semaphore, #tpu.memory_space<semaphore_mem>>)
      %dma_wait3A = tpu.memref_slice %arg2[%mul3A_4] : memref<640000xi32, #tpu.memory_space<hbm>> -> memref<10000xi32, #tpu.memory_space<hbm>>
      %dma_wait3A_22 = tpu.memref_slice %arg2[%mul3A_4] : memref<640000xi32, #tpu.memory_space<hbm>> -> memref<10000xi32, #tpu.memory_space<hbm>>
      tpu.wait_dma2 semaphore(%run_scoped3A : memref<!tpu.dma_semaphore, #tpu.memory_space<semaphore_mem>>) src(%dma_wait3A_22 : memref<10000xi32, #tpu.memory_space<hbm>>) dst(%arg7 : memref<10000xi32, #tpu.memory_space<vmem>>)
      tpu.yield
    }) : () -> ()
    %mul3A_5 = arith.constant 10000 : i32
    %mul3A_6 = arith.muli %add3A, %mul3A_5 : i32
    %add3A_7 = arith.constant 320000 : i32
    %add3A_8 = arith.addi %add3A_7, %mul3A_6 : i32
    "tpu.region"() ({
      %run_scoped3A = tpu.sem_alloc : memref<!tpu.dma_semaphore, #tpu.memory_space<semaphore_mem>>
      %dma_start3A = tpu.memref_slice %arg2[%add3A_8] : memref<640000xi32, #tpu.memory_space<hbm>> -> memref<10000xi32, #tpu.memory_space<hbm>>
      %dma_start3A_21 = tpu.memref_slice %arg2[%add3A_8] : memref<640000xi32, #tpu.memory_space<hbm>> -> memref<10000xi32, #tpu.memory_space<hbm>>
      tpu.enqueue_dma source(%dma_start3A_21 : memref<10000xi32, #tpu.memory_space<hbm>>) target(%arg8 : memref<10000xi32, #tpu.memory_space<vmem>>) target_semaphore(%run_scoped3A : memref<!tpu.dma_semaphore, #tpu.memory_space<semaphore_mem>>)
      %dma_wait3A = tpu.memref_slice %arg2[%add3A_8] : memref<640000xi32, #tpu.memory_space<hbm>> -> memref<10000xi32, #tpu.memory_space<hbm>>
      %dma_wait3A_22 = tpu.memref_slice %arg2[%add3A_8] : memref<640000xi32, #tpu.memory_space<hbm>> -> memref<10000xi32, #tpu.memory_space<hbm>>
      tpu.wait_dma2 semaphore(%run_scoped3A : memref<!tpu.dma_semaphore, #tpu.memory_space<semaphore_mem>>) src(%dma_wait3A_22 : memref<10000xi32, #tpu.memory_space<hbm>>) dst(%arg8 : memref<10000xi32, #tpu.memory_space<vmem>>)
      tpu.yield
    }) : () -> ()
    "tpu.region"() ({
      %run_scoped3A = tpu.sem_alloc : memref<!tpu.dma_semaphore, #tpu.memory_space<semaphore_mem>>
      tpu.enqueue_dma source(%arg3 : memref<80xf32, #tpu.memory_space<hbm>>) target(%arg9 : memref<80xf32, #tpu.memory_space<vmem>>) target_semaphore(%run_scoped3A : memref<!tpu.dma_semaphore, #tpu.memory_space<semaphore_mem>>)
      tpu.wait_dma2 semaphore(%run_scoped3A : memref<!tpu.dma_semaphore, #tpu.memory_space<semaphore_mem>>) src(%arg3 : memref<80xf32, #tpu.memory_space<hbm>>) dst(%arg9 : memref<80xf32, #tpu.memory_space<vmem>>)
      tpu.yield
    }) : () -> ()
    %scan3A = arith.constant 0 : i32
    %scan3A_9 = arith.constant 0 : i32
    %scan3A_10 = arith.constant 25 : i32
    %scan3A_11 = arith.addi %scan3A_9, %scan3A_10 : i32
    %scan3A_12 = arith.constant 1 : i32
    scf.for %scan3A_21 = %scan3A_9 to %scan3A_11 step %scan3A_12  : i32 {
      %mul3A_22 = arith.constant 5 : i32
      %mul3A_23 = arith.muli %scan3A_21, %mul3A_22 : i32
      %add3A_24 = arith.constant 0 : i32
      %add3A_25 = arith.addi %mul3A_23, %add3A_24 : i32
      %mul3A_26 = arith.constant 80 : i32
      %mul3A_27 = arith.muli %mul3A_26, %add3A_25 : i32
      %add3A_28 = arith.constant 0 : i32
      %add3A_29 = arith.addi %mul3A_27, %add3A_28 : i32
      %get3A = arith.index_cast %add3A_29 : i32 to index
      %get3A_30 = tpu.vector_load %arg8[%get3A] {strides = array<i32>} : memref<10000xi32, #tpu.memory_space<vmem>>, vector<16xi32>,
      %get3A_31 = vector.shape_cast %get3A_30 : vector<16xi32> to vector<16xi32>
      %swap3A = arith.constant 0 : index
      %swap3A_32 = tpu.vector_load %arg10[%swap3A] {strides = array<i32>} : memref<80xi32, #tpu.memory_space<vmem>>, vector<16xi32>,
      %swap3A_33 = vector.shape_cast %swap3A_32 : vector<16xi32> to vector<16xi32>
      %swap3A_34 = vector.shape_cast %get3A_31 : vector<16xi32> to vector<16xi32>
      tpu.vector_store %arg10[%swap3A], %swap3A_34 {strides = array<i32>} : memref<80xi32, #tpu.memory_space<vmem>>, vector<16xi32>,
      %add3A_35 = arith.constant 0 : i32
      %add3A_36 = arith.addi %mul3A_23, %add3A_35 : i32
      %mul3A_37 = arith.constant 80 : i32
      %mul3A_38 = arith.muli %mul3A_37, %add3A_36 : i32
      %add3A_39 = arith.constant 16 : i32
      %add3A_40 = arith.addi %mul3A_38, %add3A_39 : i32
      %get3A_41 = arith.index_cast %add3A_40 : i32 to index
      %get3A_42 = tpu.vector_load %arg8[%get3A_41] {strides = array<i32>} : memref<10000xi32, #tpu.memory_space<vmem>>, vector<16xi32>,
      %get3A_43 = vector.shape_cast %get3A_42 : vector<16xi32> to vector<16xi32>
      %swap3A_44 = arith.constant 16 : index
      %swap3A_45 = tpu.vector_load %arg10[%swap3A_44] {strides = array<i32>} : memref<80xi32, #tpu.memory_space<vmem>>, vector<16xi32>,
      %swap3A_46 = vector.shape_cast %swap3A_45 : vector<16xi32> to vector<16xi32>
      %swap3A_47 = vector.shape_cast %get3A_43 : vector<16xi32> to vector<16xi32>
      tpu.vector_store %arg10[%swap3A_44], %swap3A_47 {strides = array<i32>} : memref<80xi32, #tpu.memory_space<vmem>>, vector<16xi32>,
      %add3A_48 = arith.constant 0 : i32
      %add3A_49 = arith.addi %mul3A_23, %add3A_48 : i32
      %mul3A_50 = arith.constant 80 : i32
      %mul3A_51 = arith.muli %mul3A_50, %add3A_49 : i32
      %add3A_52 = arith.constant 32 : i32
      %add3A_53 = arith.addi %mul3A_51, %add3A_52 : i32
      %get3A_54 = arith.index_cast %add3A_53 : i32 to index
      %get3A_55 = tpu.vector_load %arg8[%get3A_54] {strides = array<i32>} : memref<10000xi32, #tpu.memory_space<vmem>>, vector<16xi32>,
      %get3A_56 = vector.shape_cast %get3A_55 : vector<16xi32> to vector<16xi32>
      %swap3A_57 = arith.constant 32 : index
      %swap3A_58 = tpu.vector_load %arg10[%swap3A_57] {strides = array<i32>} : memref<80xi32, #tpu.memory_space<vmem>>, vector<16xi32>,
      %swap3A_59 = vector.shape_cast %swap3A_58 : vector<16xi32> to vector<16xi32>
      %swap3A_60 = vector.shape_cast %get3A_56 : vector<16xi32> to vector<16xi32>
      tpu.vector_store %arg10[%swap3A_57], %swap3A_60 {strides = array<i32>} : memref<80xi32, #tpu.memory_space<vmem>>, vector<16xi32>,
      %add3A_61 = arith.constant 0 : i32
      %add3A_62 = arith.addi %mul3A_23, %add3A_61 : i32
      %mul3A_63 = arith.constant 80 : i32
      %mul3A_64 = arith.muli %mul3A_63, %add3A_62 : i32
      %add3A_65 = arith.constant 48 : i32
      %add3A_66 = arith.addi %mul3A_64, %add3A_65 : i32
      %get3A_67 = arith.index_cast %add3A_66 : i32 to index
      %get3A_68 = tpu.vector_load %arg8[%get3A_67] {strides = array<i32>} : memref<10000xi32, #tpu.memory_space<vmem>>, vector<16xi32>,
      %get3A_69 = vector.shape_cast %get3A_68 : vector<16xi32> to vector<16xi32>
      %swap3A_70 = arith.constant 48 : index
      %swap3A_71 = tpu.vector_load %arg10[%swap3A_70] {strides = array<i32>} : memref<80xi32, #tpu.memory_space<vmem>>, vector<16xi32>,
      %swap3A_72 = vector.shape_cast %swap3A_71 : vector<16xi32> to vector<16xi32>
      %swap3A_73 = vector.shape_cast %get3A_69 : vector<16xi32> to vector<16xi32>
      tpu.vector_store %arg10[%swap3A_70], %swap3A_73 {strides = array<i32>} : memref<80xi32, #tpu.memory_space<vmem>>, vector<16xi32>,
      %add3A_74 = arith.constant 0 : i32
      %add3A_75 = arith.addi %mul3A_23, %add3A_74 : i32
      %mul3A_76 = arith.constant 80 : i32
      %mul3A_77 = arith.muli %mul3A_76, %add3A_75 : i32
      %add3A_78 = arith.constant 64 : i32
      %add3A_79 = arith.addi %mul3A_77, %add3A_78 : i32
      %get3A_80 = arith.index_cast %add3A_79 : i32 to index
      %get3A_81 = tpu.vector_load %arg8[%get3A_80] {strides = array<i32>} : memref<10000xi32, #tpu.memory_space<vmem>>, vector<16xi32>,
      %get3A_82 = vector.shape_cast %get3A_81 : vector<16xi32> to vector<16xi32>
      %swap3A_83 = arith.constant 64 : index
      %swap3A_84 = tpu.vector_load %arg10[%swap3A_83] {strides = array<i32>} : memref<80xi32, #tpu.memory_space<vmem>>, vector<16xi32>,
      %swap3A_85 = vector.shape_cast %swap3A_84 : vector<16xi32> to vector<16xi32>
      %swap3A_86 = vector.shape_cast %get3A_82 : vector<16xi32> to vector<16xi32>
      tpu.vector_store %arg10[%swap3A_83], %swap3A_86 {strides = array<i32>} : memref<80xi32, #tpu.memory_space<vmem>>, vector<16xi32>,
      %dma_start3A = arith.constant 0 : i32
      %dma_start3A_87 = tpu.memref_slice %arg15[%dma_start3A] : memref<10240xf32, #tpu.memory_space<vmem_shared>> -> memref<10240xf32, #tpu.memory_space<vmem_shared>>
      tpu.enqueue_indirect_dma source(%arg9 : memref<80xf32, #tpu.memory_space<vmem>>) target(%dma_start3A_87 : memref<10240xf32, #tpu.memory_space<vmem_shared>>) offsets(%arg10 : memref<80xi32, #tpu.memory_space<vmem>>) semaphore(%arg16 : memref<!tpu.dma_semaphore, #tpu.memory_space<semaphore_mem>>) {add = true}
      %add3A_88 = arith.constant 1 : i32
      %add3A_89 = arith.addi %mul3A_23, %add3A_88 : i32
      %mul3A_90 = arith.constant 80 : i32
      %mul3A_91 = arith.muli %mul3A_90, %add3A_89 : i32
      %add3A_92 = arith.constant 0 : i32
      %add3A_93 = arith.addi %mul3A_91, %add3A_92 : i32
      %get3A_94 = arith.index_cast %add3A_93 : i32 to index
      %get3A_95 = tpu.vector_load %arg8[%get3A_94] {strides = array<i32>} : memref<10000xi32, #tpu.memory_space<vmem>>, vector<16xi32>,
      %get3A_96 = vector.shape_cast %get3A_95 : vector<16xi32> to vector<16xi32>
      %swap3A_97 = arith.constant 0 : index
      %swap3A_98 = tpu.vector_load %arg11[%swap3A_97] {strides = array<i32>} : memref<80xi32, #tpu.memory_space<vmem>>, vector<16xi32>,
      %swap3A_99 = vector.shape_cast %swap3A_98 : vector<16xi32> to vector<16xi32>
      %swap3A_100 = vector.shape_cast %get3A_96 : vector<16xi32> to vector<16xi32>
      tpu.vector_store %arg11[%swap3A_97], %swap3A_100 {strides = array<i32>} : memref<80xi32, #tpu.memory_space<vmem>>, vector<16xi32>,
      %add3A_101 = arith.constant 1 : i32
      %add3A_102 = arith.addi %mul3A_23, %add3A_101 : i32
      %mul3A_103 = arith.constant 80 : i32
      %mul3A_104 = arith.muli %mul3A_103, %add3A_102 : i32
      %add3A_105 = arith.constant 16 : i32
      %add3A_106 = arith.addi %mul3A_104, %add3A_105 : i32
      %get3A_107 = arith.index_cast %add3A_106 : i32 to index
      %get3A_108 = tpu.vector_load %arg8[%get3A_107] {strides = array<i32>} : memref<10000xi32, #tpu.memory_space<vmem>>, vector<16xi32>,
      %get3A_109 = vector.shape_cast %get3A_108 : vector<16xi32> to vector<16xi32>
      %swap3A_110 = arith.constant 16 : index
      %swap3A_111 = tpu.vector_load %arg11[%swap3A_110] {strides = array<i32>} : memref<80xi32, #tpu.memory_space<vmem>>, vector<16xi32>,
      %swap3A_112 = vector.shape_cast %swap3A_111 : vector<16xi32> to vector<16xi32>
      %swap3A_113 = vector.shape_cast %get3A_109 : vector<16xi32> to vector<16xi32>
      tpu.vector_store %arg11[%swap3A_110], %swap3A_113 {strides = array<i32>} : memref<80xi32, #tpu.memory_space<vmem>>, vector<16xi32>,
      %add3A_114 = arith.constant 1 : i32
      %add3A_115 = arith.addi %mul3A_23, %add3A_114 : i32
      %mul3A_116 = arith.constant 80 : i32
      %mul3A_117 = arith.muli %mul3A_116, %add3A_115 : i32
      %add3A_118 = arith.constant 32 : i32
      %add3A_119 = arith.addi %mul3A_117, %add3A_118 : i32
      %get3A_120 = arith.index_cast %add3A_119 : i32 to index
      %get3A_121 = tpu.vector_load %arg8[%get3A_120] {strides = array<i32>} : memref<10000xi32, #tpu.memory_space<vmem>>, vector<16xi32>,
      %get3A_122 = vector.shape_cast %get3A_121 : vector<16xi32> to vector<16xi32>
      %swap3A_123 = arith.constant 32 : index
      %swap3A_124 = tpu.vector_load %arg11[%swap3A_123] {strides = array<i32>} : memref<80xi32, #tpu.memory_space<vmem>>, vector<16xi32>,
      %swap3A_125 = vector.shape_cast %swap3A_124 : vector<16xi32> to vector<16xi32>
      %swap3A_126 = vector.shape_cast %get3A_122 : vector<16xi32> to vector<16xi32>
      tpu.vector_store %arg11[%swap3A_123], %swap3A_126 {strides = array<i32>} : memref<80xi32, #tpu.memory_space<vmem>>, vector<16xi32>,
      %add3A_127 = arith.constant 1 : i32
      %add3A_128 = arith.addi %mul3A_23, %add3A_127 : i32
      %mul3A_129 = arith.constant 80 : i32
      %mul3A_130 = arith.muli %mul3A_129, %add3A_128 : i32
      %add3A_131 = arith.constant 48 : i32
      %add3A_132 = arith.addi %mul3A_130, %add3A_131 : i32
      %get3A_133 = arith.index_cast %add3A_132 : i32 to index
      %get3A_134 = tpu.vector_load %arg8[%get3A_133] {strides = array<i32>} : memref<10000xi32, #tpu.memory_space<vmem>>, vector<16xi32>,
      %get3A_135 = vector.shape_cast %get3A_134 : vector<16xi32> to vector<16xi32>
      %swap3A_136 = arith.constant 48 : index
      %swap3A_137 = tpu.vector_load %arg11[%swap3A_136] {strides = array<i32>} : memref<80xi32, #tpu.memory_space<vmem>>, vector<16xi32>,
      %swap3A_138 = vector.shape_cast %swap3A_137 : vector<16xi32> to vector<16xi32>
      %swap3A_139 = vector.shape_cast %get3A_135 : vector<16xi32> to vector<16xi32>
      tpu.vector_store %arg11[%swap3A_136], %swap3A_139 {strides = array<i32>} : memref<80xi32, #tpu.memory_space<vmem>>, vector<16xi32>,
      %add3A_140 = arith.constant 1 : i32
      %add3A_141 = arith.addi %mul3A_23, %add3A_140 : i32
      %mul3A_142 = arith.constant 80 : i32
      %mul3A_143 = arith.muli %mul3A_142, %add3A_141 : i32
      %add3A_144 = arith.constant 64 : i32
      %add3A_145 = arith.addi %mul3A_143, %add3A_144 : i32
      %get3A_146 = arith.index_cast %add3A_145 : i32 to index
      %get3A_147 = tpu.vector_load %arg8[%get3A_146] {strides = array<i32>} : memref<10000xi32, #tpu.memory_space<vmem>>, vector<16xi32>,
      %get3A_148 = vector.shape_cast %get3A_147 : vector<16xi32> to vector<16xi32>
      %swap3A_149 = arith.constant 64 : index
      %swap3A_150 = tpu.vector_load %arg11[%swap3A_149] {strides = array<i32>} : memref<80xi32, #tpu.memory_space<vmem>>, vector<16xi32>,
      %swap3A_151 = vector.shape_cast %swap3A_150 : vector<16xi32> to vector<16xi32>
      %swap3A_152 = vector.shape_cast %get3A_148 : vector<16xi32> to vector<16xi32>
      tpu.vector_store %arg11[%swap3A_149], %swap3A_152 {strides = array<i32>} : memref<80xi32, #tpu.memory_space<vmem>>, vector<16xi32>,
      %dma_start3A_153 = arith.constant 0 : i32
      %dma_start3A_154 = tpu.memref_slice %arg15[%dma_start3A_153] : memref<10240xf32, #tpu.memory_space<vmem_shared>> -> memref<10240xf32, #tpu.memory_space<vmem_shared>>
      tpu.enqueue_indirect_dma source(%arg9 : memref<80xf32, #tpu.memory_space<vmem>>) target(%dma_start3A_154 : memref<10240xf32, #tpu.memory_space<vmem_shared>>) offsets(%arg11 : memref<80xi32, #tpu.memory_space<vmem>>) semaphore(%arg16 : memref<!tpu.dma_semaphore, #tpu.memory_space<semaphore_mem>>) {add = true}
      %add3A_155 = arith.constant 2 : i32
      %add3A_156 = arith.addi %mul3A_23, %add3A_155 : i32
      %mul3A_157 = arith.constant 80 : i32
      %mul3A_158 = arith.muli %mul3A_157, %add3A_156 : i32
      %add3A_159 = arith.constant 0 : i32
      %add3A_160 = arith.addi %mul3A_158, %add3A_159 : i32
      %get3A_161 = arith.index_cast %add3A_160 : i32 to index
      %get3A_162 = tpu.vector_load %arg8[%get3A_161] {strides = array<i32>} : memref<10000xi32, #tpu.memory_space<vmem>>, vector<16xi32>,
      %get3A_163 = vector.shape_cast %get3A_162 : vector<16xi32> to vector<16xi32>
      %swap3A_164 = arith.constant 0 : index
      %swap3A_165 = tpu.vector_load %arg12[%swap3A_164] {strides = array<i32>} : memref<80xi32, #tpu.memory_space<vmem>>, vector<16xi32>,
      %swap3A_166 = vector.shape_cast %swap3A_165 : vector<16xi32> to vector<16xi32>
      %swap3A_167 = vector.shape_cast %get3A_163 : vector<16xi32> to vector<16xi32>
      tpu.vector_store %arg12[%swap3A_164], %swap3A_167 {strides = array<i32>} : memref<80xi32, #tpu.memory_space<vmem>>, vector<16xi32>,
      %add3A_168 = arith.constant 2 : i32
      %add3A_169 = arith.addi %mul3A_23, %add3A_168 : i32
      %mul3A_170 = arith.constant 80 : i32
      %mul3A_171 = arith.muli %mul3A_170, %add3A_169 : i32
      %add3A_172 = arith.constant 16 : i32
      %add3A_173 = arith.addi %mul3A_171, %add3A_172 : i32
      %get3A_174 = arith.index_cast %add3A_173 : i32 to index
      %get3A_175 = tpu.vector_load %arg8[%get3A_174] {strides = array<i32>} : memref<10000xi32, #tpu.memory_space<vmem>>, vector<16xi32>,
      %get3A_176 = vector.shape_cast %get3A_175 : vector<16xi32> to vector<16xi32>
      %swap3A_177 = arith.constant 16 : index
      %swap3A_178 = tpu.vector_load %arg12[%swap3A_177] {strides = array<i32>} : memref<80xi32, #tpu.memory_space<vmem>>, vector<16xi32>,
      %swap3A_179 = vector.shape_cast %swap3A_178 : vector<16xi32> to vector<16xi32>
      %swap3A_180 = vector.shape_cast %get3A_176 : vector<16xi32> to vector<16xi32>
      tpu.vector_store %arg12[%swap3A_177], %swap3A_180 {strides = array<i32>} : memref<80xi32, #tpu.memory_space<vmem>>, vector<16xi32>,
      %add3A_181 = arith.constant 2 : i32
      %add3A_182 = arith.addi %mul3A_23, %add3A_181 : i32
      %mul3A_183 = arith.constant 80 : i32
      %mul3A_184 = arith.muli %mul3A_183, %add3A_182 : i32
      %add3A_185 = arith.constant 32 : i32
      %add3A_186 = arith.addi %mul3A_184, %add3A_185 : i32
      %get3A_187 = arith.index_cast %add3A_186 : i32 to index
      %get3A_188 = tpu.vector_load %arg8[%get3A_187] {strides = array<i32>} : memref<10000xi32, #tpu.memory_space<vmem>>, vector<16xi32>,
      %get3A_189 = vector.shape_cast %get3A_188 : vector<16xi32> to vector<16xi32>
      %swap3A_190 = arith.constant 32 : index
      %swap3A_191 = tpu.vector_load %arg12[%swap3A_190] {strides = array<i32>} : memref<80xi32, #tpu.memory_space<vmem>>, vector<16xi32>,
      %swap3A_192 = vector.shape_cast %swap3A_191 : vector<16xi32> to vector<16xi32>
      %swap3A_193 = vector.shape_cast %get3A_189 : vector<16xi32> to vector<16xi32>
      tpu.vector_store %arg12[%swap3A_190], %swap3A_193 {strides = array<i32>} : memref<80xi32, #tpu.memory_space<vmem>>, vector<16xi32>,
      %add3A_194 = arith.constant 2 : i32
      %add3A_195 = arith.addi %mul3A_23, %add3A_194 : i32
      %mul3A_196 = arith.constant 80 : i32
      %mul3A_197 = arith.muli %mul3A_196, %add3A_195 : i32
      %add3A_198 = arith.constant 48 : i32
      %add3A_199 = arith.addi %mul3A_197, %add3A_198 : i32
      %get3A_200 = arith.index_cast %add3A_199 : i32 to index
      %get3A_201 = tpu.vector_load %arg8[%get3A_200] {strides = array<i32>} : memref<10000xi32, #tpu.memory_space<vmem>>, vector<16xi32>,
      %get3A_202 = vector.shape_cast %get3A_201 : vector<16xi32> to vector<16xi32>
      %swap3A_203 = arith.constant 48 : index
      %swap3A_204 = tpu.vector_load %arg12[%swap3A_203] {strides = array<i32>} : memref<80xi32, #tpu.memory_space<vmem>>, vector<16xi32>,
      %swap3A_205 = vector.shape_cast %swap3A_204 : vector<16xi32> to vector<16xi32>
      %swap3A_206 = vector.shape_cast %get3A_202 : vector<16xi32> to vector<16xi32>
      tpu.vector_store %arg12[%swap3A_203], %swap3A_206 {strides = array<i32>} : memref<80xi32, #tpu.memory_space<vmem>>, vector<16xi32>,
      %add3A_207 = arith.constant 2 : i32
      %add3A_208 = arith.addi %mul3A_23, %add3A_207 : i32
      %mul3A_209 = arith.constant 80 : i32
      %mul3A_210 = arith.muli %mul3A_209, %add3A_208 : i32
      %add3A_211 = arith.constant 64 : i32
      %add3A_212 = arith.addi %mul3A_210, %add3A_211 : i32
      %get3A_213 = arith.index_cast %add3A_212 : i32 to index
      %get3A_214 = tpu.vector_load %arg8[%get3A_213] {strides = array<i32>} : memref<10000xi32, #tpu.memory_space<vmem>>, vector<16xi32>,
      %get3A_215 = vector.shape_cast %get3A_214 : vector<16xi32> to vector<16xi32>
      %swap3A_216 = arith.constant 64 : index
      %swap3A_217 = tpu.vector_load %arg12[%swap3A_216] {strides = array<i32>} : memref<80xi32, #tpu.memory_space<vmem>>, vector<16xi32>,
      %swap3A_218 = vector.shape_cast %swap3A_217 : vector<16xi32> to vector<16xi32>
      %swap3A_219 = vector.shape_cast %get3A_215 : vector<16xi32> to vector<16xi32>
      tpu.vector_store %arg12[%swap3A_216], %swap3A_219 {strides = array<i32>} : memref<80xi32, #tpu.memory_space<vmem>>, vector<16xi32>,
      %dma_start3A_220 = arith.constant 0 : i32
      %dma_start3A_221 = tpu.memref_slice %arg15[%dma_start3A_220] : memref<10240xf32, #tpu.memory_space<vmem_shared>> -> memref<10240xf32, #tpu.memory_space<vmem_shared>>
      tpu.enqueue_indirect_dma source(%arg9 : memref<80xf32, #tpu.memory_space<vmem>>) target(%dma_start3A_221 : memref<10240xf32, #tpu.memory_space<vmem_shared>>) offsets(%arg12 : memref<80xi32, #tpu.memory_space<vmem>>) semaphore(%arg16 : memref<!tpu.dma_semaphore, #tpu.memory_space<semaphore_mem>>) {add = true}
      %add3A_222 = arith.constant 3 : i32
      %add3A_223 = arith.addi %mul3A_23, %add3A_222 : i32
      %mul3A_224 = arith.constant 80 : i32
      %mul3A_225 = arith.muli %mul3A_224, %add3A_223 : i32
      %add3A_226 = arith.constant 0 : i32
      %add3A_227 = arith.addi %mul3A_225, %add3A_226 : i32
      %get3A_228 = arith.index_cast %add3A_227 : i32 to index
      %get3A_229 = tpu.vector_load %arg8[%get3A_228] {strides = array<i32>} : memref<10000xi32, #tpu.memory_space<vmem>>, vector<16xi32>,
      %get3A_230 = vector.shape_cast %get3A_229 : vector<16xi32> to vector<16xi32>
      %swap3A_231 = arith.constant 0 : index
      %swap3A_232 = tpu.vector_load %arg13[%swap3A_231] {strides = array<i32>} : memref<80xi32, #tpu.memory_space<vmem>>, vector<16xi32>,
      %swap3A_233 = vector.shape_cast %swap3A_232 : vector<16xi32> to vector<16xi32>
      %swap3A_234 = vector.shape_cast %get3A_230 : vector<16xi32> to vector<16xi32>
      tpu.vector_store %arg13[%swap3A_231], %swap3A_234 {strides = array<i32>} : memref<80xi32, #tpu.memory_space<vmem>>, vector<16xi32>,
      %add3A_235 = arith.constant 3 : i32
      %add3A_236 = arith.addi %mul3A_23, %add3A_235 : i32
      %mul3A_237 = arith.constant 80 : i32
      %mul3A_238 = arith.muli %mul3A_237, %add3A_236 : i32
      %add3A_239 = arith.constant 16 : i32
      %add3A_240 = arith.addi %mul3A_238, %add3A_239 : i32
      %get3A_241 = arith.index_cast %add3A_240 : i32 to index
      %get3A_242 = tpu.vector_load %arg8[%get3A_241] {strides = array<i32>} : memref<10000xi32, #tpu.memory_space<vmem>>, vector<16xi32>,
      %get3A_243 = vector.shape_cast %get3A_242 : vector<16xi32> to vector<16xi32>
      %swap3A_244 = arith.constant 16 : index
      %swap3A_245 = tpu.vector_load %arg13[%swap3A_244] {strides = array<i32>} : memref<80xi32, #tpu.memory_space<vmem>>, vector<16xi32>,
      %swap3A_246 = vector.shape_cast %swap3A_245 : vector<16xi32> to vector<16xi32>
      %swap3A_247 = vector.shape_cast %get3A_243 : vector<16xi32> to vector<16xi32>
      tpu.vector_store %arg13[%swap3A_244], %swap3A_247 {strides = array<i32>} : memref<80xi32, #tpu.memory_space<vmem>>, vector<16xi32>,
      %add3A_248 = arith.constant 3 : i32
      %add3A_249 = arith.addi %mul3A_23, %add3A_248 : i32
      %mul3A_250 = arith.constant 80 : i32
      %mul3A_251 = arith.muli %mul3A_250, %add3A_249 : i32
      %add3A_252 = arith.constant 32 : i32
      %add3A_253 = arith.addi %mul3A_251, %add3A_252 : i32
      %get3A_254 = arith.index_cast %add3A_253 : i32 to index
      %get3A_255 = tpu.vector_load %arg8[%get3A_254] {strides = array<i32>} : memref<10000xi32, #tpu.memory_space<vmem>>, vector<16xi32>,
      %get3A_256 = vector.shape_cast %get3A_255 : vector<16xi32> to vector<16xi32>
      %swap3A_257 = arith.constant 32 : index
      %swap3A_258 = tpu.vector_load %arg13[%swap3A_257] {strides = array<i32>} : memref<80xi32, #tpu.memory_space<vmem>>, vector<16xi32>,
      %swap3A_259 = vector.shape_cast %swap3A_258 : vector<16xi32> to vector<16xi32>
      %swap3A_260 = vector.shape_cast %get3A_256 : vector<16xi32> to vector<16xi32>
      tpu.vector_store %arg13[%swap3A_257], %swap3A_260 {strides = array<i32>} : memref<80xi32, #tpu.memory_space<vmem>>, vector<16xi32>,
      %add3A_261 = arith.constant 3 : i32
      %add3A_262 = arith.addi %mul3A_23, %add3A_261 : i32
      %mul3A_263 = arith.constant 80 : i32
      %mul3A_264 = arith.muli %mul3A_263, %add3A_262 : i32
      %add3A_265 = arith.constant 48 : i32
      %add3A_266 = arith.addi %mul3A_264, %add3A_265 : i32
      %get3A_267 = arith.index_cast %add3A_266 : i32 to index
      %get3A_268 = tpu.vector_load %arg8[%get3A_267] {strides = array<i32>} : memref<10000xi32, #tpu.memory_space<vmem>>, vector<16xi32>,
      %get3A_269 = vector.shape_cast %get3A_268 : vector<16xi32> to vector<16xi32>
      %swap3A_270 = arith.constant 48 : index
      %swap3A_271 = tpu.vector_load %arg13[%swap3A_270] {strides = array<i32>} : memref<80xi32, #tpu.memory_space<vmem>>, vector<16xi32>,
      %swap3A_272 = vector.shape_cast %swap3A_271 : vector<16xi32> to vector<16xi32>
      %swap3A_273 = vector.shape_cast %get3A_269 : vector<16xi32> to vector<16xi32>
      tpu.vector_store %arg13[%swap3A_270], %swap3A_273 {strides = array<i32>} : memref<80xi32, #tpu.memory_space<vmem>>, vector<16xi32>,
      %add3A_274 = arith.constant 3 : i32
      %add3A_275 = arith.addi %mul3A_23, %add3A_274 : i32
      %mul3A_276 = arith.constant 80 : i32
      %mul3A_277 = arith.muli %mul3A_276, %add3A_275 : i32
      %add3A_278 = arith.constant 64 : i32
      %add3A_279 = arith.addi %mul3A_277, %add3A_278 : i32
      %get3A_280 = arith.index_cast %add3A_279 : i32 to index
      %get3A_281 = tpu.vector_load %arg8[%get3A_280] {strides = array<i32>} : memref<10000xi32, #tpu.memory_space<vmem>>, vector<16xi32>,
      %get3A_282 = vector.shape_cast %get3A_281 : vector<16xi32> to vector<16xi32>
      %swap3A_283 = arith.constant 64 : index
      %swap3A_284 = tpu.vector_load %arg13[%swap3A_283] {strides = array<i32>} : memref<80xi32, #tpu.memory_space<vmem>>, vector<16xi32>,
      %swap3A_285 = vector.shape_cast %swap3A_284 : vector<16xi32> to vector<16xi32>
      %swap3A_286 = vector.shape_cast %get3A_282 : vector<16xi32> to vector<16xi32>
      tpu.vector_store %arg13[%swap3A_283], %swap3A_286 {strides = array<i32>} : memref<80xi32, #tpu.memory_space<vmem>>, vector<16xi32>,
      %dma_start3A_287 = arith.constant 0 : i32
      %dma_start3A_288 = tpu.memref_slice %arg15[%dma_start3A_287] : memref<10240xf32, #tpu.memory_space<vmem_shared>> -> memref<10240xf32, #tpu.memory_space<vmem_shared>>
      tpu.enqueue_indirect_dma source(%arg9 : memref<80xf32, #tpu.memory_space<vmem>>) target(%dma_start3A_288 : memref<10240xf32, #tpu.memory_space<vmem_shared>>) offsets(%arg13 : memref<80xi32, #tpu.memory_space<vmem>>) semaphore(%arg16 : memref<!tpu.dma_semaphore, #tpu.memory_space<semaphore_mem>>) {add = true}
      %add3A_289 = arith.constant 4 : i32
      %add3A_290 = arith.addi %mul3A_23, %add3A_289 : i32
      %mul3A_291 = arith.constant 80 : i32
      %mul3A_292 = arith.muli %mul3A_291, %add3A_290 : i32
      %add3A_293 = arith.constant 0 : i32
      %add3A_294 = arith.addi %mul3A_292, %add3A_293 : i32
      %get3A_295 = arith.index_cast %add3A_294 : i32 to index
      %get3A_296 = tpu.vector_load %arg8[%get3A_295] {strides = array<i32>} : memref<10000xi32, #tpu.memory_space<vmem>>, vector<16xi32>,
      %get3A_297 = vector.shape_cast %get3A_296 : vector<16xi32> to vector<16xi32>
      %swap3A_298 = arith.constant 0 : index
      %swap3A_299 = tpu.vector_load %arg14[%swap3A_298] {strides = array<i32>} : memref<80xi32, #tpu.memory_space<vmem>>, vector<16xi32>,
      %swap3A_300 = vector.shape_cast %swap3A_299 : vector<16xi32> to vector<16xi32>
      %swap3A_301 = vector.shape_cast %get3A_297 : vector<16xi32> to vector<16xi32>
      tpu.vector_store %arg14[%swap3A_298], %swap3A_301 {strides = array<i32>} : memref<80xi32, #tpu.memory_space<vmem>>, vector<16xi32>,
      %add3A_302 = arith.constant 4 : i32
      %add3A_303 = arith.addi %mul3A_23, %add3A_302 : i32
      %mul3A_304 = arith.constant 80 : i32
      %mul3A_305 = arith.muli %mul3A_304, %add3A_303 : i32
      %add3A_306 = arith.constant 16 : i32
      %add3A_307 = arith.addi %mul3A_305, %add3A_306 : i32
      %get3A_308 = arith.index_cast %add3A_307 : i32 to index
      %get3A_309 = tpu.vector_load %arg8[%get3A_308] {strides = array<i32>} : memref<10000xi32, #tpu.memory_space<vmem>>, vector<16xi32>,
      %get3A_310 = vector.shape_cast %get3A_309 : vector<16xi32> to vector<16xi32>
      %swap3A_311 = arith.constant 16 : index
      %swap3A_312 = tpu.vector_load %arg14[%swap3A_311] {strides = array<i32>} : memref<80xi32, #tpu.memory_space<vmem>>, vector<16xi32>,
      %swap3A_313 = vector.shape_cast %swap3A_312 : vector<16xi32> to vector<16xi32>
      %swap3A_314 = vector.shape_cast %get3A_310 : vector<16xi32> to vector<16xi32>
      tpu.vector_store %arg14[%swap3A_311], %swap3A_314 {strides = array<i32>} : memref<80xi32, #tpu.memory_space<vmem>>, vector<16xi32>,
      %add3A_315 = arith.constant 4 : i32
      %add3A_316 = arith.addi %mul3A_23, %add3A_315 : i32
      %mul3A_317 = arith.constant 80 : i32
      %mul3A_318 = arith.muli %mul3A_317, %add3A_316 : i32
      %add3A_319 = arith.constant 32 : i32
      %add3A_320 = arith.addi %mul3A_318, %add3A_319 : i32
      %get3A_321 = arith.index_cast %add3A_320 : i32 to index
      %get3A_322 = tpu.vector_load %arg8[%get3A_321] {strides = array<i32>} : memref<10000xi32, #tpu.memory_space<vmem>>, vector<16xi32>,
      %get3A_323 = vector.shape_cast %get3A_322 : vector<16xi32> to vector<16xi32>
      %swap3A_324 = arith.constant 32 : index
      %swap3A_325 = tpu.vector_load %arg14[%swap3A_324] {strides = array<i32>} : memref<80xi32, #tpu.memory_space<vmem>>, vector<16xi32>,
      %swap3A_326 = vector.shape_cast %swap3A_325 : vector<16xi32> to vector<16xi32>
      %swap3A_327 = vector.shape_cast %get3A_323 : vector<16xi32> to vector<16xi32>
      tpu.vector_store %arg14[%swap3A_324], %swap3A_327 {strides = array<i32>} : memref<80xi32, #tpu.memory_space<vmem>>, vector<16xi32>,
      %add3A_328 = arith.constant 4 : i32
      %add3A_329 = arith.addi %mul3A_23, %add3A_328 : i32
      %mul3A_330 = arith.constant 80 : i32
      %mul3A_331 = arith.muli %mul3A_330, %add3A_329 : i32
      %add3A_332 = arith.constant 48 : i32
      %add3A_333 = arith.addi %mul3A_331, %add3A_332 : i32
      %get3A_334 = arith.index_cast %add3A_333 : i32 to index
      %get3A_335 = tpu.vector_load %arg8[%get3A_334] {strides = array<i32>} : memref<10000xi32, #tpu.memory_space<vmem>>, vector<16xi32>,
      %get3A_336 = vector.shape_cast %get3A_335 : vector<16xi32> to vector<16xi32>
      %swap3A_337 = arith.constant 48 : index
      %swap3A_338 = tpu.vector_load %arg14[%swap3A_337] {strides = array<i32>} : memref<80xi32, #tpu.memory_space<vmem>>, vector<16xi32>,
      %swap3A_339 = vector.shape_cast %swap3A_338 : vector<16xi32> to vector<16xi32>
      %swap3A_340 = vector.shape_cast %get3A_336 : vector<16xi32> to vector<16xi32>
      tpu.vector_store %arg14[%swap3A_337], %swap3A_340 {strides = array<i32>} : memref<80xi32, #tpu.memory_space<vmem>>, vector<16xi32>,
      %add3A_341 = arith.constant 4 : i32
      %add3A_342 = arith.addi %mul3A_23, %add3A_341 : i32
      %mul3A_343 = arith.constant 80 : i32
      %mul3A_344 = arith.muli %mul3A_343, %add3A_342 : i32
      %add3A_345 = arith.constant 64 : i32
      %add3A_346 = arith.addi %mul3A_344, %add3A_345 : i32
      %get3A_347 = arith.index_cast %add3A_346 : i32 to index
      %get3A_348 = tpu.vector_load %arg8[%get3A_347] {strides = array<i32>} : memref<10000xi32, #tpu.memory_space<vmem>>, vector<16xi32>,
      %get3A_349 = vector.shape_cast %get3A_348 : vector<16xi32> to vector<16xi32>
      %swap3A_350 = arith.constant 64 : index
      %swap3A_351 = tpu.vector_load %arg14[%swap3A_350] {strides = array<i32>} : memref<80xi32, #tpu.memory_space<vmem>>, vector<16xi32>,
      %swap3A_352 = vector.shape_cast %swap3A_351 : vector<16xi32> to vector<16xi32>
      %swap3A_353 = vector.shape_cast %get3A_349 : vector<16xi32> to vector<16xi32>
      tpu.vector_store %arg14[%swap3A_350], %swap3A_353 {strides = array<i32>} : memref<80xi32, #tpu.memory_space<vmem>>, vector<16xi32>,
      %dma_start3A_354 = arith.constant 0 : i32
      %dma_start3A_355 = tpu.memref_slice %arg15[%dma_start3A_354] : memref<10240xf32, #tpu.memory_space<vmem_shared>> -> memref<10240xf32, #tpu.memory_space<vmem_shared>>
      tpu.enqueue_indirect_dma source(%arg9 : memref<80xf32, #tpu.memory_space<vmem>>) target(%dma_start3A_355 : memref<10240xf32, #tpu.memory_space<vmem_shared>>) offsets(%arg14 : memref<80xi32, #tpu.memory_space<vmem>>) semaphore(%arg16 : memref<!tpu.dma_semaphore, #tpu.memory_space<semaphore_mem>>) {add = true}
      %add3A_356 = arith.constant 0 : i32
      %add3A_357 = arith.addi %mul3A_23, %add3A_356 : i32
      %mul3A_358 = arith.constant 80 : i32
      %mul3A_359 = arith.muli %mul3A_358, %add3A_357 : i32
      %add3A_360 = arith.constant 0 : i32
      %add3A_361 = arith.addi %mul3A_359, %add3A_360 : i32
      %get3A_362 = arith.index_cast %add3A_361 : i32 to index
      %get3A_363 = tpu.vector_load %arg7[%get3A_362] {strides = array<i32>} : memref<10000xi32, #tpu.memory_space<vmem>>, vector<16xi32>,
      %get3A_364 = vector.shape_cast %get3A_363 : vector<16xi32> to vector<16xi32>
      %get3A_365 = arith.index_cast %add3A_361 : i32 to index
      %get3A_366 = tpu.vector_load %arg8[%get3A_365] {strides = array<i32>} : memref<10000xi32, #tpu.memory_space<vmem>>, vector<16xi32>,
      %get3A_367 = vector.shape_cast %get3A_366 : vector<16xi32> to vector<16xi32>
      %shift_left3A = arith.constant 16 : i32
      %shift_left3A_368 = vector.broadcast %shift_left3A : i32 to vector<16xi32>
      %shift_left3A_369 = arith.shli %get3A_367, %shift_left3A_368 : vector<16xi32>
      %or3A = arith.ori %get3A_364, %shift_left3A_369 : vector<16xi32>
      %swap3A_370 = arith.index_cast %add3A_361 : i32 to index
      %swap3A_371 = tpu.vector_load %arg7[%swap3A_370] {strides = array<i32>} : memref<10000xi32, #tpu.memory_space<vmem>>, vector<16xi32>,
      %swap3A_372 = vector.shape_cast %swap3A_371 : vector<16xi32> to vector<16xi32>
      %swap3A_373 = vector.shape_cast %or3A : vector<16xi32> to vector<16xi32>
      tpu.vector_store %arg7[%swap3A_370], %swap3A_373 {strides = array<i32>} : memref<10000xi32, #tpu.memory_space<vmem>>, vector<16xi32>,
      %add3A_374 = arith.constant 0 : i32
      %add3A_375 = arith.addi %mul3A_23, %add3A_374 : i32
      %mul3A_376 = arith.constant 80 : i32
      %mul3A_377 = arith.muli %mul3A_376, %add3A_375 : i32
      %add3A_378 = arith.constant 16 : i32
      %add3A_379 = arith.addi %mul3A_377, %add3A_378 : i32
      %get3A_380 = arith.index_cast %add3A_379 : i32 to index
      %get3A_381 = tpu.vector_load %arg7[%get3A_380] {strides = array<i32>} : memref<10000xi32, #tpu.memory_space<vmem>>, vector<16xi32>,
      %get3A_382 = vector.shape_cast %get3A_381 : vector<16xi32> to vector<16xi32>
      %get3A_383 = arith.index_cast %add3A_379 : i32 to index
      %get3A_384 = tpu.vector_load %arg8[%get3A_383] {strides = array<i32>} : memref<10000xi32, #tpu.memory_space<vmem>>, vector<16xi32>,
      %get3A_385 = vector.shape_cast %get3A_384 : vector<16xi32> to vector<16xi32>
      %shift_left3A_386 = arith.constant 16 : i32
      %shift_left3A_387 = vector.broadcast %shift_left3A_386 : i32 to vector<16xi32>
      %shift_left3A_388 = arith.shli %get3A_385, %shift_left3A_387 : vector<16xi32>
      %or3A_389 = arith.ori %get3A_382, %shift_left3A_388 : vector<16xi32>
      %swap3A_390 = arith.index_cast %add3A_379 : i32 to index
      %swap3A_391 = tpu.vector_load %arg7[%swap3A_390] {strides = array<i32>} : memref<10000xi32, #tpu.memory_space<vmem>>, vector<16xi32>,
      %swap3A_392 = vector.shape_cast %swap3A_391 : vector<16xi32> to vector<16xi32>
      %swap3A_393 = vector.shape_cast %or3A_389 : vector<16xi32> to vector<16xi32>
      tpu.vector_store %arg7[%swap3A_390], %swap3A_393 {strides = array<i32>} : memref<10000xi32, #tpu.memory_space<vmem>>, vector<16xi32>,
      %add3A_394 = arith.constant 0 : i32
      %add3A_395 = arith.addi %mul3A_23, %add3A_394 : i32
      %mul3A_396 = arith.constant 80 : i32
      %mul3A_397 = arith.muli %mul3A_396, %add3A_395 : i32
      %add3A_398 = arith.constant 32 : i32
      %add3A_399 = arith.addi %mul3A_397, %add3A_398 : i32
      %get3A_400 = arith.index_cast %add3A_399 : i32 to index
      %get3A_401 = tpu.vector_load %arg7[%get3A_400] {strides = array<i32>} : memref<10000xi32, #tpu.memory_space<vmem>>, vector<16xi32>,
      %get3A_402 = vector.shape_cast %get3A_401 : vector<16xi32> to vector<16xi32>
      %get3A_403 = arith.index_cast %add3A_399 : i32 to index
      %get3A_404 = tpu.vector_load %arg8[%get3A_403] {strides = array<i32>} : memref<10000xi32, #tpu.memory_space<vmem>>, vector<16xi32>,
      %get3A_405 = vector.shape_cast %get3A_404 : vector<16xi32> to vector<16xi32>
      %shift_left3A_406 = arith.constant 16 : i32
      %shift_left3A_407 = vector.broadcast %shift_left3A_406 : i32 to vector<16xi32>
      %shift_left3A_408 = arith.shli %get3A_405, %shift_left3A_407 : vector<16xi32>
      %or3A_409 = arith.ori %get3A_402, %shift_left3A_408 : vector<16xi32>
      %swap3A_410 = arith.index_cast %add3A_399 : i32 to index
      %swap3A_411 = tpu.vector_load %arg7[%swap3A_410] {strides = array<i32>} : memref<10000xi32, #tpu.memory_space<vmem>>, vector<16xi32>,
      %swap3A_412 = vector.shape_cast %swap3A_411 : vector<16xi32> to vector<16xi32>
      %swap3A_413 = vector.shape_cast %or3A_409 : vector<16xi32> to vector<16xi32>
      tpu.vector_store %arg7[%swap3A_410], %swap3A_413 {strides = array<i32>} : memref<10000xi32, #tpu.memory_space<vmem>>, vector<16xi32>,
      %add3A_414 = arith.constant 0 : i32
      %add3A_415 = arith.addi %mul3A_23, %add3A_414 : i32
      %mul3A_416 = arith.constant 80 : i32
      %mul3A_417 = arith.muli %mul3A_416, %add3A_415 : i32
      %add3A_418 = arith.constant 48 : i32
      %add3A_419 = arith.addi %mul3A_417, %add3A_418 : i32
      %get3A_420 = arith.index_cast %add3A_419 : i32 to index
      %get3A_421 = tpu.vector_load %arg7[%get3A_420] {strides = array<i32>} : memref<10000xi32, #tpu.memory_space<vmem>>, vector<16xi32>,
      %get3A_422 = vector.shape_cast %get3A_421 : vector<16xi32> to vector<16xi32>
      %get3A_423 = arith.index_cast %add3A_419 : i32 to index
      %get3A_424 = tpu.vector_load %arg8[%get3A_423] {strides = array<i32>} : memref<10000xi32, #tpu.memory_space<vmem>>, vector<16xi32>,
      %get3A_425 = vector.shape_cast %get3A_424 : vector<16xi32> to vector<16xi32>
      %shift_left3A_426 = arith.constant 16 : i32
      %shift_left3A_427 = vector.broadcast %shift_left3A_426 : i32 to vector<16xi32>
      %shift_left3A_428 = arith.shli %get3A_425, %shift_left3A_427 : vector<16xi32>
      %or3A_429 = arith.ori %get3A_422, %shift_left3A_428 : vector<16xi32>
      %swap3A_430 = arith.index_cast %add3A_419 : i32 to index
      %swap3A_431 = tpu.vector_load %arg7[%swap3A_430] {strides = array<i32>} : memref<10000xi32, #tpu.memory_space<vmem>>, vector<16xi32>,
      %swap3A_432 = vector.shape_cast %swap3A_431 : vector<16xi32> to vector<16xi32>
      %swap3A_433 = vector.shape_cast %or3A_429 : vector<16xi32> to vector<16xi32>
      tpu.vector_store %arg7[%swap3A_430], %swap3A_433 {strides = array<i32>} : memref<10000xi32, #tpu.memory_space<vmem>>, vector<16xi32>,
      %add3A_434 = arith.constant 0 : i32
      %add3A_435 = arith.addi %mul3A_23, %add3A_434 : i32
      %mul3A_436 = arith.constant 80 : i32
      %mul3A_437 = arith.muli %mul3A_436, %add3A_435 : i32
      %add3A_438 = arith.constant 64 : i32
      %add3A_439 = arith.addi %mul3A_437, %add3A_438 : i32
      %get3A_440 = arith.index_cast %add3A_439 : i32 to index
      %get3A_441 = tpu.vector_load %arg7[%get3A_440] {strides = array<i32>} : memref<10000xi32, #tpu.memory_space<vmem>>, vector<16xi32>,
      %get3A_442 = vector.shape_cast %get3A_441 : vector<16xi32> to vector<16xi32>
      %get3A_443 = arith.index_cast %add3A_439 : i32 to index
      %get3A_444 = tpu.vector_load %arg8[%get3A_443] {strides = array<i32>} : memref<10000xi32, #tpu.memory_space<vmem>>, vector<16xi32>,
      %get3A_445 = vector.shape_cast %get3A_444 : vector<16xi32> to vector<16xi32>
      %shift_left3A_446 = arith.constant 16 : i32
      %shift_left3A_447 = vector.broadcast %shift_left3A_446 : i32 to vector<16xi32>
      %shift_left3A_448 = arith.shli %get3A_445, %shift_left3A_447 : vector<16xi32>
      %or3A_449 = arith.ori %get3A_442, %shift_left3A_448 : vector<16xi32>
      %swap3A_450 = arith.index_cast %add3A_439 : i32 to index
      %swap3A_451 = tpu.vector_load %arg7[%swap3A_450] {strides = array<i32>} : memref<10000xi32, #tpu.memory_space<vmem>>, vector<16xi32>,
      %swap3A_452 = vector.shape_cast %swap3A_451 : vector<16xi32> to vector<16xi32>
      %swap3A_453 = vector.shape_cast %or3A_449 : vector<16xi32> to vector<16xi32>
      tpu.vector_store %arg7[%swap3A_450], %swap3A_453 {strides = array<i32>} : memref<10000xi32, #tpu.memory_space<vmem>>, vector<16xi32>,
      %add3A_454 = arith.constant 1 : i32
      %add3A_455 = arith.addi %mul3A_23, %add3A_454 : i32
      %mul3A_456 = arith.constant 80 : i32
      %mul3A_457 = arith.muli %mul3A_456, %add3A_455 : i32
      %add3A_458 = arith.constant 0 : i32
      %add3A_459 = arith.addi %mul3A_457, %add3A_458 : i32
      %get3A_460 = arith.index_cast %add3A_459 : i32 to index
      %get3A_461 = tpu.vector_load %arg7[%get3A_460] {strides = array<i32>} : memref<10000xi32, #tpu.memory_space<vmem>>, vector<16xi32>,
      %get3A_462 = vector.shape_cast %get3A_461 : vector<16xi32> to vector<16xi32>
      %get3A_463 = arith.index_cast %add3A_459 : i32 to index
      %get3A_464 = tpu.vector_load %arg8[%get3A_463] {strides = array<i32>} : memref<10000xi32, #tpu.memory_space<vmem>>, vector<16xi32>,
      %get3A_465 = vector.shape_cast %get3A_464 : vector<16xi32> to vector<16xi32>
      %shift_left3A_466 = arith.constant 16 : i32
      %shift_left3A_467 = vector.broadcast %shift_left3A_466 : i32 to vector<16xi32>
      %shift_left3A_468 = arith.shli %get3A_465, %shift_left3A_467 : vector<16xi32>
      %or3A_469 = arith.ori %get3A_462, %shift_left3A_468 : vector<16xi32>
      %swap3A_470 = arith.index_cast %add3A_459 : i32 to index
      %swap3A_471 = tpu.vector_load %arg7[%swap3A_470] {strides = array<i32>} : memref<10000xi32, #tpu.memory_space<vmem>>, vector<16xi32>,
      %swap3A_472 = vector.shape_cast %swap3A_471 : vector<16xi32> to vector<16xi32>
      %swap3A_473 = vector.shape_cast %or3A_469 : vector<16xi32> to vector<16xi32>
      tpu.vector_store %arg7[%swap3A_470], %swap3A_473 {strides = array<i32>} : memref<10000xi32, #tpu.memory_space<vmem>>, vector<16xi32>,
      %add3A_474 = arith.constant 1 : i32
      %add3A_475 = arith.addi %mul3A_23, %add3A_474 : i32
      %mul3A_476 = arith.constant 80 : i32
      %mul3A_477 = arith.muli %mul3A_476, %add3A_475 : i32
      %add3A_478 = arith.constant 16 : i32
      %add3A_479 = arith.addi %mul3A_477, %add3A_478 : i32
      %get3A_480 = arith.index_cast %add3A_479 : i32 to index
      %get3A_481 = tpu.vector_load %arg7[%get3A_480] {strides = array<i32>} : memref<10000xi32, #tpu.memory_space<vmem>>, vector<16xi32>,
      %get3A_482 = vector.shape_cast %get3A_481 : vector<16xi32> to vector<16xi32>
      %get3A_483 = arith.index_cast %add3A_479 : i32 to index
      %get3A_484 = tpu.vector_load %arg8[%get3A_483] {strides = array<i32>} : memref<10000xi32, #tpu.memory_space<vmem>>, vector<16xi32>,
      %get3A_485 = vector.shape_cast %get3A_484 : vector<16xi32> to vector<16xi32>
      %shift_left3A_486 = arith.constant 16 : i32
      %shift_left3A_487 = vector.broadcast %shift_left3A_486 : i32 to vector<16xi32>
      %shift_left3A_488 = arith.shli %get3A_485, %shift_left3A_487 : vector<16xi32>
      %or3A_489 = arith.ori %get3A_482, %shift_left3A_488 : vector<16xi32>
      %swap3A_490 = arith.index_cast %add3A_479 : i32 to index
      %swap3A_491 = tpu.vector_load %arg7[%swap3A_490] {strides = array<i32>} : memref<10000xi32, #tpu.memory_space<vmem>>, vector<16xi32>,
      %swap3A_492 = vector.shape_cast %swap3A_491 : vector<16xi32> to vector<16xi32>
      %swap3A_493 = vector.shape_cast %or3A_489 : vector<16xi32> to vector<16xi32>
      tpu.vector_store %arg7[%swap3A_490], %swap3A_493 {strides = array<i32>} : memref<10000xi32, #tpu.memory_space<vmem>>, vector<16xi32>,
      %add3A_494 = arith.constant 1 : i32
      %add3A_495 = arith.addi %mul3A_23, %add3A_494 : i32
      %mul3A_496 = arith.constant 80 : i32
      %mul3A_497 = arith.muli %mul3A_496, %add3A_495 : i32
      %add3A_498 = arith.constant 32 : i32
      %add3A_499 = arith.addi %mul3A_497, %add3A_498 : i32
      %get3A_500 = arith.index_cast %add3A_499 : i32 to index
      %get3A_501 = tpu.vector_load %arg7[%get3A_500] {strides = array<i32>} : memref<10000xi32, #tpu.memory_space<vmem>>, vector<16xi32>,
      %get3A_502 = vector.shape_cast %get3A_501 : vector<16xi32> to vector<16xi32>
      %get3A_503 = arith.index_cast %add3A_499 : i32 to index
      %get3A_504 = tpu.vector_load %arg8[%get3A_503] {strides = array<i32>} : memref<10000xi32, #tpu.memory_space<vmem>>, vector<16xi32>,
      %get3A_505 = vector.shape_cast %get3A_504 : vector<16xi32> to vector<16xi32>
      %shift_left3A_506 = arith.constant 16 : i32
      %shift_left3A_507 = vector.broadcast %shift_left3A_506 : i32 to vector<16xi32>
      %shift_left3A_508 = arith.shli %get3A_505, %shift_left3A_507 : vector<16xi32>
      %or3A_509 = arith.ori %get3A_502, %shift_left3A_508 : vector<16xi32>
      %swap3A_510 = arith.index_cast %add3A_499 : i32 to index
      %swap3A_511 = tpu.vector_load %arg7[%swap3A_510] {strides = array<i32>} : memref<10000xi32, #tpu.memory_space<vmem>>, vector<16xi32>,
      %swap3A_512 = vector.shape_cast %swap3A_511 : vector<16xi32> to vector<16xi32>
      %swap3A_513 = vector.shape_cast %or3A_509 : vector<16xi32> to vector<16xi32>
      tpu.vector_store %arg7[%swap3A_510], %swap3A_513 {strides = array<i32>} : memref<10000xi32, #tpu.memory_space<vmem>>, vector<16xi32>,
      %add3A_514 = arith.constant 1 : i32
      %add3A_515 = arith.addi %mul3A_23, %add3A_514 : i32
      %mul3A_516 = arith.constant 80 : i32
      %mul3A_517 = arith.muli %mul3A_516, %add3A_515 : i32
      %add3A_518 = arith.constant 48 : i32
      %add3A_519 = arith.addi %mul3A_517, %add3A_518 : i32
      %get3A_520 = arith.index_cast %add3A_519 : i32 to index
      %get3A_521 = tpu.vector_load %arg7[%get3A_520] {strides = array<i32>} : memref<10000xi32, #tpu.memory_space<vmem>>, vector<16xi32>,
      %get3A_522 = vector.shape_cast %get3A_521 : vector<16xi32> to vector<16xi32>
      %get3A_523 = arith.index_cast %add3A_519 : i32 to index
      %get3A_524 = tpu.vector_load %arg8[%get3A_523] {strides = array<i32>} : memref<10000xi32, #tpu.memory_space<vmem>>, vector<16xi32>,
      %get3A_525 = vector.shape_cast %get3A_524 : vector<16xi32> to vector<16xi32>
      %shift_left3A_526 = arith.constant 16 : i32
      %shift_left3A_527 = vector.broadcast %shift_left3A_526 : i32 to vector<16xi32>
      %shift_left3A_528 = arith.shli %get3A_525, %shift_left3A_527 : vector<16xi32>
      %or3A_529 = arith.ori %get3A_522, %shift_left3A_528 : vector<16xi32>
      %swap3A_530 = arith.index_cast %add3A_519 : i32 to index
      %swap3A_531 = tpu.vector_load %arg7[%swap3A_530] {strides = array<i32>} : memref<10000xi32, #tpu.memory_space<vmem>>, vector<16xi32>,
      %swap3A_532 = vector.shape_cast %swap3A_531 : vector<16xi32> to vector<16xi32>
      %swap3A_533 = vector.shape_cast %or3A_529 : vector<16xi32> to vector<16xi32>
      tpu.vector_store %arg7[%swap3A_530], %swap3A_533 {strides = array<i32>} : memref<10000xi32, #tpu.memory_space<vmem>>, vector<16xi32>,
      %add3A_534 = arith.constant 1 : i32
      %add3A_535 = arith.addi %mul3A_23, %add3A_534 : i32
      %mul3A_536 = arith.constant 80 : i32
      %mul3A_537 = arith.muli %mul3A_536, %add3A_535 : i32
      %add3A_538 = arith.constant 64 : i32
      %add3A_539 = arith.addi %mul3A_537, %add3A_538 : i32
      %get3A_540 = arith.index_cast %add3A_539 : i32 to index
      %get3A_541 = tpu.vector_load %arg7[%get3A_540] {strides = array<i32>} : memref<10000xi32, #tpu.memory_space<vmem>>, vector<16xi32>,
      %get3A_542 = vector.shape_cast %get3A_541 : vector<16xi32> to vector<16xi32>
      %get3A_543 = arith.index_cast %add3A_539 : i32 to index
      %get3A_544 = tpu.vector_load %arg8[%get3A_543] {strides = array<i32>} : memref<10000xi32, #tpu.memory_space<vmem>>, vector<16xi32>,
      %get3A_545 = vector.shape_cast %get3A_544 : vector<16xi32> to vector<16xi32>
      %shift_left3A_546 = arith.constant 16 : i32
      %shift_left3A_547 = vector.broadcast %shift_left3A_546 : i32 to vector<16xi32>
      %shift_left3A_548 = arith.shli %get3A_545, %shift_left3A_547 : vector<16xi32>
      %or3A_549 = arith.ori %get3A_542, %shift_left3A_548 : vector<16xi32>
      %swap3A_550 = arith.index_cast %add3A_539 : i32 to index
      %swap3A_551 = tpu.vector_load %arg7[%swap3A_550] {strides = array<i32>} : memref<10000xi32, #tpu.memory_space<vmem>>, vector<16xi32>,
      %swap3A_552 = vector.shape_cast %swap3A_551 : vector<16xi32> to vector<16xi32>
      %swap3A_553 = vector.shape_cast %or3A_549 : vector<16xi32> to vector<16xi32>
      tpu.vector_store %arg7[%swap3A_550], %swap3A_553 {strides = array<i32>} : memref<10000xi32, #tpu.memory_space<vmem>>, vector<16xi32>,
      %add3A_554 = arith.constant 2 : i32
      %add3A_555 = arith.addi %mul3A_23, %add3A_554 : i32
      %mul3A_556 = arith.constant 80 : i32
      %mul3A_557 = arith.muli %mul3A_556, %add3A_555 : i32
      %add3A_558 = arith.constant 0 : i32
      %add3A_559 = arith.addi %mul3A_557, %add3A_558 : i32
      %get3A_560 = arith.index_cast %add3A_559 : i32 to index
      %get3A_561 = tpu.vector_load %arg7[%get3A_560] {strides = array<i32>} : memref<10000xi32, #tpu.memory_space<vmem>>, vector<16xi32>,
      %get3A_562 = vector.shape_cast %get3A_561 : vector<16xi32> to vector<16xi32>
      %get3A_563 = arith.index_cast %add3A_559 : i32 to index
      %get3A_564 = tpu.vector_load %arg8[%get3A_563] {strides = array<i32>} : memref<10000xi32, #tpu.memory_space<vmem>>, vector<16xi32>,
      %get3A_565 = vector.shape_cast %get3A_564 : vector<16xi32> to vector<16xi32>
      %shift_left3A_566 = arith.constant 16 : i32
      %shift_left3A_567 = vector.broadcast %shift_left3A_566 : i32 to vector<16xi32>
      %shift_left3A_568 = arith.shli %get3A_565, %shift_left3A_567 : vector<16xi32>
      %or3A_569 = arith.ori %get3A_562, %shift_left3A_568 : vector<16xi32>
      %swap3A_570 = arith.index_cast %add3A_559 : i32 to index
      %swap3A_571 = tpu.vector_load %arg7[%swap3A_570] {strides = array<i32>} : memref<10000xi32, #tpu.memory_space<vmem>>, vector<16xi32>,
      %swap3A_572 = vector.shape_cast %swap3A_571 : vector<16xi32> to vector<16xi32>
      %swap3A_573 = vector.shape_cast %or3A_569 : vector<16xi32> to vector<16xi32>
      tpu.vector_store %arg7[%swap3A_570], %swap3A_573 {strides = array<i32>} : memref<10000xi32, #tpu.memory_space<vmem>>, vector<16xi32>,
      %add3A_574 = arith.constant 2 : i32
      %add3A_575 = arith.addi %mul3A_23, %add3A_574 : i32
      %mul3A_576 = arith.constant 80 : i32
      %mul3A_577 = arith.muli %mul3A_576, %add3A_575 : i32
      %add3A_578 = arith.constant 16 : i32
      %add3A_579 = arith.addi %mul3A_577, %add3A_578 : i32
      %get3A_580 = arith.index_cast %add3A_579 : i32 to index
      %get3A_581 = tpu.vector_load %arg7[%get3A_580] {strides = array<i32>} : memref<10000xi32, #tpu.memory_space<vmem>>, vector<16xi32>,
      %get3A_582 = vector.shape_cast %get3A_581 : vector<16xi32> to vector<16xi32>
      %get3A_583 = arith.index_cast %add3A_579 : i32 to index
      %get3A_584 = tpu.vector_load %arg8[%get3A_583] {strides = array<i32>} : memref<10000xi32, #tpu.memory_space<vmem>>, vector<16xi32>,
      %get3A_585 = vector.shape_cast %get3A_584 : vector<16xi32> to vector<16xi32>
      %shift_left3A_586 = arith.constant 16 : i32
      %shift_left3A_587 = vector.broadcast %shift_left3A_586 : i32 to vector<16xi32>
      %shift_left3A_588 = arith.shli %get3A_585, %shift_left3A_587 : vector<16xi32>
      %or3A_589 = arith.ori %get3A_582, %shift_left3A_588 : vector<16xi32>
      %swap3A_590 = arith.index_cast %add3A_579 : i32 to index
      %swap3A_591 = tpu.vector_load %arg7[%swap3A_590] {strides = array<i32>} : memref<10000xi32, #tpu.memory_space<vmem>>, vector<16xi32>,
      %swap3A_592 = vector.shape_cast %swap3A_591 : vector<16xi32> to vector<16xi32>
      %swap3A_593 = vector.shape_cast %or3A_589 : vector<16xi32> to vector<16xi32>
      tpu.vector_store %arg7[%swap3A_590], %swap3A_593 {strides = array<i32>} : memref<10000xi32, #tpu.memory_space<vmem>>, vector<16xi32>,
      %add3A_594 = arith.constant 2 : i32
      %add3A_595 = arith.addi %mul3A_23, %add3A_594 : i32
      %mul3A_596 = arith.constant 80 : i32
      %mul3A_597 = arith.muli %mul3A_596, %add3A_595 : i32
      %add3A_598 = arith.constant 32 : i32
      %add3A_599 = arith.addi %mul3A_597, %add3A_598 : i32
      %get3A_600 = arith.index_cast %add3A_599 : i32 to index
      %get3A_601 = tpu.vector_load %arg7[%get3A_600] {strides = array<i32>} : memref<10000xi32, #tpu.memory_space<vmem>>, vector<16xi32>,
      %get3A_602 = vector.shape_cast %get3A_601 : vector<16xi32> to vector<16xi32>
      %get3A_603 = arith.index_cast %add3A_599 : i32 to index
      %get3A_604 = tpu.vector_load %arg8[%get3A_603] {strides = array<i32>} : memref<10000xi32, #tpu.memory_space<vmem>>, vector<16xi32>,
      %get3A_605 = vector.shape_cast %get3A_604 : vector<16xi32> to vector<16xi32>
      %shift_left3A_606 = arith.constant 16 : i32
      %shift_left3A_607 = vector.broadcast %shift_left3A_606 : i32 to vector<16xi32>
      %shift_left3A_608 = arith.shli %get3A_605, %shift_left3A_607 : vector<16xi32>
      %or3A_609 = arith.ori %get3A_602, %shift_left3A_608 : vector<16xi32>
      %swap3A_610 = arith.index_cast %add3A_599 : i32 to index
      %swap3A_611 = tpu.vector_load %arg7[%swap3A_610] {strides = array<i32>} : memref<10000xi32, #tpu.memory_space<vmem>>, vector<16xi32>,
      %swap3A_612 = vector.shape_cast %swap3A_611 : vector<16xi32> to vector<16xi32>
      %swap3A_613 = vector.shape_cast %or3A_609 : vector<16xi32> to vector<16xi32>
      tpu.vector_store %arg7[%swap3A_610], %swap3A_613 {strides = array<i32>} : memref<10000xi32, #tpu.memory_space<vmem>>, vector<16xi32>,
      %add3A_614 = arith.constant 2 : i32
      %add3A_615 = arith.addi %mul3A_23, %add3A_614 : i32
      %mul3A_616 = arith.constant 80 : i32
      %mul3A_617 = arith.muli %mul3A_616, %add3A_615 : i32
      %add3A_618 = arith.constant 48 : i32
      %add3A_619 = arith.addi %mul3A_617, %add3A_618 : i32
      %get3A_620 = arith.index_cast %add3A_619 : i32 to index
      %get3A_621 = tpu.vector_load %arg7[%get3A_620] {strides = array<i32>} : memref<10000xi32, #tpu.memory_space<vmem>>, vector<16xi32>,
      %get3A_622 = vector.shape_cast %get3A_621 : vector<16xi32> to vector<16xi32>
      %get3A_623 = arith.index_cast %add3A_619 : i32 to index
      %get3A_624 = tpu.vector_load %arg8[%get3A_623] {strides = array<i32>} : memref<10000xi32, #tpu.memory_space<vmem>>, vector<16xi32>,
      %get3A_625 = vector.shape_cast %get3A_624 : vector<16xi32> to vector<16xi32>
      %shift_left3A_626 = arith.constant 16 : i32
      %shift_left3A_627 = vector.broadcast %shift_left3A_626 : i32 to vector<16xi32>
      %shift_left3A_628 = arith.shli %get3A_625, %shift_left3A_627 : vector<16xi32>
      %or3A_629 = arith.ori %get3A_622, %shift_left3A_628 : vector<16xi32>
      %swap3A_630 = arith.index_cast %add3A_619 : i32 to index
      %swap3A_631 = tpu.vector_load %arg7[%swap3A_630] {strides = array<i32>} : memref<10000xi32, #tpu.memory_space<vmem>>, vector<16xi32>,
      %swap3A_632 = vector.shape_cast %swap3A_631 : vector<16xi32> to vector<16xi32>
      %swap3A_633 = vector.shape_cast %or3A_629 : vector<16xi32> to vector<16xi32>
      tpu.vector_store %arg7[%swap3A_630], %swap3A_633 {strides = array<i32>} : memref<10000xi32, #tpu.memory_space<vmem>>, vector<16xi32>,
      %add3A_634 = arith.constant 2 : i32
      %add3A_635 = arith.addi %mul3A_23, %add3A_634 : i32
      %mul3A_636 = arith.constant 80 : i32
      %mul3A_637 = arith.muli %mul3A_636, %add3A_635 : i32
      %add3A_638 = arith.constant 64 : i32
      %add3A_639 = arith.addi %mul3A_637, %add3A_638 : i32
      %get3A_640 = arith.index_cast %add3A_639 : i32 to index
      %get3A_641 = tpu.vector_load %arg7[%get3A_640] {strides = array<i32>} : memref<10000xi32, #tpu.memory_space<vmem>>, vector<16xi32>,
      %get3A_642 = vector.shape_cast %get3A_641 : vector<16xi32> to vector<16xi32>
      %get3A_643 = arith.index_cast %add3A_639 : i32 to index
      %get3A_644 = tpu.vector_load %arg8[%get3A_643] {strides = array<i32>} : memref<10000xi32, #tpu.memory_space<vmem>>, vector<16xi32>,
      %get3A_645 = vector.shape_cast %get3A_644 : vector<16xi32> to vector<16xi32>
      %shift_left3A_646 = arith.constant 16 : i32
      %shift_left3A_647 = vector.broadcast %shift_left3A_646 : i32 to vector<16xi32>
      %shift_left3A_648 = arith.shli %get3A_645, %shift_left3A_647 : vector<16xi32>
      %or3A_649 = arith.ori %get3A_642, %shift_left3A_648 : vector<16xi32>
      %swap3A_650 = arith.index_cast %add3A_639 : i32 to index
      %swap3A_651 = tpu.vector_load %arg7[%swap3A_650] {strides = array<i32>} : memref<10000xi32, #tpu.memory_space<vmem>>, vector<16xi32>,
      %swap3A_652 = vector.shape_cast %swap3A_651 : vector<16xi32> to vector<16xi32>
      %swap3A_653 = vector.shape_cast %or3A_649 : vector<16xi32> to vector<16xi32>
      tpu.vector_store %arg7[%swap3A_650], %swap3A_653 {strides = array<i32>} : memref<10000xi32, #tpu.memory_space<vmem>>, vector<16xi32>,
      %add3A_654 = arith.constant 3 : i32
      %add3A_655 = arith.addi %mul3A_23, %add3A_654 : i32
      %mul3A_656 = arith.constant 80 : i32
      %mul3A_657 = arith.muli %mul3A_656, %add3A_655 : i32
      %add3A_658 = arith.constant 0 : i32
      %add3A_659 = arith.addi %mul3A_657, %add3A_658 : i32
      %get3A_660 = arith.index_cast %add3A_659 : i32 to index
      %get3A_661 = tpu.vector_load %arg7[%get3A_660] {strides = array<i32>} : memref<10000xi32, #tpu.memory_space<vmem>>, vector<16xi32>,
      %get3A_662 = vector.shape_cast %get3A_661 : vector<16xi32> to vector<16xi32>
      %get3A_663 = arith.index_cast %add3A_659 : i32 to index
      %get3A_664 = tpu.vector_load %arg8[%get3A_663] {strides = array<i32>} : memref<10000xi32, #tpu.memory_space<vmem>>, vector<16xi32>,
      %get3A_665 = vector.shape_cast %get3A_664 : vector<16xi32> to vector<16xi32>
      %shift_left3A_666 = arith.constant 16 : i32
      %shift_left3A_667 = vector.broadcast %shift_left3A_666 : i32 to vector<16xi32>
      %shift_left3A_668 = arith.shli %get3A_665, %shift_left3A_667 : vector<16xi32>
      %or3A_669 = arith.ori %get3A_662, %shift_left3A_668 : vector<16xi32>
      %swap3A_670 = arith.index_cast %add3A_659 : i32 to index
      %swap3A_671 = tpu.vector_load %arg7[%swap3A_670] {strides = array<i32>} : memref<10000xi32, #tpu.memory_space<vmem>>, vector<16xi32>,
      %swap3A_672 = vector.shape_cast %swap3A_671 : vector<16xi32> to vector<16xi32>
      %swap3A_673 = vector.shape_cast %or3A_669 : vector<16xi32> to vector<16xi32>
      tpu.vector_store %arg7[%swap3A_670], %swap3A_673 {strides = array<i32>} : memref<10000xi32, #tpu.memory_space<vmem>>, vector<16xi32>,
      %add3A_674 = arith.constant 3 : i32
      %add3A_675 = arith.addi %mul3A_23, %add3A_674 : i32
      %mul3A_676 = arith.constant 80 : i32
      %mul3A_677 = arith.muli %mul3A_676, %add3A_675 : i32
      %add3A_678 = arith.constant 16 : i32
      %add3A_679 = arith.addi %mul3A_677, %add3A_678 : i32
      %get3A_680 = arith.index_cast %add3A_679 : i32 to index
      %get3A_681 = tpu.vector_load %arg7[%get3A_680] {strides = array<i32>} : memref<10000xi32, #tpu.memory_space<vmem>>, vector<16xi32>,
      %get3A_682 = vector.shape_cast %get3A_681 : vector<16xi32> to vector<16xi32>
      %get3A_683 = arith.index_cast %add3A_679 : i32 to index
      %get3A_684 = tpu.vector_load %arg8[%get3A_683] {strides = array<i32>} : memref<10000xi32, #tpu.memory_space<vmem>>, vector<16xi32>,
      %get3A_685 = vector.shape_cast %get3A_684 : vector<16xi32> to vector<16xi32>
      %shift_left3A_686 = arith.constant 16 : i32
      %shift_left3A_687 = vector.broadcast %shift_left3A_686 : i32 to vector<16xi32>
      %shift_left3A_688 = arith.shli %get3A_685, %shift_left3A_687 : vector<16xi32>
      %or3A_689 = arith.ori %get3A_682, %shift_left3A_688 : vector<16xi32>
      %swap3A_690 = arith.index_cast %add3A_679 : i32 to index
      %swap3A_691 = tpu.vector_load %arg7[%swap3A_690] {strides = array<i32>} : memref<10000xi32, #tpu.memory_space<vmem>>, vector<16xi32>,
      %swap3A_692 = vector.shape_cast %swap3A_691 : vector<16xi32> to vector<16xi32>
      %swap3A_693 = vector.shape_cast %or3A_689 : vector<16xi32> to vector<16xi32>
      tpu.vector_store %arg7[%swap3A_690], %swap3A_693 {strides = array<i32>} : memref<10000xi32, #tpu.memory_space<vmem>>, vector<16xi32>,
      %add3A_694 = arith.constant 3 : i32
      %add3A_695 = arith.addi %mul3A_23, %add3A_694 : i32
      %mul3A_696 = arith.constant 80 : i32
      %mul3A_697 = arith.muli %mul3A_696, %add3A_695 : i32
      %add3A_698 = arith.constant 32 : i32
      %add3A_699 = arith.addi %mul3A_697, %add3A_698 : i32
      %get3A_700 = arith.index_cast %add3A_699 : i32 to index
      %get3A_701 = tpu.vector_load %arg7[%get3A_700] {strides = array<i32>} : memref<10000xi32, #tpu.memory_space<vmem>>, vector<16xi32>,
      %get3A_702 = vector.shape_cast %get3A_701 : vector<16xi32> to vector<16xi32>
      %get3A_703 = arith.index_cast %add3A_699 : i32 to index
      %get3A_704 = tpu.vector_load %arg8[%get3A_703] {strides = array<i32>} : memref<10000xi32, #tpu.memory_space<vmem>>, vector<16xi32>,
      %get3A_705 = vector.shape_cast %get3A_704 : vector<16xi32> to vector<16xi32>
      %shift_left3A_706 = arith.constant 16 : i32
      %shift_left3A_707 = vector.broadcast %shift_left3A_706 : i32 to vector<16xi32>
      %shift_left3A_708 = arith.shli %get3A_705, %shift_left3A_707 : vector<16xi32>
      %or3A_709 = arith.ori %get3A_702, %shift_left3A_708 : vector<16xi32>
      %swap3A_710 = arith.index_cast %add3A_699 : i32 to index
      %swap3A_711 = tpu.vector_load %arg7[%swap3A_710] {strides = array<i32>} : memref<10000xi32, #tpu.memory_space<vmem>>, vector<16xi32>,
      %swap3A_712 = vector.shape_cast %swap3A_711 : vector<16xi32> to vector<16xi32>
      %swap3A_713 = vector.shape_cast %or3A_709 : vector<16xi32> to vector<16xi32>
      tpu.vector_store %arg7[%swap3A_710], %swap3A_713 {strides = array<i32>} : memref<10000xi32, #tpu.memory_space<vmem>>, vector<16xi32>,
      %add3A_714 = arith.constant 3 : i32
      %add3A_715 = arith.addi %mul3A_23, %add3A_714 : i32
      %mul3A_716 = arith.constant 80 : i32
      %mul3A_717 = arith.muli %mul3A_716, %add3A_715 : i32
      %add3A_718 = arith.constant 48 : i32
      %add3A_719 = arith.addi %mul3A_717, %add3A_718 : i32
      %get3A_720 = arith.index_cast %add3A_719 : i32 to index
      %get3A_721 = tpu.vector_load %arg7[%get3A_720] {strides = array<i32>} : memref<10000xi32, #tpu.memory_space<vmem>>, vector<16xi32>,
      %get3A_722 = vector.shape_cast %get3A_721 : vector<16xi32> to vector<16xi32>
      %get3A_723 = arith.index_cast %add3A_719 : i32 to index
      %get3A_724 = tpu.vector_load %arg8[%get3A_723] {strides = array<i32>} : memref<10000xi32, #tpu.memory_space<vmem>>, vector<16xi32>,
      %get3A_725 = vector.shape_cast %get3A_724 : vector<16xi32> to vector<16xi32>
      %shift_left3A_726 = arith.constant 16 : i32
      %shift_left3A_727 = vector.broadcast %shift_left3A_726 : i32 to vector<16xi32>
      %shift_left3A_728 = arith.shli %get3A_725, %shift_left3A_727 : vector<16xi32>
      %or3A_729 = arith.ori %get3A_722, %shift_left3A_728 : vector<16xi32>
      %swap3A_730 = arith.index_cast %add3A_719 : i32 to index
      %swap3A_731 = tpu.vector_load %arg7[%swap3A_730] {strides = array<i32>} : memref<10000xi32, #tpu.memory_space<vmem>>, vector<16xi32>,
      %swap3A_732 = vector.shape_cast %swap3A_731 : vector<16xi32> to vector<16xi32>
      %swap3A_733 = vector.shape_cast %or3A_729 : vector<16xi32> to vector<16xi32>
      tpu.vector_store %arg7[%swap3A_730], %swap3A_733 {strides = array<i32>} : memref<10000xi32, #tpu.memory_space<vmem>>, vector<16xi32>,
      %add3A_734 = arith.constant 3 : i32
      %add3A_735 = arith.addi %mul3A_23, %add3A_734 : i32
      %mul3A_736 = arith.constant 80 : i32
      %mul3A_737 = arith.muli %mul3A_736, %add3A_735 : i32
      %add3A_738 = arith.constant 64 : i32
      %add3A_739 = arith.addi %mul3A_737, %add3A_738 : i32
      %get3A_740 = arith.index_cast %add3A_739 : i32 to index
      %get3A_741 = tpu.vector_load %arg7[%get3A_740] {strides = array<i32>} : memref<10000xi32, #tpu.memory_space<vmem>>, vector<16xi32>,
      %get3A_742 = vector.shape_cast %get3A_741 : vector<16xi32> to vector<16xi32>
      %get3A_743 = arith.index_cast %add3A_739 : i32 to index
      %get3A_744 = tpu.vector_load %arg8[%get3A_743] {strides = array<i32>} : memref<10000xi32, #tpu.memory_space<vmem>>, vector<16xi32>,
      %get3A_745 = vector.shape_cast %get3A_744 : vector<16xi32> to vector<16xi32>
      %shift_left3A_746 = arith.constant 16 : i32
      %shift_left3A_747 = vector.broadcast %shift_left3A_746 : i32 to vector<16xi32>
      %shift_left3A_748 = arith.shli %get3A_745, %shift_left3A_747 : vector<16xi32>
      %or3A_749 = arith.ori %get3A_742, %shift_left3A_748 : vector<16xi32>
      %swap3A_750 = arith.index_cast %add3A_739 : i32 to index
      %swap3A_751 = tpu.vector_load %arg7[%swap3A_750] {strides = array<i32>} : memref<10000xi32, #tpu.memory_space<vmem>>, vector<16xi32>,
      %swap3A_752 = vector.shape_cast %swap3A_751 : vector<16xi32> to vector<16xi32>
      %swap3A_753 = vector.shape_cast %or3A_749 : vector<16xi32> to vector<16xi32>
      tpu.vector_store %arg7[%swap3A_750], %swap3A_753 {strides = array<i32>} : memref<10000xi32, #tpu.memory_space<vmem>>, vector<16xi32>,
      %add3A_754 = arith.constant 4 : i32
      %add3A_755 = arith.addi %mul3A_23, %add3A_754 : i32
      %mul3A_756 = arith.constant 80 : i32
      %mul3A_757 = arith.muli %mul3A_756, %add3A_755 : i32
      %add3A_758 = arith.constant 0 : i32
      %add3A_759 = arith.addi %mul3A_757, %add3A_758 : i32
      %get3A_760 = arith.index_cast %add3A_759 : i32 to index
      %get3A_761 = tpu.vector_load %arg7[%get3A_760] {strides = array<i32>} : memref<10000xi32, #tpu.memory_space<vmem>>, vector<16xi32>,
      %get3A_762 = vector.shape_cast %get3A_761 : vector<16xi32> to vector<16xi32>
      %get3A_763 = arith.index_cast %add3A_759 : i32 to index
      %get3A_764 = tpu.vector_load %arg8[%get3A_763] {strides = array<i32>} : memref<10000xi32, #tpu.memory_space<vmem>>, vector<16xi32>,
      %get3A_765 = vector.shape_cast %get3A_764 : vector<16xi32> to vector<16xi32>
      %shift_left3A_766 = arith.constant 16 : i32
      %shift_left3A_767 = vector.broadcast %shift_left3A_766 : i32 to vector<16xi32>
      %shift_left3A_768 = arith.shli %get3A_765, %shift_left3A_767 : vector<16xi32>
      %or3A_769 = arith.ori %get3A_762, %shift_left3A_768 : vector<16xi32>
      %swap3A_770 = arith.index_cast %add3A_759 : i32 to index
      %swap3A_771 = tpu.vector_load %arg7[%swap3A_770] {strides = array<i32>} : memref<10000xi32, #tpu.memory_space<vmem>>, vector<16xi32>,
      %swap3A_772 = vector.shape_cast %swap3A_771 : vector<16xi32> to vector<16xi32>
      %swap3A_773 = vector.shape_cast %or3A_769 : vector<16xi32> to vector<16xi32>
      tpu.vector_store %arg7[%swap3A_770], %swap3A_773 {strides = array<i32>} : memref<10000xi32, #tpu.memory_space<vmem>>, vector<16xi32>,
      %add3A_774 = arith.constant 4 : i32
      %add3A_775 = arith.addi %mul3A_23, %add3A_774 : i32
      %mul3A_776 = arith.constant 80 : i32
      %mul3A_777 = arith.muli %mul3A_776, %add3A_775 : i32
      %add3A_778 = arith.constant 16 : i32
      %add3A_779 = arith.addi %mul3A_777, %add3A_778 : i32
      %get3A_780 = arith.index_cast %add3A_779 : i32 to index
      %get3A_781 = tpu.vector_load %arg7[%get3A_780] {strides = array<i32>} : memref<10000xi32, #tpu.memory_space<vmem>>, vector<16xi32>,
      %get3A_782 = vector.shape_cast %get3A_781 : vector<16xi32> to vector<16xi32>
      %get3A_783 = arith.index_cast %add3A_779 : i32 to index
      %get3A_784 = tpu.vector_load %arg8[%get3A_783] {strides = array<i32>} : memref<10000xi32, #tpu.memory_space<vmem>>, vector<16xi32>,
      %get3A_785 = vector.shape_cast %get3A_784 : vector<16xi32> to vector<16xi32>
      %shift_left3A_786 = arith.constant 16 : i32
      %shift_left3A_787 = vector.broadcast %shift_left3A_786 : i32 to vector<16xi32>
      %shift_left3A_788 = arith.shli %get3A_785, %shift_left3A_787 : vector<16xi32>
      %or3A_789 = arith.ori %get3A_782, %shift_left3A_788 : vector<16xi32>
      %swap3A_790 = arith.index_cast %add3A_779 : i32 to index
      %swap3A_791 = tpu.vector_load %arg7[%swap3A_790] {strides = array<i32>} : memref<10000xi32, #tpu.memory_space<vmem>>, vector<16xi32>,
      %swap3A_792 = vector.shape_cast %swap3A_791 : vector<16xi32> to vector<16xi32>
      %swap3A_793 = vector.shape_cast %or3A_789 : vector<16xi32> to vector<16xi32>
      tpu.vector_store %arg7[%swap3A_790], %swap3A_793 {strides = array<i32>} : memref<10000xi32, #tpu.memory_space<vmem>>, vector<16xi32>,
      %add3A_794 = arith.constant 4 : i32
      %add3A_795 = arith.addi %mul3A_23, %add3A_794 : i32
      %mul3A_796 = arith.constant 80 : i32
      %mul3A_797 = arith.muli %mul3A_796, %add3A_795 : i32
      %add3A_798 = arith.constant 32 : i32
      %add3A_799 = arith.addi %mul3A_797, %add3A_798 : i32
      %get3A_800 = arith.index_cast %add3A_799 : i32 to index
      %get3A_801 = tpu.vector_load %arg7[%get3A_800] {strides = array<i32>} : memref<10000xi32, #tpu.memory_space<vmem>>, vector<16xi32>,
      %get3A_802 = vector.shape_cast %get3A_801 : vector<16xi32> to vector<16xi32>
      %get3A_803 = arith.index_cast %add3A_799 : i32 to index
      %get3A_804 = tpu.vector_load %arg8[%get3A_803] {strides = array<i32>} : memref<10000xi32, #tpu.memory_space<vmem>>, vector<16xi32>,
      %get3A_805 = vector.shape_cast %get3A_804 : vector<16xi32> to vector<16xi32>
      %shift_left3A_806 = arith.constant 16 : i32
      %shift_left3A_807 = vector.broadcast %shift_left3A_806 : i32 to vector<16xi32>
      %shift_left3A_808 = arith.shli %get3A_805, %shift_left3A_807 : vector<16xi32>
      %or3A_809 = arith.ori %get3A_802, %shift_left3A_808 : vector<16xi32>
      %swap3A_810 = arith.index_cast %add3A_799 : i32 to index
      %swap3A_811 = tpu.vector_load %arg7[%swap3A_810] {strides = array<i32>} : memref<10000xi32, #tpu.memory_space<vmem>>, vector<16xi32>,
      %swap3A_812 = vector.shape_cast %swap3A_811 : vector<16xi32> to vector<16xi32>
      %swap3A_813 = vector.shape_cast %or3A_809 : vector<16xi32> to vector<16xi32>
      tpu.vector_store %arg7[%swap3A_810], %swap3A_813 {strides = array<i32>} : memref<10000xi32, #tpu.memory_space<vmem>>, vector<16xi32>,
      %add3A_814 = arith.constant 4 : i32
      %add3A_815 = arith.addi %mul3A_23, %add3A_814 : i32
      %mul3A_816 = arith.constant 80 : i32
      %mul3A_817 = arith.muli %mul3A_816, %add3A_815 : i32
      %add3A_818 = arith.constant 48 : i32
      %add3A_819 = arith.addi %mul3A_817, %add3A_818 : i32
      %get3A_820 = arith.index_cast %add3A_819 : i32 to index
      %get3A_821 = tpu.vector_load %arg7[%get3A_820] {strides = array<i32>} : memref<10000xi32, #tpu.memory_space<vmem>>, vector<16xi32>,
      %get3A_822 = vector.shape_cast %get3A_821 : vector<16xi32> to vector<16xi32>
      %get3A_823 = arith.index_cast %add3A_819 : i32 to index
      %get3A_824 = tpu.vector_load %arg8[%get3A_823] {strides = array<i32>} : memref<10000xi32, #tpu.memory_space<vmem>>, vector<16xi32>,
      %get3A_825 = vector.shape_cast %get3A_824 : vector<16xi32> to vector<16xi32>
      %shift_left3A_826 = arith.constant 16 : i32
      %shift_left3A_827 = vector.broadcast %shift_left3A_826 : i32 to vector<16xi32>
      %shift_left3A_828 = arith.shli %get3A_825, %shift_left3A_827 : vector<16xi32>
      %or3A_829 = arith.ori %get3A_822, %shift_left3A_828 : vector<16xi32>
      %swap3A_830 = arith.index_cast %add3A_819 : i32 to index
      %swap3A_831 = tpu.vector_load %arg7[%swap3A_830] {strides = array<i32>} : memref<10000xi32, #tpu.memory_space<vmem>>, vector<16xi32>,
      %swap3A_832 = vector.shape_cast %swap3A_831 : vector<16xi32> to vector<16xi32>
      %swap3A_833 = vector.shape_cast %or3A_829 : vector<16xi32> to vector<16xi32>
      tpu.vector_store %arg7[%swap3A_830], %swap3A_833 {strides = array<i32>} : memref<10000xi32, #tpu.memory_space<vmem>>, vector<16xi32>,
      %add3A_834 = arith.constant 4 : i32
      %add3A_835 = arith.addi %mul3A_23, %add3A_834 : i32
      %mul3A_836 = arith.constant 80 : i32
      %mul3A_837 = arith.muli %mul3A_836, %add3A_835 : i32
      %add3A_838 = arith.constant 64 : i32
      %add3A_839 = arith.addi %mul3A_837, %add3A_838 : i32
      %get3A_840 = arith.index_cast %add3A_839 : i32 to index
      %get3A_841 = tpu.vector_load %arg7[%get3A_840] {strides = array<i32>} : memref<10000xi32, #tpu.memory_space<vmem>>, vector<16xi32>,
      %get3A_842 = vector.shape_cast %get3A_841 : vector<16xi32> to vector<16xi32>
      %get3A_843 = arith.index_cast %add3A_839 : i32 to index
      %get3A_844 = tpu.vector_load %arg8[%get3A_843] {strides = array<i32>} : memref<10000xi32, #tpu.memory_space<vmem>>, vector<16xi32>,
      %get3A_845 = vector.shape_cast %get3A_844 : vector<16xi32> to vector<16xi32>
      %shift_left3A_846 = arith.constant 16 : i32
      %shift_left3A_847 = vector.broadcast %shift_left3A_846 : i32 to vector<16xi32>
      %shift_left3A_848 = arith.shli %get3A_845, %shift_left3A_847 : vector<16xi32>
      %or3A_849 = arith.ori %get3A_842, %shift_left3A_848 : vector<16xi32>
      %swap3A_850 = arith.index_cast %add3A_839 : i32 to index
      %swap3A_851 = tpu.vector_load %arg7[%swap3A_850] {strides = array<i32>} : memref<10000xi32, #tpu.memory_space<vmem>>, vector<16xi32>,
      %swap3A_852 = vector.shape_cast %swap3A_851 : vector<16xi32> to vector<16xi32>
      %swap3A_853 = vector.shape_cast %or3A_849 : vector<16xi32> to vector<16xi32>
      tpu.vector_store %arg7[%swap3A_850], %swap3A_853 {strides = array<i32>} : memref<10000xi32, #tpu.memory_space<vmem>>, vector<16xi32>,
      %dma_wait3A = arith.constant 0 : i32
      %dma_wait3A_854 = tpu.memref_slice %arg15[%dma_wait3A] : memref<10240xf32, #tpu.memory_space<vmem_shared>> -> memref<10240xf32, #tpu.memory_space<vmem_shared>>
      tpu.wait_indirect_dma semaphore(%arg16 : memref<!tpu.dma_semaphore, #tpu.memory_space<semaphore_mem>>) src(%arg9 : memref<80xf32, #tpu.memory_space<vmem>>) dst(%dma_wait3A_854 : memref<10240xf32, #tpu.memory_space<vmem_shared>>)
      %dma_wait3A_855 = arith.constant 0 : i32
      %dma_wait3A_856 = tpu.memref_slice %arg15[%dma_wait3A_855] : memref<10240xf32, #tpu.memory_space<vmem_shared>> -> memref<10240xf32, #tpu.memory_space<vmem_shared>>
      tpu.wait_indirect_dma semaphore(%arg16 : memref<!tpu.dma_semaphore, #tpu.memory_space<semaphore_mem>>) src(%arg9 : memref<80xf32, #tpu.memory_space<vmem>>) dst(%dma_wait3A_856 : memref<10240xf32, #tpu.memory_space<vmem_shared>>)
      %dma_wait3A_857 = arith.constant 0 : i32
      %dma_wait3A_858 = tpu.memref_slice %arg15[%dma_wait3A_857] : memref<10240xf32, #tpu.memory_space<vmem_shared>> -> memref<10240xf32, #tpu.memory_space<vmem_shared>>
      tpu.wait_indirect_dma semaphore(%arg16 : memref<!tpu.dma_semaphore, #tpu.memory_space<semaphore_mem>>) src(%arg9 : memref<80xf32, #tpu.memory_space<vmem>>) dst(%dma_wait3A_858 : memref<10240xf32, #tpu.memory_space<vmem_shared>>)
      %dma_wait3A_859 = arith.constant 0 : i32
      %dma_wait3A_860 = tpu.memref_slice %arg15[%dma_wait3A_859] : memref<10240xf32, #tpu.memory_space<vmem_shared>> -> memref<10240xf32, #tpu.memory_space<vmem_shared>>
      tpu.wait_indirect_dma semaphore(%arg16 : memref<!tpu.dma_semaphore, #tpu.memory_space<semaphore_mem>>) src(%arg9 : memref<80xf32, #tpu.memory_space<vmem>>) dst(%dma_wait3A_860 : memref<10240xf32, #tpu.memory_space<vmem_shared>>)
      %dma_wait3A_861 = arith.constant 0 : i32
      %dma_wait3A_862 = tpu.memref_slice %arg15[%dma_wait3A_861] : memref<10240xf32, #tpu.memory_space<vmem_shared>> -> memref<10240xf32, #tpu.memory_space<vmem_shared>>
      tpu.wait_indirect_dma semaphore(%arg16 : memref<!tpu.dma_semaphore, #tpu.memory_space<semaphore_mem>>) src(%arg9 : memref<80xf32, #tpu.memory_space<vmem>>) dst(%dma_wait3A_862 : memref<10240xf32, #tpu.memory_space<vmem_shared>>)
    }
    %scan3A_13 = arith.constant 25 : i32
    %mul3A_14 = arith.constant 10000 : i32
    %mul3A_15 = arith.muli %add3A, %mul3A_14 : i32
    "tpu.region"() ({
      %run_scoped3A = tpu.sem_alloc : memref<!tpu.dma_semaphore, #tpu.memory_space<semaphore_mem>>
      %dma_start3A = tpu.memref_slice %arg6[%mul3A_15] : memref<320000xi32, #tpu.memory_space<hbm>> -> memref<10000xi32, #tpu.memory_space<hbm>>
      %dma_start3A_21 = tpu.memref_slice %arg6[%mul3A_15] : memref<320000xi32, #tpu.memory_space<hbm>> -> memref<10000xi32, #tpu.memory_space<hbm>>
      tpu.enqueue_dma source(%arg7 : memref<10000xi32, #tpu.memory_space<vmem>>) target(%dma_start3A_21 : memref<10000xi32, #tpu.memory_space<hbm>>) target_semaphore(%run_scoped3A : memref<!tpu.dma_semaphore, #tpu.memory_space<semaphore_mem>>)
      %dma_wait3A = tpu.memref_slice %arg6[%mul3A_15] : memref<320000xi32, #tpu.memory_space<hbm>> -> memref<10000xi32, #tpu.memory_space<hbm>>
      %dma_wait3A_22 = tpu.memref_slice %arg6[%mul3A_15] : memref<320000xi32, #tpu.memory_space<hbm>> -> memref<10000xi32, #tpu.memory_space<hbm>>
      tpu.wait_dma2 semaphore(%run_scoped3A : memref<!tpu.dma_semaphore, #tpu.memory_space<semaphore_mem>>) src(%arg7 : memref<10000xi32, #tpu.memory_space<vmem>>) dst(%dma_wait3A_22 : memref<10000xi32, #tpu.memory_space<hbm>>)
      tpu.yield
    }) : () -> ()
    %barrier3A_16 = arith.constant 0 : index
    tpu.barrier barrier_id(%barrier3A_16)
    %mul3A_17 = arith.constant 640 : i32
    %mul3A_18 = arith.muli %arg1, %mul3A_17 : i32
    %mul3A_19 = arith.constant 640 : i32
    %mul3A_20 = arith.muli %arg1, %mul3A_19 : i32
    "tpu.region"() ({
      %run_scoped3A = tpu.sem_alloc : memref<!tpu.dma_semaphore, #tpu.memory_space<semaphore_mem>>
      %dma_start3A = tpu.memref_slice %arg5[%arg0, %mul3A_20] : memref<2x10240xf32, #tpu.memory_space<hbm>> -> memref<1x640xf32, #tpu.memory_space<hbm>>
      %dma_start3A_21 = tpu.memref_squeeze %dma_start3A : memref<1x640xf32, #tpu.memory_space<hbm>> -> memref<640xf32, #tpu.memory_space<hbm>>
      %dma_start3A_22 = tpu.memref_slice %arg15[%mul3A_18] : memref<10240xf32, #tpu.memory_space<vmem_shared>> -> memref<640xf32, #tpu.memory_space<vmem_shared>>
      tpu.enqueue_dma source(%dma_start3A_22 : memref<640xf32, #tpu.memory_space<vmem_shared>>) target(%dma_start3A_21 : memref<640xf32, #tpu.memory_space<hbm>>) target_semaphore(%run_scoped3A : memref<!tpu.dma_semaphore, #tpu.memory_space<semaphore_mem>>)
      %dma_wait3A = tpu.memref_slice %arg5[%arg0, %mul3A_20] : memref<2x10240xf32, #tpu.memory_space<hbm>> -> memref<1x640xf32, #tpu.memory_space<hbm>>
      %dma_wait3A_23 = tpu.memref_squeeze %dma_wait3A : memref<1x640xf32, #tpu.memory_space<hbm>> -> memref<640xf32, #tpu.memory_space<hbm>>
      %dma_wait3A_24 = tpu.memref_slice %arg15[%mul3A_18] : memref<10240xf32, #tpu.memory_space<vmem_shared>> -> memref<640xf32, #tpu.memory_space<vmem_shared>>
      tpu.wait_dma2 semaphore(%run_scoped3A : memref<!tpu.dma_semaphore, #tpu.memory_space<semaphore_mem>>) src(%dma_wait3A_24 : memref<640xf32, #tpu.memory_space<vmem_shared>>) dst(%dma_wait3A_23 : memref<640xf32, #tpu.memory_space<hbm>>)
      tpu.yield
    }) : () -> ()
    return
  }
}

module attributes {stable_mosaic.version = 14 : i64} {
  func.func @_scale_body(%arg0: i32, %arg1: memref<1024x128xf32, #tpu.memory_space<vmem>>, %arg2: memref<1024x1xbf16, #tpu.memory_space<vmem>>, %arg3: memref<1024x128xf32, #tpu.memory_space<vmem>>, %arg4: memref<1024x1xbf16, #tpu.memory_space<vmem>>) attributes {dimension_semantics = [#tpu.dimension_semantics<arbitrary>], iteration_bounds = array<i64: 10>, scalar_prefetch = 0 : i64, scratch_operands = 0 : i64, tpu.core_type = #tpu.core_type<tc>, window_params = [{transform_indices = @transform_0, window_bounds = array<i64: 1024, 128>}, {transform_indices = @transform_1, window_bounds = array<i64: 1024, 1>}, {transform_indices = @transform_2, window_bounds = array<i64: 1024, 128>}, {transform_indices = @transform_3, window_bounds = array<i64: 1024, 1>}]} {
    %get3A = arith.constant 0 : index
    %get3A_0 = arith.constant 0 : index
    %get3A_1 = vector.load %arg2[%get3A, %get3A_0] : memref<1024x1xbf16, #tpu.memory_space<vmem>>, vector<1024x1xbf16>
    %convert_element_type3A = arith.extf %get3A_1 : vector<1024x1xbf16> to vector<1024x1xf32>
    %add3A = arith.constant 1.000000e+00 : f32
    %add3A_2 = vector.broadcast %add3A : f32 to vector<1024x1xf32>
    %add3A_3 = arith.addf %convert_element_type3A, %add3A_2 : vector<1024x1xf32>
    %rsqrt3A = math.rsqrt %add3A_3 : vector<1024x1xf32>
    %convert_element_type3A_4 = arith.truncf %rsqrt3A : vector<1024x1xf32> to vector<1024x1xbf16>
    %swap3A = arith.constant 0 : index
    %swap3A_5 = arith.constant 0 : index
    %swap3A_6 = vector.load %arg4[%swap3A, %swap3A_5] : memref<1024x1xbf16, #tpu.memory_space<vmem>>, vector<1024x1xbf16>
    tpu.vector_store %arg4[%swap3A, %swap3A_5], %convert_element_type3A_4 {strides = array<i32>} : memref<1024x1xbf16, #tpu.memory_space<vmem>>, vector<1024x1xbf16>,
    %get3A_7 = arith.constant 0 : index
    %get3A_8 = arith.constant 0 : index
    %get3A_9 = vector.load %arg1[%get3A_7, %get3A_8] : memref<1024x128xf32, #tpu.memory_space<vmem>>, vector<1024x128xf32>
    %mul3A = vector.broadcast %rsqrt3A : vector<1024x1xf32> to vector<1024x128xf32>
    %mul3A_10 = arith.mulf %mul3A, %get3A_9 : vector<1024x128xf32>
    %swap3A_11 = arith.constant 0 : index
    %swap3A_12 = arith.constant 0 : index
    %swap3A_13 = vector.load %arg3[%swap3A_11, %swap3A_12] : memref<1024x128xf32, #tpu.memory_space<vmem>>, vector<1024x128xf32>
    tpu.vector_store %arg3[%swap3A_11, %swap3A_12], %mul3A_10 {strides = array<i32>} : memref<1024x128xf32, #tpu.memory_space<vmem>>, vector<1024x128xf32>,
    return
  }
  func.func @transform_0(%arg0: i32) -> (i32, i32) {
    %c0_i32 = arith.constant 0 : i32
    %c0_i32_0 = arith.constant 0 : i32
    return %arg0, %c0_i32 : i32, i32
  }
  func.func @transform_1(%arg0: i32) -> (i32, i32) {
    %c0_i32 = arith.constant 0 : i32
    %c0_i32_0 = arith.constant 0 : i32
    return %arg0, %c0_i32 : i32, i32
  }
  func.func @transform_2(%arg0: i32) -> (i32, i32) {
    %c0_i32 = arith.constant 0 : i32
    %c0_i32_0 = arith.constant 0 : i32
    return %arg0, %c0_i32 : i32, i32
  }
  func.func @transform_3(%arg0: i32) -> (i32, i32) {
    %c0_i32 = arith.constant 0 : i32
    %c0_i32_0 = arith.constant 0 : i32
    return %arg0, %c0_i32 : i32, i32
  }
}

module attributes {stable_mosaic.version = 14 : i64} {
  func.func @_final_body(%arg0: i32, %arg1: memref<632x128xf32, #tpu.memory_space<vmem>>, %arg2: memref<632x128xf32, #tpu.memory_space<vmem>>, %arg3: memref<632x128xf32, #tpu.memory_space<vmem>>, %arg4: memref<632x1xbf16, #tpu.memory_space<vmem>>, %arg5: memref<128x128xf32, #tpu.memory_space<vmem>>, %arg6: memref<1x128xf32, #tpu.memory_space<vmem>>, %arg7: memref<632x128xf32, #tpu.memory_space<vmem>>, %arg8: memref<632x128xf32, #tpu.memory_space<vmem>>) attributes {dimension_semantics = [#tpu.dimension_semantics<arbitrary>], iteration_bounds = array<i64: 16>, scalar_prefetch = 0 : i64, scratch_operands = 0 : i64, tpu.core_type = #tpu.core_type<tc>, window_params = [{transform_indices = @transform_0, window_bounds = array<i64: 632, 128>}, {transform_indices = @transform_1, window_bounds = array<i64: 632, 128>}, {transform_indices = @transform_2, window_bounds = array<i64: 632, 128>}, {transform_indices = @transform_3, window_bounds = array<i64: 632, 1>}, {pipeline_mode = #tpu.pipeline_mode<synchronous>, transform_indices = @transform_4, window_bounds = array<i64: 128, 128>}, {pipeline_mode = #tpu.pipeline_mode<synchronous>, transform_indices = @transform_5, window_bounds = array<i64: 1, 128>}, {transform_indices = @transform_6, window_bounds = array<i64: 632, 128>}, {transform_indices = @transform_7, window_bounds = array<i64: 632, 128>}]} {
    %get3A = arith.constant 0 : index
    %get3A_0 = arith.constant 0 : index
    %get3A_1 = vector.load %arg4[%get3A, %get3A_0] : memref<632x1xbf16, #tpu.memory_space<vmem>>, vector<632x1xbf16>
    %convert_element_type3A = arith.extf %get3A_1 : vector<632x1xbf16> to vector<632x1xf32>
    %get3A_2 = arith.constant 0 : index
    %get3A_3 = arith.constant 0 : index
    %get3A_4 = vector.load %arg1[%get3A_2, %get3A_3] : memref<632x128xf32, #tpu.memory_space<vmem>>, vector<632x128xf32>
    %get3A_5 = arith.constant 0 : index
    %get3A_6 = arith.constant 0 : index
    %get3A_7 = vector.load %arg2[%get3A_5, %get3A_6] : memref<632x128xf32, #tpu.memory_space<vmem>>, vector<632x128xf32>
    %add3A = arith.addf %get3A_4, %get3A_7 : vector<632x128xf32>
    %get3A_8 = arith.constant 0 : index
    %get3A_9 = arith.constant 0 : index
    %get3A_10 = vector.load %arg3[%get3A_8, %get3A_9] : memref<632x128xf32, #tpu.memory_space<vmem>>, vector<632x128xf32>
    %add3A_11 = arith.addf %add3A, %get3A_10 : vector<632x128xf32>
    %mul3A = vector.broadcast %convert_element_type3A : vector<632x1xf32> to vector<632x128xf32>
    %mul3A_12 = arith.mulf %mul3A, %add3A_11 : vector<632x128xf32>
    %get3A_13 = arith.constant 0 : index
    %get3A_14 = arith.constant 0 : index
    %get3A_15 = vector.load %arg5[%get3A_13, %get3A_14] : memref<128x128xf32, #tpu.memory_space<vmem>>, vector<128x128xf32>
    %dot_general3A = arith.constant dense<0.000000e+00> : vector<632x128xf32>
    %dot_general3A_16 = tpu.matmul %mul3A_12, %get3A_15, %dot_general3A {dimension_numbers = #tpu.dot_dimension_numbers<[1], [0], [0], [1], [0, 0, 1, 1], [], []>, transpose_lhs_hint = false} : vector<632x128xf32>, vector<128x128xf32>, vector<632x128xf32> -> vector<632x128xf32>
    %get3A_17 = arith.constant 0 : index
    %get3A_18 = arith.constant 0 : index
    %get3A_19 = vector.load %arg6[%get3A_17, %get3A_18] : memref<1x128xf32, #tpu.memory_space<vmem>>, vector<1x128xf32>
    %add3A_20 = vector.broadcast %get3A_19 : vector<1x128xf32> to vector<632x128xf32>
    %add3A_21 = arith.addf %dot_general3A_16, %add3A_20 : vector<632x128xf32>
    %max3A = arith.constant 0.000000e+00 : f32
    %max3A_22 = vector.broadcast %max3A : f32 to vector<632x128xf32>
    %max3A_23 = arith.maximumf %add3A_21, %max3A_22 : vector<632x128xf32>
    %get3A_24 = arith.constant 0 : index
    %get3A_25 = arith.constant 0 : index
    %get3A_26 = vector.load %arg7[%get3A_24, %get3A_25] : memref<632x128xf32, #tpu.memory_space<vmem>>, vector<632x128xf32>
    %add3A_27 = arith.addf %max3A_23, %get3A_26 : vector<632x128xf32>
    %swap3A = arith.constant 0 : index
    %swap3A_28 = arith.constant 0 : index
    %swap3A_29 = vector.load %arg8[%swap3A, %swap3A_28] : memref<632x128xf32, #tpu.memory_space<vmem>>, vector<632x128xf32>
    tpu.vector_store %arg8[%swap3A, %swap3A_28], %add3A_27 {strides = array<i32>} : memref<632x128xf32, #tpu.memory_space<vmem>>, vector<632x128xf32>,
    return
  }
  func.func @transform_0(%arg0: i32) -> (i32, i32) {
    %c0_i32 = arith.constant 0 : i32
    %c0_i32_0 = arith.constant 0 : i32
    return %arg0, %c0_i32 : i32, i32
  }
  func.func @transform_1(%arg0: i32) -> (i32, i32) {
    %add3A = arith.constant 16 : i32
    %add3A_0 = arith.addi %arg0, %add3A : i32
    %c0_i32 = arith.constant 0 : i32
    %c0_i32_1 = arith.constant 0 : i32
    return %add3A_0, %c0_i32 : i32, i32
  }
  func.func @transform_2(%arg0: i32) -> (i32, i32) {
    %c0_i32 = arith.constant 0 : i32
    %c0_i32_0 = arith.constant 0 : i32
    return %arg0, %c0_i32 : i32, i32
  }
  func.func @transform_3(%arg0: i32) -> (i32, i32) {
    %c0_i32 = arith.constant 0 : i32
    %c0_i32_0 = arith.constant 0 : i32
    return %arg0, %c0_i32 : i32, i32
  }
  func.func @transform_4(%arg0: i32) -> (i32, i32) {
    %c0_i32 = arith.constant 0 : i32
    %c0_i32_0 = arith.constant 0 : i32
    %c0_i32_1 = arith.constant 0 : i32
    return %c0_i32, %c0_i32_0 : i32, i32
  }
  func.func @transform_5(%arg0: i32) -> (i32, i32) {
    %c0_i32 = arith.constant 0 : i32
    %c0_i32_0 = arith.constant 0 : i32
    %c0_i32_1 = arith.constant 0 : i32
    return %c0_i32, %c0_i32_0 : i32, i32
  }
  func.func @transform_6(%arg0: i32) -> (i32, i32) {
    %c0_i32 = arith.constant 0 : i32
    %c0_i32_0 = arith.constant 0 : i32
    return %arg0, %c0_i32 : i32, i32
  }
  func.func @transform_7(%arg0: i32) -> (i32, i32) {
    %c0_i32 = arith.constant 0 : i32
    %c0_i32_0 = arith.constant 0 : i32
    return %arg0, %c0_i32 : i32, i32
  }
}

</mosaic_0001>

<sc_bundles>
// kernel: kernel.11.cloned.1.call-start
scs
__scs_entry_jumppad:
0x0: {  	(pc) =	sbr.rel $0x88, $3  }
0x1: {  	(tag) =	ssettag $0x0;
	lr =	simm.s32 $0x1  }
0x2: {  	[smem:$0x3F9D] =	sst lr;
	_ =	strace $0xD0000000  }
0x3: {  	_ = 	snop  }
0x4: {  	_ = 	snop  }
0x5: {  	_ = 	snop  }
0x6: {  	_ = 	snop  }
0x7: {  	_ = 	snop  }
__scs_overlays_trampoline_lowered:
0x8: {  	[smem:$0x3FAC] =	sst s0  }
0x9: {  	[smem:$0x3FAD] =	sst s1  }
0xa: {  	[smem:$0x3FAE] =	sst s2  }
0xb: {  	[smem:$0x3FAF] =	sst s3  }
0xc: {  	[smem:$0x3FB0] =	sst s4  }
0xd: {  	[smem:$0x3FB1] =	sst s5  }
0xe: {  	[smem:$0x3FB2] =	sst s6  }
0xf: {  	[smem:$0x3FB3] =	sst s7  }
0x10: {  	[smem:$0x3FB4] =	sst s8  }
0x11: {  	[smem:$0x3FB5] =	sst s9;
	s0 =	simm.s32 @!p0 $0x0  }
0x12: {  	s1 =	sld [smem:$0x3F9B];
	s0 =	simm.s32 @p0 $0x1  }
0x13: {  	[smem:$0x3FB6] =	sst s0;
	s0 =	simm.s32 @!p1 $0x0  }
0x14: {  	s2 =	sld [smem:$0x3F9A];
	s0 =	simm.s32 @p1 $0x1  }
0x15: {  	[smem:$0x3FB7] =	sst s0;
	s0 =	simm.s32 @!p2 $0x0  }
0x16: {  	s3 =	sld [smem:$0x3FDB];
	s0 =	simm.s32 @p2 $0x1  }
0x17: {  	s4 =	simm.s32 $0x1BF5;
	[smem:$0x3FB9] =	sst s0  }
0x18: {  	s0 =	sld [smem:$0x3F9C];
	_ =	swait.ge [sflag:s4], $0x0  }
0x19: {  	s7 =	sld [smem:$0x3F9D]  }
0x1a: {  	s8 =	sadd.s32 $0xFFFFE003, lr  }
0x1b: {  	s9 =	sadd.s32 $0xFFFFFEF7, lr;
	s5 =	simm.s32 $0xFFFFFFFF;
	p2 =	slt.u32 s8, $0xFFFFF086  }
0x1c: {  	p1 =	slt.u32 s9, $0xF7A;
	s5 =	simm.s32 @!p2 $0x0  }
0x1d: {  	s5 =	simm.s32 @p1 $0x1;
	p0 =	seq.s32 s7, s2  }
0x1e: {  	s7 =	smul.u32 @!p0 $0xF7A, s2;
	p2 =	seq.s32 @!p0 s5, $0x0  }
0x1f: {  	s9 =	smul.u32 $0xF7A, s1;
	s8 =	simm.s32 @!p0 $0x1BF5;
	p2 =	por !p2, p0  }
0x20: {  	[sflag:s8] =	ssyncset.s32 @!p0 $0xFFFFF086;
	s6 =	sadd.s32 @!p0 s3, s7;
	s7 =	simm.s32 @!p0 $0x108  }
0x21: {  	s3 =	sadd.s32 s3, s9;
	s6 =	sadd.s32 @!p0 $0x88, s6;
	s7 =	simm.s32 @p2 $0x1082  }
0x22: {  	[simem:s7], [sflag:s8] =	dma.local @!p0 [hbm:s6], $0xF7A  }
0x23: {  	s9 =	sor.u32 $0xD0000000, s2;
	s6 =	simm.s32 $0x108;
	_ =	swait.ge @!p0 [sflag:s8], $0x0  }
0x24: {  	s3 =	sadd.s32 $0x88, s3;
	s6 =	simm.s32 @!p1 $0x1082;
	[sflag:s4] =	ssyncset.s32 $0xFFFFF086  }
0x25: {  	[simem:s6], [sflag:s4] =	dma.local [hbm:s3], $0xF7A  }
0x26: {  	[smem:$0x3F9D] =	sst s1;
	(tag) =	ssettag s2;
	_ =	strace s9  }
0x27: {  	s1 =	sld [smem:$0x3FAD]  }
0x28: {  	s2 =	sld [smem:$0x3FAE]  }
0x29: {  	s4 =	sld [smem:$0x3FB0]  }
0x2a: {  	p0 =	seq.s32 s5, $0x0;
	s5 =	sld [smem:$0x3FB1]  }
0x2b: {  	s6 =	sld [smem:$0x3FB2]  }
0x2c: {  	s7 =	sld [smem:$0x3FB3]  }
0x2d: {  	s3 =	simm.s32 $0x108;
	s8 =	sld [smem:$0x3FB4]  }
0x2e: {  	s3 =	simm.s32 @!p0 $0x1082;
	s9 =	sld [smem:$0x3FB5]  }
0x2f: {  	lr =	sadd.s32 s0, s3;
	s0 =	sld [smem:$0x3FAC]  }
0x30: {  	s3 =	sld [smem:$0x3FAF]  }
0x31: {  	[smem:$0x3FB8] =	sst s10  }
0x32: {  	s10 =	sld [smem:$0x3FB6];
	_ =	sdelay $0x3  }
0x33: {  	p0 =	seq.s32 s10, $0x1;
	s10 =	sld [smem:$0x3FB8];
	_ =	sdelay $0x3  }
0x34: {  	[smem:$0x3FB8] =	sst s10  }
0x35: {  	s10 =	sld [smem:$0x3FB7];
	_ =	sdelay $0x3  }
0x36: {  	p1 =	seq.s32 s10, $0x1;
	s10 =	sld [smem:$0x3FB8];
	_ =	sdelay $0x3  }
0x37: {  	[smem:$0x3FB8] =	sst s10  }
0x38: {  	s10 =	sld [smem:$0x3FB9]  }
0x39: {  	_ = 	snop;
	(pc) =	sbr.ind lr, $3  }
0x3a: {  	_ = 	snop  }
0x3b: {  	_ = 	snop  }
0x3c: {  	p2 =	seq.s32 s10, $0x1;
	s10 =	sld [smem:$0x3FB8]  }
0x3d: {  	_ =	shalt  }
0x3e: {  	_ =	shalt  }
0x3f: {  	_ =	shalt  }
0x40: {  	_ =	shalt  }
0x41: {  	_ =	shalt  }
0x42: {  	_ =	shalt  }
0x43: {  	_ =	shalt  }
0x44: {  	_ =	shalt  }
0x45: {  	_ =	shalt  }
0x46: {  	_ =	shalt  }
0x47: {  	_ =	shalt  }
0x48: {  	_ =	shalt  }
0x49: {  	_ =	shalt  }
0x4a: {  	_ =	shalt  }
0x4b: {  	_ =	shalt  }
0x4c: {  	_ =	shalt  }
0x4d: {  	_ =	shalt  }
0x4e: {  	_ =	shalt  }
0x4f: {  	_ =	shalt  }
0x50: {  	_ =	shalt  }
0x51: {  	_ =	shalt  }
0x52: {  	_ =	shalt  }
0x53: {  	_ =	shalt  }
0x54: {  	_ =	shalt  }
0x55: {  	_ =	shalt  }
0x56: {  	_ =	shalt  }
0x57: {  	_ =	shalt  }
0x58: {  	_ =	shalt  }
0x59: {  	_ =	shalt  }
0x5a: {  	_ =	shalt  }
0x5b: {  	_ =	shalt  }
0x5c: {  	_ =	shalt  }
0x5d: {  	_ =	shalt  }
0x5e: {  	_ =	shalt  }
0x5f: {  	_ =	shalt  }
0x60: {  	_ =	shalt  }
0x61: {  	_ =	shalt  }
0x62: {  	_ =	shalt  }
0x63: {  	_ =	shalt  }
0x64: {  	_ =	shalt  }
0x65: {  	_ =	shalt  }
0x66: {  	_ =	shalt  }
0x67: {  	_ =	shalt  }
0x68: {  	_ =	shalt  }
0x69: {  	_ =	shalt  }
0x6a: {  	_ =	shalt  }
0x6b: {  	_ =	shalt  }
0x6c: {  	_ =	shalt  }
0x6d: {  	_ =	shalt  }
0x6e: {  	_ =	shalt  }
0x6f: {  	_ =	shalt  }
0x70: {  	_ =	shalt  }
0x71: {  	_ =	shalt  }
0x72: {  	_ =	shalt  }
0x73: {  	_ =	shalt  }
0x74: {  	_ =	shalt  }
0x75: {  	_ =	shalt  }
0x76: {  	_ =	shalt  }
0x77: {  	_ =	shalt  }
0x78: {  	_ =	shalt  }
0x79: {  	_ =	shalt  }
0x7a: {  	_ =	shalt  }
0x7b: {  	_ =	shalt  }
0x7c: {  	_ =	shalt  }
0x7d: {  	_ =	shalt  }
0x7e: {  	_ =	shalt  }
0x7f: {  	_ =	shalt  }
0x80: {  	_ =	shalt  }
0x81: {  	_ =	shalt  }
0x82: {  	_ =	shalt  }
0x83: {  	_ =	shalt  }
0x84: {  	_ =	shalt  }
0x85: {  	_ =	shalt  }
0x86: {  	_ =	shalt  }
0x87: {  	_ =	shalt  }
.Lfunc_end0:
.L_simem_size_0:
called_computation.1_lowered:
.L_overlay_start_0:
0x88: {  	s2 =	sld [smem:$0x3FD9]  }
0x89: {  	s3 =	sld [smem:$0x3FFE];
	_ =	sdelay $0x1  }
0x8a: {  	s1 =	srdreg.scid  }
0x8b: {  	s0 =	sand.u32 $0x1, s1  }
0x8c: {  	s17 =	sshll.u32 s0, $0xA;
	s2 =	sadd.s32 s3, s2  }
0x8d: {  	s2 =	sadd.s32 s2, s17  }
0x8e: {  	[smem:$0x3FC4] =	sst s2  }
0x8f: {  	_ = 	snop  }
0x90: {  	s2 =	sld [smem:$0x3FD0];
	(tm) =	ssettm $0x1  }
0x91: {  	s18 =	sld [smem:$0x3FFB];
	_ =	sdelay $0x3  }
0x92: {  	_ =	strace s18  }
0x93: {  	s3 =	sld [smem:$0x3FFC];
	_ =	sdelay $0x3  }
0x94: {  	_ =	strace s3  }
0x95: {  	s3 =	sld [smem:$0x3FFD];
	_ =	sdelay $0x3  }
0x96: {  	_ =	strace s3  }
0x97: {  	_ =	strace $0x8FFFFFFF  }
0x98: {  	s19 =	sld [smem:$0x3FDB];
	_ =	sdelay $0x1  }
0x99: {  	s4 =	simm.s32 $_scs_section_size  }
0x9a: {  	s5 =	simm.s32 $_size__tile_overlayer_lowered;
	s6 =	simm.s32 $_tile_overlayer_lowered  }
0x9b: {  	s22 =	simm.s32 $0x1BFF;
	s21 =	sshll.u32 s6, $0x1;
	s3 =	sadd.s32 s4, s19  }
0x9c: {  	s7 =	simm.s32 $0x0;
	s20 =	sshll.u32 s5, $0x1;
	s5 =	sadd.s32 s21, s3  }
0x9d: {  	[timem:s7], [sflag:s22] =	dma.local [hbm:s5], s20  }
0x9e: {  	_ =	swait.ge [sflag:s22], s20  }
0x9f: {  	s4 =	ssub.s32 $0x0, s20;
	[sflag:s22] =	ssyncset.done $0x0  }
0xa0: {  	[sflag:s22] =	ssyncadd.s32 s4;
	_ =	sdelay $0x1  }
0xa1: {  	s23 =	simm.s32 $0x1B8B  }
0xa2: {  	_ =	swait.ge [sflag:s23], $0x1  }
0xa3: {  	[sflag:s23] =	ssyncset.done $0x0  }
0xa4: {  	s25 =	simm.s32 $0x1B8E;
	s24 =	sld [smem:$0x3FFE];
	[sflag:s23] =	ssyncadd.s32 $0xFFFFFFFF  }
0xa5: {  	s26 =	simm.s32 $execute0_lowered;
	[smem:$0x3FD2] =	sst s25  }
0xa6: {  	s5 =	sshll.u32 s26, $0x1;
	_ =	strace $0x80000049;
	[dreg:$0x1] =	wrdreg $0xFFFFFFFF  }
0xa7: {  	s28 =	simm.s32 $_size_execute0_lowered;
	s3 =	sadd.s32 s3, s5;
	[dreg:$0x0] =	wrdreg $0x0  }
0xa8: {  	s5 =	sshll.u32 s28, $0x1;
	[dreg:$0x2] =	wrdreg s3  }
0xa9: {  	[dreg:$0x3] =	wrdreg s5  }
0xaa: {  	[dreg:$0x4] =	wrdreg $0xC0  }
0xab: {  	_ =	task [dreg:s7], $0x5FFFF  }
0xac: {  	[dreg:$0x1] =	wrdreg $0xFFFFFFFF  }
0xad: {  	[dreg:$0x0] =	wrdreg $0x60  }
0xae: {  	[dreg:$0x2] =	wrdreg s24  }
0xaf: {  	[dreg:$0x3] =	wrdreg s2  }
0xb0: {  	[dreg:$0x4] =	wrdreg $0xA1800  }
0xb1: {  	[dreg:$0x5] =	wrdreg $0x9  }
0xb2: {  	_ =	task.clear_ibuf [dreg:s7], $0x6FFFF;
	_ =	strace $0x90000049  }
0xb3: {  	s29 =	simm.s32 $0x9;
	_ =	strace $0x8000004B  }
0xb4: {  	_ =	swait.ge [sflag:s29], $0x1  }
0xb5: {  	[sflag:s29] =	ssyncadd.s32 $0xFFFFFFFF  }
0xb6: {  	_ =	strace $0x9000004B  }
0xb7: {  	_ =	sfence  }
0xb8: {  	s30 =	sld [smem:$0x0];
	_ =	sdelay $0x2  }
0xb9: {  	s31 =	sshll.u32 s1, $0xD;
	s1 =	sshrl.u32 s1, $0x2  }
0xba: {  	s3 =	sand.u32 $0x4000, s31;
	s1 =	sadd.s32 s1, s30  }
0xbb: {  	s0 =	sor.u32 s3, s0;
	s1 =	sshll.u32 s1, $0x11  }
0xbc: {  	s0 =	sor.u32 s1, s0  }
0xbd: {  	s0 =	sadd.s32 $0x8F2B, s0  }
0xbe: {  	[sflag:s0] =	ssyncadd.remote.s32 $0x1  }
0xbf: {  	_ =	sfence.sel $0xFFFF  }
0xc0: {  	[dreg:$0x0] =	wrdreg $0xFFFFFFFF;
	(pc) =	sbr.abs _section_cstart, $3  }
0xc1: {  	[dreg:$0x1] =	wrdreg $0xFFFFFFFF  }
0xc2: {  	_ =	task.clear_ibuf [dreg:s7], $0x2FFFF;
	_ =	strace $0x9FFFFFFF  }
0xc3: {  	(tm) =	ssettm $0x7FFFFFFF  }
tec
execute0_lowered:
.L_overlay_start_1:
0x0: {  	(tag) =	ssettag $0x1  }
0x1: {  	s0 =	srdreg.scid  }
0x2: {  	s1 =	rddreg [dreg:$0x0];
	s8 =	stileid.u32  }
0x3: {  	s2 =	rddreg [dreg:$0x1];
	s17 =	simm.s32 $0x2980;
	s18 =	simm.s32 $0x4  }
0x4: {  	s19 =	simm.s32 $0x50;
	s20 =	simm.s32 $0x2780;
	s21 =	simm.s32 $0x2800  }
0x5: {  	s22 =	simm.s32 $0x5180;
	s23 =	simm.s32 $0x1;
	s24 =	simm.s32 $0x2880  }
0x6: {  	s25 =	simm.s32 $0x7980;
	s28 =	simm.s32 $0x2;
	s29 =	simm.s32 $0x3  }
0x7: {  	s30 =	simm.s32 $0x0;
	s0 =	sand.u32 $0x1, s0;
	s7 =	smul.u32 $0x13C00, s8  }
0x8: {  	s3 =	sshll.u32 s0, $0x4;
	s6 =	smul.u32 $0x13C000, s0;
	s0 =	ssub.s32 $0x2, s0  }
0x9: {  	s4 =	sor.u32 s8, s3;
	s3 =	rddreg [dreg:$0x2];
	s8 =	smul.u32 $0x4F000, s8  }
0xa: {  	s31 =	sshrl.u32 s0, $0x1;
	s5 =	smul.u32 $0x4E2, s4;
	s4 =	simm.s32 $0x0  }
0xb: {  	s6 =	sadd.s32 s7, s6;
	s0 =	ssub.s32 s0, s31;
	[smem:$0x7FF] =	sst s4  }
0xc: {  	s6 =	sshrl.u32 s6, $0x3;
	s26 =	sshrl.u32 s8, $0x2;
	s16 =	smax.u32 s0, $0x1  }
0xd: {  	_ =	strace $0x8000004A;
	s14 =	sadd.s32 s5, s1;
	s5 =	sadd.s32 $0x2600, s1  }
0xe: {  	s1 =	sadd.s32 s6, s1;
	s6 =	sadd.s32 s26, s3;
	s26 =	simm.s32 $0x2900  }
0xf: {  	s7 =	sadd.s32 $0x2800, s6;
	s8 =	sadd.s32 $0x5000, s6;
	s9 =	sadd.s32 $0x7800, s6  }
0x10: {  	s10 =	sadd.s32 $0xA000, s6;
	s11 =	sadd.s32 $0xC800, s6;
	s12 =	sadd.s32 $0xF000, s6  }
0x11: {  	s13 =	sadd.s32 $0x11800, s6;
	s14 =	sadd.s32 $0x3400, s14;
	s15 =	sadd.s32 $0xD200, s1  }
.LBB2_1:
0x12: {  	[tilespmem:s17], [sflag:$0x4] =	stream.linear.gather [hbm4b:s5+s4], $0x2800, $0x38;
	[tilespmem:$0x1DD80] =	vst v63  }
0x13: {  	_ =	swait.ge [sflag:s18], $0x2800  }
0x14: {  	[sflag:s18] =	ssyncset.done $0x0  }
0x15: {  	[sflag:s18] =	ssyncadd.s32 $0xFFFFD800  }
0x16: {  	[spmem:s6] =	stream.linear.scatter [tilespmem:s17], [sflag:$0x4], $0x2800, $0x38;
	[tilespmem:$0x1DD80] =	vst v63  }
0x17: {  	_ =	swait.ge [sflag:s18], $0x2800  }
0x18: {  	[sflag:s18] =	ssyncset.done $0x0  }
0x19: {  	[sflag:s18] =	ssyncadd.s32 $0xFFFFD800  }
0x1a: {  	[spmem:s7] =	stream.linear.scatter [tilespmem:s17], [sflag:$0x4], $0x2800, $0x38;
	[tilespmem:$0x1DD80] =	vst v63  }
0x1b: {  	_ =	swait.ge [sflag:s18], $0x2800  }
0x1c: {  	[sflag:s18] =	ssyncset.done $0x0  }
0x1d: {  	[sflag:s18] =	ssyncadd.s32 $0xFFFFD800  }
0x1e: {  	[spmem:s8] =	stream.linear.scatter [tilespmem:s17], [sflag:$0x4], $0x2800, $0x38;
	[tilespmem:$0x1DD80] =	vst v63  }
0x1f: {  	_ =	swait.ge [sflag:s18], $0x2800  }
0x20: {  	[sflag:s18] =	ssyncset.done $0x0  }
0x21: {  	[sflag:s18] =	ssyncadd.s32 $0xFFFFD800  }
0x22: {  	[spmem:s9] =	stream.linear.scatter [tilespmem:s17], [sflag:$0x4], $0x2800, $0x38;
	[tilespmem:$0x1DD80] =	vst v63  }
0x23: {  	_ =	swait.ge [sflag:s18], $0x2800  }
0x24: {  	[sflag:s18] =	ssyncset.done $0x0  }
0x25: {  	[sflag:s18] =	ssyncadd.s32 $0xFFFFD800  }
0x26: {  	[spmem:s10] =	stream.linear.scatter [tilespmem:s17], [sflag:$0x4], $0x2800, $0x38;
	[tilespmem:$0x1DD80] =	vst v63  }
0x27: {  	_ =	swait.ge [sflag:s18], $0x2800  }
0x28: {  	[sflag:s18] =	ssyncset.done $0x0  }
0x29: {  	[sflag:s18] =	ssyncadd.s32 $0xFFFFD800  }
0x2a: {  	[spmem:s11] =	stream.linear.scatter [tilespmem:s17], [sflag:$0x4], $0x2800, $0x38;
	[tilespmem:$0x1DD80] =	vst v63  }
0x2b: {  	_ =	swait.ge [sflag:s18], $0x2800  }
0x2c: {  	[sflag:s18] =	ssyncset.done $0x0  }
0x2d: {  	[sflag:s18] =	ssyncadd.s32 $0xFFFFD800  }
0x2e: {  	[spmem:s12] =	stream.linear.scatter [tilespmem:s17], [sflag:$0x4], $0x2800, $0x38;
	[tilespmem:$0x1DD80] =	vst v63  }
0x2f: {  	_ =	swait.ge [sflag:s18], $0x2800  }
0x30: {  	[sflag:s18] =	ssyncset.done $0x0  }
0x31: {  	[sflag:s18] =	ssyncadd.s32 $0xFFFFD800  }
0x32: {  	[spmem:s13] =	stream.linear.scatter [tilespmem:s17], [sflag:$0x4], $0x2400, $0x38;
	[tilespmem:$0x1DD80] =	vst v63  }
0x33: {  	_ =	swait.ge [sflag:s18], $0x2400  }
0x34: {  	[sflag:s18] =	ssyncset.done $0x0  }
0x35: {  	[sflag:s18] =	ssyncadd.s32 $0xFFFFDC00  }
0x36: {  	[bflag:$0x0] =	sbarrier.arrive $0xFFFF  }
0x37: {  	[tilespmem:s4], [sflag:$0x4] =	stream.linear.gather [hbm4b:s14+s4], $0x2710, $0x38;
	[tilespmem:$0x1DD80] =	vst v63  }
0x38: {  	_ =	swait.ge [sflag:s18], $0x2710  }
0x39: {  	[sflag:s18] =	ssyncset.done $0x0  }
0x3a: {  	[sflag:s18] =	ssyncadd.s32 $0xFFFFD8F0  }
0x3b: {  	v0 =	vld [tilespmem:$0x0]  }
0x3c: {  	v1 =	vld [tilespmem:$0x10]  }
0x3d: {  	v2 =	vld [tilespmem:$0x20]  }
0x3e: {  	v3 =	vld [tilespmem:$0x30]  }
0x3f: {  	v4 =	vld [tilespmem:$0x40]  }
0x40: {  	v0 =	vand.u32 $0xFFFF, v0  }
0x41: {  	v48 =	vand.u32 $0xFFFF, v1;
	[tilespmem:$0x2780] =	vst v0  }
0x42: {  	v49 =	vand.u32 $0xFFFF, v2;
	[tilespmem:$0x2790] =	vst v48  }
0x43: {  	v50 =	vand.u32 $0xFFFF, v3;
	[tilespmem:$0x27A0] =	vst v49  }
0x44: {  	v51 =	vand.u32 $0xFFFF, v4;
	[tilespmem:$0x27B0] =	vst v50  }
0x45: {  	[tilespmem:$0x27C0] =	vst v51  }
0x46: {  	[tilespmem:s17], [sflag:$0x1] =	stream.indirect.gather [hbm4b:s2+s19], $0x80, s20, s19, $0xb8;
	[tilespmem:$0x1DD80] =	vst v63  }
0x47: {  	v52 =	vld [tilespmem:$0x50]  }
0x48: {  	v53 =	vld [tilespmem:$0x60]  }
0x49: {  	v54 =	vld [tilespmem:$0x70]  }
0x4a: {  	v55 =	vld [tilespmem:$0x80]  }
0x4b: {  	v56 =	vld [tilespmem:$0x90]  }
0x4c: {  	v0 =	vand.u32 $0xFFFF, v52  }
0x4d: {  	v57 =	vand.u32 $0xFFFF, v53;
	[tilespmem:$0x2800] =	vst v0  }
0x4e: {  	v58 =	vand.u32 $0xFFFF, v54;
	[tilespmem:$0x2810] =	vst v57  }
0x4f: {  	v59 =	vand.u32 $0xFFFF, v55;
	[tilespmem:$0x2820] =	vst v58  }
0x50: {  	v60 =	vand.u32 $0xFFFF, v56;
	[tilespmem:$0x2830] =	vst v59  }
0x51: {  	[tilespmem:$0x2840] =	vst v60  }
0x52: {  	[tilespmem:s22], [sflag:$0x2] =	stream.indirect.gather [hbm4b:s2+s19], $0x80, s21, s19, $0xb8;
	[tilespmem:$0x1DD80] =	vst v63  }
0x53: {  	_ =	swait.ge [sflag:s23], $0x2800  }
0x54: {  	[sflag:s23] =	ssyncset.done $0x0  }
0x55: {  	s31 =	simm.s32 $0xC0;
	[sflag:s23] =	ssyncadd.s32 $0xFFFFD800  }
0x56: {  	v61 =	vld [tilespmem:s31+$0xFFFFFFE0];
	_ =	sdelay $0x4  }
0x57: {  	v0 =	vand.u32 $0xFFFF, v61  }
0x58: {  	[tilespmem:$0x2880] =	vst v0  }
0x59: {  	v0 =	vld [tilespmem:s31+$0xFFFFFFF0];
	_ =	sdelay $0x4  }
0x5a: {  	v0 =	vand.u32 $0xFFFF, v0  }
0x5b: {  	[tilespmem:$0x2890] =	vst v0  }
0x5c: {  	v0 =	vld [tilespmem:s31+$0x0];
	_ =	sdelay $0x4  }
0x5d: {  	v0 =	vand.u32 $0xFFFF, v0  }
0x5e: {  	[tilespmem:$0x28A0] =	vst v0  }
0x5f: {  	v0 =	vld [tilespmem:s31+$0x10];
	_ =	sdelay $0x4  }
0x60: {  	v0 =	vand.u32 $0xFFFF, v0  }
0x61: {  	[tilespmem:$0x28B0] =	vst v0  }
0x62: {  	v0 =	vld [tilespmem:s31+$0x20];
	_ =	sdelay $0x4  }
0x63: {  	v0 =	vand.u32 $0xFFFF, v0  }
0x64: {  	[tilespmem:$0x28C0] =	vst v0  }
0x65: {  	[tilespmem:s25], [sflag:$0x3] =	stream.indirect.gather [hbm4b:s2+s19], $0x80, s24, s19, $0xb8;
	[tilespmem:$0x1DD80] =	vst v63  }
0x66: {  	v0 =	vld [tilespmem:s31+$0xFFFFFF40];
	_ =	sdelay $0x4  }
0x67: {  	v0 =	vshrl.u32 v0, $0x10  }
0x68: {  	[tilespmem:$0x2900] =	vst v0  }
0x69: {  	v0 =	vld [tilespmem:s31+$0xFFFFFF50];
	_ =	sdelay $0x4  }
0x6a: {  	v0 =	vshrl.u32 v0, $0x10  }
0x6b: {  	[tilespmem:$0x2910] =	vst v0  }
0x6c: {  	v0 =	vld [tilespmem:s31+$0xFFFFFF60];
	_ =	sdelay $0x4  }
0x6d: {  	v0 =	vshrl.u32 v0, $0x10  }
0x6e: {  	[tilespmem:$0x2920] =	vst v0  }
0x6f: {  	v0 =	vld [tilespmem:s31+$0xFFFFFF70];
	_ =	sdelay $0x4  }
0x70: {  	v0 =	vshrl.u32 v0, $0x10  }
0x71: {  	[tilespmem:$0x2930] =	vst v0  }
0x72: {  	v0 =	vld [tilespmem:s31+$0xFFFFFF80];
	_ =	sdelay $0x4  }
0x73: {  	v0 =	vshrl.u32 v0, $0x10  }
0x74: {  	[tilespmem:$0x2940] =	vst v0  }
0x75: {  	[spmem:s3] =	stream.indirect.scatter.add.f32 [tilespmem:s17], [sflag:$0x4], $0x80, s26, s19, $0xb8;
	[tilespmem:$0x1DD80] =	vst v63  }
0x76: {  	_ =	swait.ge [sflag:s18], $0x2800  }
0x77: {  	[sflag:s18] =	ssyncset.done $0x0  }
0x78: {  	[sflag:s18] =	ssyncadd.s32 $0xFFFFD800  }
0x79: {  	_ =	swait.ge [sflag:s28], $0x2800  }
0x7a: {  	[sflag:s28] =	ssyncset.done $0x0  }
0x7b: {  	[sflag:s28] =	ssyncadd.s32 $0xFFFFD800  }
0x7c: {  	v62 =	vld [tilespmem:s31+$0x30];
	_ =	sdelay $0x4  }
0x7d: {  	v0 =	vand.u32 $0xFFFF, v62  }
0x7e: {  	s0 =	sand.u32 $0x3FF0, s4;
	[tilespmem:$0x2780] =	vst v0  }
0x7f: {  	v0 =	vld [tilespmem:s0+$0x100];
	_ =	sdelay $0x4  }
0x80: {  	v0 =	vand.u32 $0xFFFF, v0  }
0x81: {  	[tilespmem:$0x2790] =	vst v0  }
0x82: {  	v0 =	vld [tilespmem:s31+$0x50];
	_ =	sdelay $0x4  }
0x83: {  	v0 =	vand.u32 $0xFFFF, v0  }
0x84: {  	[tilespmem:$0x27A0] =	vst v0  }
0x85: {  	v0 =	vld [tilespmem:s31+$0x60];
	_ =	sdelay $0x4  }
0x86: {  	v0 =	vand.u32 $0xFFFF, v0  }
0x87: {  	[tilespmem:$0x27B0] =	vst v0  }
0x88: {  	v0 =	vld [tilespmem:s31+$0x70];
	_ =	sdelay $0x4  }
0x89: {  	v0 =	vand.u32 $0xFFFF, v0  }
0x8a: {  	[tilespmem:$0x27C0] =	vst v0  }
0x8b: {  	[tilespmem:s17], [sflag:$0x1] =	stream.indirect.gather [hbm4b:s2+s19], $0x80, s20, s19, $0xb8;
	[tilespmem:$0x1DD80] =	vst v63  }
0x8c: {  	v0 =	vld [tilespmem:s31+$0xFFFFFF90];
	_ =	sdelay $0x4  }
0x8d: {  	v0 =	vshrl.u32 v0, $0x10  }
0x8e: {  	[tilespmem:$0x2900] =	vst v0  }
0x8f: {  	v0 =	vld [tilespmem:s31+$0xFFFFFFA0];
	_ =	sdelay $0x4  }
0x90: {  	v0 =	vshrl.u32 v0, $0x10  }
0x91: {  	[tilespmem:$0x2910] =	vst v0  }
0x92: {  	v0 =	vld [tilespmem:s31+$0xFFFFFFB0];
	_ =	sdelay $0x4  }
0x93: {  	v0 =	vshrl.u32 v0, $0x10  }
0x94: {  	[tilespmem:$0x2920] =	vst v0  }
0x95: {  	v0 =	vld [tilespmem:s0+$0x80];
	_ =	sdelay $0x4  }
0x96: {  	v0 =	vshrl.u32 v0, $0x10  }
0x97: {  	[tilespmem:$0x2930] =	vst v0  }
0x98: {  	v0 =	vld [tilespmem:s31+$0xFFFFFFD0];
	_ =	sdelay $0x4  }
0x99: {  	v0 =	vshrl.u32 v0, $0x10  }
0x9a: {  	[tilespmem:$0x2940] =	vst v0  }
0x9b: {  	[spmem:s3] =	stream.indirect.scatter.add.f32 [tilespmem:s22], [sflag:$0x4], $0x80, s26, s19, $0xb8;
	[tilespmem:$0x1DD80] =	vst v63  }
0x9c: {  	_ =	swait.ge [sflag:s18], $0x2800  }
0x9d: {  	[sflag:s18] =	ssyncset.done $0x0  }
0x9e: {  	[sflag:s18] =	ssyncadd.s32 $0xFFFFD800  }
0x9f: {  	_ =	swait.ge [sflag:s29], $0x2800  }
0xa0: {  	[sflag:s29] =	ssyncset.done $0x0  }
0xa1: {  	[sflag:s29] =	ssyncadd.s32 $0xFFFFD800  }
0xa2: {  	v63 =	vld [tilespmem:s31+$0x80];
	_ =	sdelay $0x4  }
0xa3: {  	v0 =	vand.u32 $0xFFFF, v63  }
0xa4: {  	[tilespmem:$0x2800] =	vst v0  }
0xa5: {  	v0 =	vld [tilespmem:s31+$0x90];
	_ =	sdelay $0x4  }
0xa6: {  	v0 =	vand.u32 $0xFFFF, v0  }
0xa7: {  	[tilespmem:$0x2810] =	vst v0  }
0xa8: {  	v0 =	vld [tilespmem:s31+$0xA0];
	_ =	sdelay $0x4  }
0xa9: {  	v0 =	vand.u32 $0xFFFF, v0  }
0xaa: {  	[tilespmem:$0x2820] =	vst v0  }
0xab: {  	v0 =	vld [tilespmem:s31+$0xB0];
	_ =	sdelay $0x4  }
0xac: {  	v0 =	vand.u32 $0xFFFF, v0  }
0xad: {  	[tilespmem:$0x2830] =	vst v0  }
0xae: {  	v0 =	vld [tilespmem:s0+$0x180];
	_ =	sdelay $0x4  }
0xaf: {  	v0 =	vand.u32 $0xFFFF, v0  }
0xb0: {  	[tilespmem:$0x2840] =	vst v0  }
0xb1: {  	[tilespmem:s22], [sflag:$0x2] =	stream.indirect.gather [hbm4b:s2+s19], $0x80, s21, s19, $0xb8;
	[tilespmem:$0x1DD80] =	vst v63  }
0xb2: {  	v0 =	vld [tilespmem:s31+$0xFFFFFFE0];
	_ =	sdelay $0x4  }
0xb3: {  	v0 =	vshrl.u32 v0, $0x10  }
0xb4: {  	[tilespmem:$0x2900] =	vst v0  }
0xb5: {  	v0 =	vld [tilespmem:s31+$0xFFFFFFF0];
	_ =	sdelay $0x4  }
0xb6: {  	v0 =	vshrl.u32 v0, $0x10  }
0xb7: {  	[tilespmem:$0x2910] =	vst v0  }
0xb8: {  	v0 =	vld [tilespmem:s31+$0x0];
	_ =	sdelay $0x4  }
0xb9: {  	v0 =	vshrl.u32 v0, $0x10  }
0xba: {  	[tilespmem:$0x2920] =	vst v0  }
0xbb: {  	v0 =	vld [tilespmem:s31+$0x10];
	_ =	sdelay $0x4  }
0xbc: {  	v0 =	vshrl.u32 v0, $0x10  }
0xbd: {  	[tilespmem:$0x2930] =	vst v0  }
0xbe: {  	v0 =	vld [tilespmem:s31+$0x20];
	_ =	sdelay $0x4  }
0xbf: {  	v0 =	vshrl.u32 v0, $0x10  }
0xc0: {  	[tilespmem:$0x2940] =	vst v0  }
0xc1: {  	[spmem:s3] =	stream.indirect.scatter.add.f32 [tilespmem:s25], [sflag:$0x4], $0x80, s26, s19, $0xb8;
	[tilespmem:$0x1DD80] =	vst v63  }
0xc2: {  	_ =	swait.ge [sflag:s18], $0x2800  }
0xc3: {  	s1 =	simm.s32 $0xF0;
	[sflag:s18] =	ssyncset.done $0x0  }
.LBB2_2:
0xc4: {  	p0 =	sne.s32 s1, $0x2580;
	[sflag:s18] =	ssyncadd.s32 $0xFFFFD800;
	s31 =	sadd.s32 $0xF0, s31  }
0xc5: {  	s0 =	smov.u32 s1;
	s1 =	sadd.s32 $0xF0, s1;
	_ =	swait.ge [sflag:s23], $0x2800  }
0xc6: {  	[sflag:s23] =	ssyncset.done $0x0  }
0xc7: {  	[sflag:s23] =	ssyncadd.s32 $0xFFFFD800  }
0xc8: {  	v0 =	vld [tilespmem:s31+$0xFFFFFFE0];
	_ =	sdelay $0x4  }
0xc9: {  	v0 =	vand.u32 $0xFFFF, v0  }
0xca: {  	[tilespmem:$0x2880] =	vst v0  }
0xcb: {  	v0 =	vld [tilespmem:s31+$0xFFFFFFF0];
	_ =	sdelay $0x4  }
0xcc: {  	v0 =	vand.u32 $0xFFFF, v0  }
0xcd: {  	[tilespmem:$0x2890] =	vst v0  }
0xce: {  	v0 =	vld [tilespmem:s31+$0x0];
	_ =	sdelay $0x4  }
0xcf: {  	v0 =	vand.u32 $0xFFFF, v0  }
0xd0: {  	[tilespmem:$0x28A0] =	vst v0  }
0xd1: {  	v0 =	vld [tilespmem:s31+$0x10];
	_ =	sdelay $0x4  }
0xd2: {  	v0 =	vand.u32 $0xFFFF, v0  }
0xd3: {  	[tilespmem:$0x28B0] =	vst v0  }
0xd4: {  	v0 =	vld [tilespmem:s31+$0x20];
	_ =	sdelay $0x4  }
0xd5: {  	v0 =	vand.u32 $0xFFFF, v0  }
0xd6: {  	[tilespmem:$0x28C0] =	vst v0  }
0xd7: {  	[tilespmem:s25], [sflag:$0x3] =	stream.indirect.gather [hbm4b:s2+s19], $0x80, s24, s19, $0xb8;
	[tilespmem:$0x1DD80] =	vst v63  }
0xd8: {  	v0 =	vld [tilespmem:s31+$0xFFFFFF40];
	_ =	sdelay $0x4  }
0xd9: {  	v0 =	vshrl.u32 v0, $0x10  }
0xda: {  	[tilespmem:$0x2900] =	vst v0  }
0xdb: {  	v0 =	vld [tilespmem:s31+$0xFFFFFF50];
	_ =	sdelay $0x4  }
0xdc: {  	v0 =	vshrl.u32 v0, $0x10  }
0xdd: {  	[tilespmem:$0x2910] =	vst v0  }
0xde: {  	v0 =	vld [tilespmem:s31+$0xFFFFFF60];
	_ =	sdelay $0x4  }
0xdf: {  	v0 =	vshrl.u32 v0, $0x10  }
0xe0: {  	[tilespmem:$0x2920] =	vst v0  }
0xe1: {  	v0 =	vld [tilespmem:s31+$0xFFFFFF70];
	_ =	sdelay $0x4  }
0xe2: {  	v0 =	vshrl.u32 v0, $0x10  }
0xe3: {  	[tilespmem:$0x2930] =	vst v0  }
0xe4: {  	v0 =	vld [tilespmem:s31+$0xFFFFFF80];
	_ =	sdelay $0x4  }
0xe5: {  	v0 =	vshrl.u32 v0, $0x10  }
0xe6: {  	[tilespmem:$0x2940] =	vst v0  }
0xe7: {  	[spmem:s3] =	stream.indirect.scatter.add.f32 [tilespmem:s17], [sflag:$0x4], $0x80, s26, s19, $0xb8;
	[tilespmem:$0x1DD80] =	vst v63  }
0xe8: {  	_ =	swait.ge [sflag:s18], $0x2800  }
0xe9: {  	[sflag:s18] =	ssyncset.done $0x0  }
0xea: {  	[sflag:s18] =	ssyncadd.s32 $0xFFFFD800  }
0xeb: {  	_ =	swait.ge [sflag:s28], $0x2800  }
0xec: {  	[sflag:s28] =	ssyncset.done $0x0  }
0xed: {  	[sflag:s28] =	ssyncadd.s32 $0xFFFFD800  }
0xee: {  	v0 =	vld [tilespmem:s31+$0x30];
	_ =	sdelay $0x4  }
0xef: {  	v0 =	vand.u32 $0xFFFF, v0  }
0xf0: {  	s0 =	sand.u32 $0x3FF0, s0;
	[tilespmem:$0x2780] =	vst v0  }
0xf1: {  	v0 =	vld [tilespmem:s0+$0x100];
	_ =	sdelay $0x4  }
0xf2: {  	v0 =	vand.u32 $0xFFFF, v0  }
0xf3: {  	[tilespmem:$0x2790] =	vst v0  }
0xf4: {  	v0 =	vld [tilespmem:s31+$0x50];
	_ =	sdelay $0x4  }
0xf5: {  	v0 =	vand.u32 $0xFFFF, v0  }
0xf6: {  	[tilespmem:$0x27A0] =	vst v0  }
0xf7: {  	v0 =	vld [tilespmem:s31+$0x60];
	_ =	sdelay $0x4  }
0xf8: {  	v0 =	vand.u32 $0xFFFF, v0  }
0xf9: {  	[tilespmem:$0x27B0] =	vst v0  }
0xfa: {  	v0 =	vld [tilespmem:s31+$0x70];
	_ =	sdelay $0x4  }
0xfb: {  	v0 =	vand.u32 $0xFFFF, v0  }
0xfc: {  	[tilespmem:$0x27C0] =	vst v0  }
0xfd: {  	[tilespmem:s17], [sflag:$0x1] =	stream.indirect.gather [hbm4b:s2+s19], $0x80, s20, s19, $0xb8;
	[tilespmem:$0x1DD80] =	vst v63  }
0xfe: {  	v0 =	vld [tilespmem:s31+$0xFFFFFF90];
	_ =	sdelay $0x4  }
0xff: {  	v0 =	vshrl.u32 v0, $0x10  }
0x100: {  	[tilespmem:$0x2900] =	vst v0  }
0x101: {  	v0 =	vld [tilespmem:s31+$0xFFFFFFA0];
	_ =	sdelay $0x4  }
0x102: {  	v0 =	vshrl.u32 v0, $0x10  }
0x103: {  	[tilespmem:$0x2910] =	vst v0  }
0x104: {  	v0 =	vld [tilespmem:s31+$0xFFFFFFB0];
	_ =	sdelay $0x4  }
0x105: {  	v0 =	vshrl.u32 v0, $0x10  }
0x106: {  	[tilespmem:$0x2920] =	vst v0  }
0x107: {  	v0 =	vld [tilespmem:s0+$0x80];
	_ =	sdelay $0x4  }
0x108: {  	v0 =	vshrl.u32 v0, $0x10  }
0x109: {  	[tilespmem:$0x2930] =	vst v0  }
0x10a: {  	v0 =	vld [tilespmem:s31+$0xFFFFFFD0];
	_ =	sdelay $0x4  }
0x10b: {  	v0 =	vshrl.u32 v0, $0x10  }
0x10c: {  	[tilespmem:$0x2940] =	vst v0  }
0x10d: {  	[spmem:s3] =	stream.indirect.scatter.add.f32 [tilespmem:s22], [sflag:$0x4], $0x80, s26, s19, $0xb8;
	[tilespmem:$0x1DD80] =	vst v63  }
0x10e: {  	_ =	swait.ge [sflag:s18], $0x2800  }
0x10f: {  	[sflag:s18] =	ssyncset.done $0x0  }
0x110: {  	[sflag:s18] =	ssyncadd.s32 $0xFFFFD800  }
0x111: {  	_ =	swait.ge [sflag:s29], $0x2800  }
0x112: {  	[sflag:s29] =	ssyncset.done $0x0  }
0x113: {  	[sflag:s29] =	ssyncadd.s32 $0xFFFFD800  }
0x114: {  	v0 =	vld [tilespmem:s31+$0x80];
	_ =	sdelay $0x4  }
0x115: {  	v0 =	vand.u32 $0xFFFF, v0  }
0x116: {  	[tilespmem:$0x2800] =	vst v0  }
0x117: {  	v0 =	vld [tilespmem:s31+$0x90];
	_ =	sdelay $0x4  }
0x118: {  	v0 =	vand.u32 $0xFFFF, v0  }
0x119: {  	[tilespmem:$0x2810] =	vst v0  }
0x11a: {  	v0 =	vld [tilespmem:s31+$0xA0];
	_ =	sdelay $0x4  }
0x11b: {  	v0 =	vand.u32 $0xFFFF, v0  }
0x11c: {  	[tilespmem:$0x2820] =	vst v0  }
0x11d: {  	v0 =	vld [tilespmem:s31+$0xB0];
	_ =	sdelay $0x4  }
0x11e: {  	v0 =	vand.u32 $0xFFFF, v0  }
0x11f: {  	[tilespmem:$0x2830] =	vst v0  }
0x120: {  	v0 =	vld [tilespmem:s0+$0x180];
	_ =	sdelay $0x4  }
0x121: {  	v0 =	vand.u32 $0xFFFF, v0  }
0x122: {  	[tilespmem:$0x2840] =	vst v0  }
0x123: {  	[tilespmem:s22], [sflag:$0x2] =	stream.indirect.gather [hbm4b:s2+s19], $0x80, s21, s19, $0xb8;
	[tilespmem:$0x1DD80] =	vst v63  }
0x124: {  	v0 =	vld [tilespmem:s31+$0xFFFFFFE0];
	_ =	sdelay $0x4  }
0x125: {  	v0 =	vshrl.u32 v0, $0x10  }
0x126: {  	[tilespmem:$0x2900] =	vst v0  }
0x127: {  	v0 =	vld [tilespmem:s31+$0xFFFFFFF0];
	_ =	sdelay $0x4  }
0x128: {  	v0 =	vshrl.u32 v0, $0x10  }
0x129: {  	[tilespmem:$0x2910] =	vst v0  }
0x12a: {  	v0 =	vld [tilespmem:s31+$0x0];
	_ =	sdelay $0x4  }
0x12b: {  	v0 =	vshrl.u32 v0, $0x10  }
0x12c: {  	[tilespmem:$0x2920] =	vst v0  }
0x12d: {  	v0 =	vld [tilespmem:s31+$0x10];
	_ =	sdelay $0x4  }
0x12e: {  	v0 =	vshrl.u32 v0, $0x10  }
0x12f: {  	[tilespmem:$0x2930] =	vst v0  }
0x130: {  	v0 =	vld [tilespmem:s31+$0x20];
	_ =	sdelay $0x4  }
.Ltmp0:
0x131: {  	v0 =	vshrl.u32 v0, $0x10;
	(pc) =	sbr.rel @p0 .LBB2_2-.Ltmp0, $4  }
0x132: {  	[tilespmem:$0x2940] =	vst v0  }
0x133: {  	[spmem:s3] =	stream.indirect.scatter.add.f32 [tilespmem:s25], [sflag:$0x4], $0x80, s26, s19, $0xb8;
	[tilespmem:$0x1DD80] =	vst v63  }
0x134: {  	_ =	swait.ge [sflag:s18], $0x2800  }
0x135: {  	[sflag:s18] =	ssyncset.done $0x0  }
0x136: {  	[sflag:s18] =	ssyncadd.s32 $0xFFFFD800  }
0x137: {  	_ =	swait.ge [sflag:s23], $0x2800  }
0x138: {  	[sflag:s23] =	ssyncset.done $0x0  }
0x139: {  	[sflag:s23] =	ssyncadd.s32 $0xFFFFD800  }
0x13a: {  	v0 =	vld [tilespmem:$0x2670]  }
0x13b: {  	v1 =	vld [tilespmem:$0x2680]  }
0x13c: {  	v2 =	vld [tilespmem:$0x2690]  }
0x13d: {  	v3 =	vld [tilespmem:$0x26A0]  }
0x13e: {  	v4 =	vld [tilespmem:$0x26B0]  }
0x13f: {  	v0 =	vshrl.u32 v0, $0x10  }
0x140: {  	v51 =	vshrl.u32 v1, $0x10;
	[tilespmem:$0x2900] =	vst v0  }
0x141: {  	v52 =	vshrl.u32 v2, $0x10;
	[tilespmem:$0x2910] =	vst v51  }
0x142: {  	v53 =	vshrl.u32 v3, $0x10;
	[tilespmem:$0x2920] =	vst v52  }
0x143: {  	v54 =	vshrl.u32 v4, $0x10;
	[tilespmem:$0x2930] =	vst v53  }
0x144: {  	[tilespmem:$0x2940] =	vst v54  }
0x145: {  	[spmem:s3] =	stream.indirect.scatter.add.f32 [tilespmem:s17], [sflag:$0x4], $0x80, s26, s19, $0xb8;
	[tilespmem:$0x1DD80] =	vst v63  }
0x146: {  	_ =	swait.ge [sflag:s18], $0x2800  }
0x147: {  	[sflag:s18] =	ssyncset.done $0x0  }
0x148: {  	[sflag:s18] =	ssyncadd.s32 $0xFFFFD800  }
0x149: {  	_ =	swait.ge [sflag:s28], $0x2800  }
0x14a: {  	[sflag:s28] =	ssyncset.done $0x0  }
0x14b: {  	[sflag:s28] =	ssyncadd.s32 $0xFFFFD800  }
0x14c: {  	v55 =	vld [tilespmem:$0x26C0]  }
0x14d: {  	v56 =	vld [tilespmem:$0x26D0]  }
0x14e: {  	v57 =	vld [tilespmem:$0x26E0]  }
0x14f: {  	v58 =	vld [tilespmem:$0x26F0]  }
0x150: {  	v59 =	vld [tilespmem:$0x2700]  }
0x151: {  	v0 =	vshrl.u32 v55, $0x10  }
0x152: {  	v60 =	vshrl.u32 v56, $0x10;
	[tilespmem:$0x2900] =	vst v0  }
0x153: {  	v61 =	vshrl.u32 v57, $0x10;
	[tilespmem:$0x2910] =	vst v60  }
0x154: {  	v62 =	vshrl.u32 v58, $0x10;
	[tilespmem:$0x2920] =	vst v61  }
0x155: {  	v63 =	vshrl.u32 v59, $0x10;
	[tilespmem:$0x2930] =	vst v62  }
0x156: {  	[tilespmem:$0x2940] =	vst v63  }
0x157: {  	[spmem:s3] =	stream.indirect.scatter.add.f32 [tilespmem:s22], [sflag:$0x4], $0x80, s26, s19, $0xb8;
	[tilespmem:$0x1DD80] =	vst v63  }
0x158: {  	s0 =	stileid.u32;
	_ =	swait.ge [sflag:s18], $0x2800  }
0x159: {  	s1 =	sshrl.u32 s6, $0x3;
	s30 =	sadd.s32 $0x1, s30;
	[sflag:s18] =	ssyncset.done $0x0  }
0x15a: {  	s0 =	sshll.u32 s0, $0x6;
	p0 =	sne.s32 s30, s16;
	[sflag:s18] =	ssyncadd.s32 $0xFFFFD800  }
.Ltmp1:
0x15b: {  	s0 =	sor.u32 $0x1C04, s0;
	[bflag:$0x0] =	sbarrier.arrive $0xFFFF;
	(pc) =	sbr.rel @p0 .LBB2_1-.Ltmp1, $4  }
0x15c: {  	[hbm:s15], [sflag:s0] =	dma.local [spmem:s1], $0x2780  }
0x15d: {  	_ =	swait.ge [sflag:s18], $0x2780  }
0x15e: {  	[sflag:s18] =	ssyncset.done $0x0  }
0x15f: {  	[sflag:s18] =	ssyncadd.s32 $0xFFFFD880  }
0x160: {  	_ =	sfence.sel $0x180000  }
0x161: {  	[bflag:$0x0] =	sbarrier.arrive $0xFFFF  }
0x162: {  	_ =	strace $0x9000004A  }
0x163: {  	s0 =	stileid.u32;
	[bflag:$0x2] =	sbarrier.arrive $0xFFFF  }
0x164: {  	p0 =	sne.s32 s0, $0x0;
	s0 =	rddreg [dreg:$0x3]  }
0x165: {  	s0 =	sadd.s32 @!p0 $0x100000, s0  }
0x166: {  	[sflag:s0] =	ssyncadd.tile.s32 @!p0 $0x1;
	_ =	shalt  }
.Lfunc_end2:
_tile_overlayer_lowered:
.L_overlay_start_2:
0x167: {  	(tag) =	ssettag $0x2  }
0x168: {  	s0 =	rddreg [dreg:$0x0];
	s2 =	stileid.u32  }
0x169: {  	s1 =	rddreg [dreg:$0x1];
	p0 =	sne.s32 s2, $0x0  }
0x16a: {  	s3 =	rddreg [dreg:$0x2];
	[bflag:$0x3] =	sbarrier.arrive $0xFFFF;
	s2 =	simm.s32 @!p0 $0x1C04  }
0x16b: {  	[timem:s3], [sflag:s2] =	dma.local @!p0 [hbm:s0], s1  }
0x16c: {  	s0 =	simm.s32 @!p0 $0x4  }
0x16d: {  	_ =	swait.ge @!p0 [sflag:s0], s1  }
0x16e: {  	s1 =	ssub.s32 @!p0 $0x0, s1;
	[sflag:s0] =	ssyncset.done @!p0 $0x0  }
0x16f: {  	[sflag:s0] =	ssyncadd.s32 @!p0 s1  }
0x170: {  	[bflag:$0x3] =	sbarrier.arrive $0xFFFF  }
0x171: {  	_ =	shalt  }

// kernel: kernel.8.cloned.1.call-start
scs
__scs_entry_jumppad:
0x0: {  	(pc) =	sbr.rel $0x88, $3  }
0x1: {  	(tag) =	ssettag $0x0;
	lr =	simm.s32 $0x1  }
0x2: {  	[smem:$0x3F9D] =	sst lr;
	_ =	strace $0xD0000000  }
0x3: {  	_ = 	snop  }
0x4: {  	_ = 	snop  }
0x5: {  	_ = 	snop  }
0x6: {  	_ = 	snop  }
0x7: {  	_ = 	snop  }
__scs_overlays_trampoline_lowered:
0x8: {  	[smem:$0x3FAC] =	sst s0  }
0x9: {  	[smem:$0x3FAD] =	sst s1  }
0xa: {  	[smem:$0x3FAE] =	sst s2  }
0xb: {  	[smem:$0x3FAF] =	sst s3  }
0xc: {  	[smem:$0x3FB0] =	sst s4  }
0xd: {  	[smem:$0x3FB1] =	sst s5  }
0xe: {  	[smem:$0x3FB2] =	sst s6  }
0xf: {  	[smem:$0x3FB3] =	sst s7  }
0x10: {  	[smem:$0x3FB4] =	sst s8  }
0x11: {  	[smem:$0x3FB5] =	sst s9;
	s0 =	simm.s32 @!p0 $0x0  }
0x12: {  	s1 =	sld [smem:$0x3F9B];
	s0 =	simm.s32 @p0 $0x1  }
0x13: {  	[smem:$0x3FB6] =	sst s0;
	s0 =	simm.s32 @!p1 $0x0  }
0x14: {  	s2 =	sld [smem:$0x3F9A];
	s0 =	simm.s32 @p1 $0x1  }
0x15: {  	[smem:$0x3FB7] =	sst s0;
	s0 =	simm.s32 @!p2 $0x0  }
0x16: {  	s3 =	sld [smem:$0x3FDB];
	s0 =	simm.s32 @p2 $0x1  }
0x17: {  	s4 =	simm.s32 $0x1BF5;
	[smem:$0x3FB9] =	sst s0  }
0x18: {  	s0 =	sld [smem:$0x3F9C];
	_ =	swait.ge [sflag:s4], $0x0  }
0x19: {  	s7 =	sld [smem:$0x3F9D]  }
0x1a: {  	s8 =	sadd.s32 $0xFFFFE003, lr  }
0x1b: {  	s9 =	sadd.s32 $0xFFFFFEF7, lr;
	s5 =	simm.s32 $0xFFFFFFFF;
	p2 =	slt.u32 s8, $0xFFFFF086  }
0x1c: {  	p1 =	slt.u32 s9, $0xF7A;
	s5 =	simm.s32 @!p2 $0x0  }
0x1d: {  	s5 =	simm.s32 @p1 $0x1;
	p0 =	seq.s32 s7, s2  }
0x1e: {  	s7 =	smul.u32 @!p0 $0xF7A, s2;
	p2 =	seq.s32 @!p0 s5, $0x0  }
0x1f: {  	s9 =	smul.u32 $0xF7A, s1;
	s8 =	simm.s32 @!p0 $0x1BF5;
	p2 =	por !p2, p0  }
0x20: {  	[sflag:s8] =	ssyncset.s32 @!p0 $0xFFFFF086;
	s6 =	sadd.s32 @!p0 s3, s7;
	s7 =	simm.s32 @!p0 $0x108  }
0x21: {  	s3 =	sadd.s32 s3, s9;
	s6 =	sadd.s32 @!p0 $0x88, s6;
	s7 =	simm.s32 @p2 $0x1082  }
0x22: {  	[simem:s7], [sflag:s8] =	dma.local @!p0 [hbm:s6], $0xF7A  }
0x23: {  	s9 =	sor.u32 $0xD0000000, s2;
	s6 =	simm.s32 $0x108;
	_ =	swait.ge @!p0 [sflag:s8], $0x0  }
0x24: {  	s3 =	sadd.s32 $0x88, s3;
	s6 =	simm.s32 @!p1 $0x1082;
	[sflag:s4] =	ssyncset.s32 $0xFFFFF086  }
0x25: {  	[simem:s6], [sflag:s4] =	dma.local [hbm:s3], $0xF7A  }
0x26: {  	[smem:$0x3F9D] =	sst s1;
	(tag) =	ssettag s2;
	_ =	strace s9  }
0x27: {  	s1 =	sld [smem:$0x3FAD]  }
0x28: {  	s2 =	sld [smem:$0x3FAE]  }
0x29: {  	s4 =	sld [smem:$0x3FB0]  }
0x2a: {  	p0 =	seq.s32 s5, $0x0;
	s5 =	sld [smem:$0x3FB1]  }
0x2b: {  	s6 =	sld [smem:$0x3FB2]  }
0x2c: {  	s7 =	sld [smem:$0x3FB3]  }
0x2d: {  	s3 =	simm.s32 $0x108;
	s8 =	sld [smem:$0x3FB4]  }
0x2e: {  	s3 =	simm.s32 @!p0 $0x1082;
	s9 =	sld [smem:$0x3FB5]  }
0x2f: {  	lr =	sadd.s32 s0, s3;
	s0 =	sld [smem:$0x3FAC]  }
0x30: {  	s3 =	sld [smem:$0x3FAF]  }
0x31: {  	[smem:$0x3FB8] =	sst s10  }
0x32: {  	s10 =	sld [smem:$0x3FB6];
	_ =	sdelay $0x3  }
0x33: {  	p0 =	seq.s32 s10, $0x1;
	s10 =	sld [smem:$0x3FB8];
	_ =	sdelay $0x3  }
0x34: {  	[smem:$0x3FB8] =	sst s10  }
0x35: {  	s10 =	sld [smem:$0x3FB7];
	_ =	sdelay $0x3  }
0x36: {  	p1 =	seq.s32 s10, $0x1;
	s10 =	sld [smem:$0x3FB8];
	_ =	sdelay $0x3  }
0x37: {  	[smem:$0x3FB8] =	sst s10  }
0x38: {  	s10 =	sld [smem:$0x3FB9]  }
0x39: {  	_ = 	snop;
	(pc) =	sbr.ind lr, $3  }
0x3a: {  	_ = 	snop  }
0x3b: {  	_ = 	snop  }
0x3c: {  	p2 =	seq.s32 s10, $0x1;
	s10 =	sld [smem:$0x3FB8]  }
0x3d: {  	_ =	shalt  }
0x3e: {  	_ =	shalt  }
0x3f: {  	_ =	shalt  }
0x40: {  	_ =	shalt  }
0x41: {  	_ =	shalt  }
0x42: {  	_ =	shalt  }
0x43: {  	_ =	shalt  }
0x44: {  	_ =	shalt  }
0x45: {  	_ =	shalt  }
0x46: {  	_ =	shalt  }
0x47: {  	_ =	shalt  }
0x48: {  	_ =	shalt  }
0x49: {  	_ =	shalt  }
0x4a: {  	_ =	shalt  }
0x4b: {  	_ =	shalt  }
0x4c: {  	_ =	shalt  }
0x4d: {  	_ =	shalt  }
0x4e: {  	_ =	shalt  }
0x4f: {  	_ =	shalt  }
0x50: {  	_ =	shalt  }
0x51: {  	_ =	shalt  }
0x52: {  	_ =	shalt  }
0x53: {  	_ =	shalt  }
0x54: {  	_ =	shalt  }
0x55: {  	_ =	shalt  }
0x56: {  	_ =	shalt  }
0x57: {  	_ =	shalt  }
0x58: {  	_ =	shalt  }
0x59: {  	_ =	shalt  }
0x5a: {  	_ =	shalt  }
0x5b: {  	_ =	shalt  }
0x5c: {  	_ =	shalt  }
0x5d: {  	_ =	shalt  }
0x5e: {  	_ =	shalt  }
0x5f: {  	_ =	shalt  }
0x60: {  	_ =	shalt  }
0x61: {  	_ =	shalt  }
0x62: {  	_ =	shalt  }
0x63: {  	_ =	shalt  }
0x64: {  	_ =	shalt  }
0x65: {  	_ =	shalt  }
0x66: {  	_ =	shalt  }
0x67: {  	_ =	shalt  }
0x68: {  	_ =	shalt  }
0x69: {  	_ =	shalt  }
0x6a: {  	_ =	shalt  }
0x6b: {  	_ =	shalt  }
0x6c: {  	_ =	shalt  }
0x6d: {  	_ =	shalt  }
0x6e: {  	_ =	shalt  }
0x6f: {  	_ =	shalt  }
0x70: {  	_ =	shalt  }
0x71: {  	_ =	shalt  }
0x72: {  	_ =	shalt  }
0x73: {  	_ =	shalt  }
0x74: {  	_ =	shalt  }
0x75: {  	_ =	shalt  }
0x76: {  	_ =	shalt  }
0x77: {  	_ =	shalt  }
0x78: {  	_ =	shalt  }
0x79: {  	_ =	shalt  }
0x7a: {  	_ =	shalt  }
0x7b: {  	_ =	shalt  }
0x7c: {  	_ =	shalt  }
0x7d: {  	_ =	shalt  }
0x7e: {  	_ =	shalt  }
0x7f: {  	_ =	shalt  }
0x80: {  	_ =	shalt  }
0x81: {  	_ =	shalt  }
0x82: {  	_ =	shalt  }
0x83: {  	_ =	shalt  }
0x84: {  	_ =	shalt  }
0x85: {  	_ =	shalt  }
0x86: {  	_ =	shalt  }
0x87: {  	_ =	shalt  }
.Lfunc_end0:
.L_simem_size_0:
called_computation_lowered:
.L_overlay_start_0:
0x88: {  	s2 =	sld [smem:$0x3FD9]  }
0x89: {  	s3 =	sld [smem:$0x3FFE];
	_ =	sdelay $0x1  }
0x8a: {  	s1 =	srdreg.scid  }
0x8b: {  	s0 =	sand.u32 $0x1, s1  }
0x8c: {  	s17 =	sshll.u32 s0, $0xA;
	s2 =	sadd.s32 s3, s2  }
0x8d: {  	s2 =	sadd.s32 s2, s17  }
0x8e: {  	[smem:$0x3FC4] =	sst s2  }
0x8f: {  	_ = 	snop  }
0x90: {  	s2 =	sld [smem:$0x3FD0];
	(tm) =	ssettm $0x1  }
0x91: {  	s18 =	sld [smem:$0x3FFB];
	_ =	sdelay $0x3  }
0x92: {  	_ =	strace s18  }
0x93: {  	s3 =	sld [smem:$0x3FFC];
	_ =	sdelay $0x3  }
0x94: {  	_ =	strace s3  }
0x95: {  	s3 =	sld [smem:$0x3FFD];
	_ =	sdelay $0x3  }
0x96: {  	_ =	strace s3  }
0x97: {  	_ =	strace $0x8FFFFFFF  }
0x98: {  	s19 =	sld [smem:$0x3FDB];
	_ =	sdelay $0x1  }
0x99: {  	s4 =	simm.s32 $_scs_section_size  }
0x9a: {  	s5 =	simm.s32 $_size__tile_overlayer_lowered;
	s6 =	simm.s32 $_tile_overlayer_lowered  }
0x9b: {  	s22 =	simm.s32 $0x1BFF;
	s21 =	sshll.u32 s6, $0x1;
	s3 =	sadd.s32 s4, s19  }
0x9c: {  	s7 =	simm.s32 $0x0;
	s20 =	sshll.u32 s5, $0x1;
	s5 =	sadd.s32 s21, s3  }
0x9d: {  	[timem:s7], [sflag:s22] =	dma.local [hbm:s5], s20  }
0x9e: {  	_ =	swait.ge [sflag:s22], s20  }
0x9f: {  	s4 =	ssub.s32 $0x0, s20;
	[sflag:s22] =	ssyncset.done $0x0  }
0xa0: {  	[sflag:s22] =	ssyncadd.s32 s4;
	_ =	sdelay $0x1  }
0xa1: {  	s23 =	simm.s32 $0x1B8B  }
0xa2: {  	_ =	swait.ge [sflag:s23], $0x1  }
0xa3: {  	[sflag:s23] =	ssyncset.done $0x0  }
0xa4: {  	s25 =	simm.s32 $0x1B8E;
	s24 =	sld [smem:$0x3FFE];
	[sflag:s23] =	ssyncadd.s32 $0xFFFFFFFF  }
0xa5: {  	s26 =	simm.s32 $execute0_lowered;
	[smem:$0x3FD2] =	sst s25  }
0xa6: {  	s5 =	sshll.u32 s26, $0x1;
	_ =	strace $0x80000046;
	[dreg:$0x1] =	wrdreg $0xFFFFFFFF  }
0xa7: {  	s28 =	simm.s32 $_size_execute0_lowered;
	s3 =	sadd.s32 s3, s5;
	[dreg:$0x0] =	wrdreg $0x0  }
0xa8: {  	s5 =	sshll.u32 s28, $0x1;
	[dreg:$0x2] =	wrdreg s3  }
0xa9: {  	[dreg:$0x3] =	wrdreg s5  }
0xaa: {  	[dreg:$0x4] =	wrdreg $0xC0  }
0xab: {  	_ =	task [dreg:s7], $0x5FFFF  }
0xac: {  	[dreg:$0x1] =	wrdreg $0xFFFFFFFF  }
0xad: {  	[dreg:$0x0] =	wrdreg $0x60  }
0xae: {  	[dreg:$0x2] =	wrdreg s2  }
0xaf: {  	[dreg:$0x3] =	wrdreg s24  }
0xb0: {  	[dreg:$0x4] =	wrdreg $0x52000  }
0xb1: {  	[dreg:$0x5] =	wrdreg $0x9  }
0xb2: {  	_ =	task.clear_ibuf [dreg:s7], $0x6FFFF;
	_ =	strace $0x90000046  }
0xb3: {  	s29 =	simm.s32 $0x9;
	_ =	strace $0x80000048  }
0xb4: {  	_ =	swait.ge [sflag:s29], $0x1  }
0xb5: {  	[sflag:s29] =	ssyncadd.s32 $0xFFFFFFFF  }
0xb6: {  	_ =	strace $0x90000048  }
0xb7: {  	_ =	sfence  }
0xb8: {  	s30 =	sld [smem:$0x0];
	_ =	sdelay $0x2  }
0xb9: {  	s31 =	sshll.u32 s1, $0xD;
	s1 =	sshrl.u32 s1, $0x2  }
0xba: {  	s3 =	sand.u32 $0x4000, s31;
	s1 =	sadd.s32 s1, s30  }
0xbb: {  	s0 =	sor.u32 s3, s0;
	s1 =	sshll.u32 s1, $0x11  }
0xbc: {  	s0 =	sor.u32 s1, s0  }
0xbd: {  	s0 =	sadd.s32 $0x8F2B, s0  }
0xbe: {  	[sflag:s0] =	ssyncadd.remote.s32 $0x1  }
0xbf: {  	_ =	sfence.sel $0xFFFF  }
0xc0: {  	[dreg:$0x0] =	wrdreg $0xFFFFFFFF;
	(pc) =	sbr.abs _section_cstart, $3  }
0xc1: {  	[dreg:$0x1] =	wrdreg $0xFFFFFFFF  }
0xc2: {  	_ =	task.clear_ibuf [dreg:s7], $0x2FFFF;
	_ =	strace $0x9FFFFFFF  }
0xc3: {  	(tm) =	ssettm $0x7FFFFFFF  }
tec
execute0_lowered:
.L_overlay_start_1:
0x0: {  	(tag) =	ssettag $0x1  }
0x1: {  	s7 =	rddreg [dreg:$0x0]  }
0x2: {  	s6 =	rddreg [dreg:$0x1]  }
0x3: {  	s2 =	rddreg [dreg:$0x2];
	s3 =	srdreg.scid  }
0x4: {  	s0 =	rddreg [dreg:$0x3];
	s1 =	stileid.u32;
	s15 =	simm.s32 $0x4F00  }
0x5: {  	s16 =	simm.s32 $0x50;
	s17 =	simm.s32 $0x4F80;
	s18 =	simm.s32 $0x5000  }
0x6: {  	s19 =	simm.s32 $0x5080;
	s20 =	simm.s32 $0x5100;
	s21 =	simm.s32 $0x5180  }
0x7: {  	s22 =	simm.s32 $0x1;
	s23 =	simm.s32 $0x20;
	s24 =	simm.s32 $0x10  }
0x8: {  	s25 =	simm.s32 $0x0;
	s8 =	sand.u32 $0x1, s3;
	s4 =	smul.u32 $0x500, s1  }
0x9: {  	s3 =	simm.s32 $0x0;
	s11 =	smul.u32 $0xA00, s1;
	s31 =	sshll.u32 s1, $0x6  }
0xa: {  	s5 =	sshll.u32 s8, $0x4;
	[smem:$0x7FF] =	sst s3;
	s9 =	sshll.u32 s8, $0x7  }
0xb: {  	s8 =	ssub.s32 $0x2, s8;
	s5 =	sor.u32 s1, s5;
	_ =	strace $0x80000047  }
0xc: {  	s9 =	sor.u32 s9, s4;
	s4 =	sadd.s32 $0x2600, s6;
	s29 =	sshrl.u32 s8, $0x1  }
0xd: {  	s30 =	sshrl.u32 s11, $0x2;
	s10 =	smul.u32 $0x2710, s5;
	s5 =	sadd.s32 $0x2800, s6  }
0xe: {  	s9 =	sshrl.u32 s9, $0x3;
	s13 =	ssub.s32 s8, s29;
	s14 =	sadd.s32 s30, s2  }
0xf: {  	s12 =	sadd.s32 s9, s6;
	s11 =	smax.u32 s13, $0x1;
	s10 =	sshrl.u32 s10, $0x3  }
0x10: {  	s13 =	simm.s32 $0x2;
	s28 =	sadd.s32 s10, s6;
	s6 =	sor.u32 $0x1C02, s31  }
0x11: {  	s7 =	sadd.s32 s7, s10;
	s10 =	sadd.s32 $0x2A00, s12;
	s12 =	sshrl.u32 s14, $0x3  }
0x12: {  	s14 =	simm.s32 $0x2780;
	s8 =	sadd.s32 $0x9C40, s7;
	s9 =	sadd.s32 $0x3400, s28  }
.LBB2_1:
0x13: {  	[spmem:s12], [sflag:s6] =	dma.local [hbm:s5], $0x50  }
0x14: {  	_ =	swait.ge [sflag:s13], $0x50  }
0x15: {  	[sflag:s13] =	ssyncset.done $0x0  }
0x16: {  	[sflag:s13] =	ssyncadd.s32 $0xFFFFFFB0  }
0x17: {  	[bflag:$0x0] =	sbarrier.arrive $0xFFFF  }
0x18: {  	[tilespmem:s3], [sflag:$0x2] =	stream.linear.gather [hbm4b:s7+s3], $0x2710, $0x38;
	[tilespmem:$0x5480] =	vst v63  }
0x19: {  	_ =	swait.ge [sflag:s13], $0x2710  }
0x1a: {  	[sflag:s13] =	ssyncset.done $0x0  }
0x1b: {  	[sflag:s13] =	ssyncadd.s32 $0xFFFFD8F0  }
0x1c: {  	[tilespmem:s14], [sflag:$0x2] =	stream.linear.gather [hbm4b:s8+s3], $0x2710, $0x38;
	[tilespmem:$0x5480] =	vst v63  }
0x1d: {  	_ =	swait.ge [sflag:s13], $0x2710  }
0x1e: {  	[sflag:s13] =	ssyncset.done $0x0  }
0x1f: {  	[sflag:s13] =	ssyncadd.s32 $0xFFFFD8F0  }
0x20: {  	[tilespmem:s15], [sflag:$0x2] =	stream.linear.gather [hbm4b:s4+s3], $0x80, $0x38;
	[tilespmem:$0x5480] =	vst v63  }
0x21: {  	_ =	swait.ge [sflag:s13], $0x80  }
0x22: {  	s26 =	simm.s32 $0xC0;
	[sflag:s13] =	ssyncset.done $0x0  }
0x23: {  	s28 =	simm.s32 $0x2840;
	s29 =	simm.s32 $0x0;
	[sflag:s13] =	ssyncadd.s32 $0xFFFFFF80  }
.LBB2_2:
0x24: {  	v0 =	vld [tilespmem:s28+$0xFFFFFF40];
	_ =	sdelay $0x4  }
0x25: {  	[tilespmem:$0x4F80] =	vst v0  }
0x26: {  	v0 =	vld [tilespmem:s28+$0xFFFFFF50];
	_ =	sdelay $0x4  }
0x27: {  	[tilespmem:$0x4F90] =	vst v0  }
0x28: {  	v0 =	vld [tilespmem:s28+$0xFFFFFF60];
	_ =	sdelay $0x4  }
0x29: {  	[tilespmem:$0x4FA0] =	vst v0  }
0x2a: {  	v0 =	vld [tilespmem:s28+$0xFFFFFF70];
	_ =	sdelay $0x4  }
0x2b: {  	[tilespmem:$0x4FB0] =	vst v0  }
0x2c: {  	v0 =	vld [tilespmem:s28+$0xFFFFFF80];
	_ =	sdelay $0x4  }
0x2d: {  	[tilespmem:$0x4FC0] =	vst v0  }
0x2e: {  	[spmem:s2] =	stream.indirect.scatter.add.f32 [tilespmem:s15], [sflag:$0x1], $0x1, s17, s16, $0xb8;
	[tilespmem:$0x5480] =	vst v63  }
0x2f: {  	v0 =	vld [tilespmem:s28+$0xFFFFFF90];
	_ =	sdelay $0x4  }
0x30: {  	[tilespmem:$0x5000] =	vst v0  }
0x31: {  	v0 =	vld [tilespmem:s28+$0xFFFFFFA0];
	_ =	sdelay $0x4  }
0x32: {  	[tilespmem:$0x5010] =	vst v0  }
0x33: {  	v0 =	vld [tilespmem:s28+$0xFFFFFFB0];
	_ =	sdelay $0x4  }
0x34: {  	s30 =	sand.u32 $0x3FF0, s29;
	[tilespmem:$0x5020] =	vst v0  }
0x35: {  	v0 =	vld [tilespmem:s30+$0x2800];
	_ =	sdelay $0x4  }
0x36: {  	[tilespmem:$0x5030] =	vst v0  }
0x37: {  	v0 =	vld [tilespmem:s28+$0xFFFFFFD0];
	_ =	sdelay $0x4  }
0x38: {  	[tilespmem:$0x5040] =	vst v0  }
0x39: {  	[spmem:s2] =	stream.indirect.scatter.add.f32 [tilespmem:s15], [sflag:$0x1], $0x1, s18, s16, $0xb8;
	[tilespmem:$0x5480] =	vst v63  }
0x3a: {  	v0 =	vld [tilespmem:s28+$0xFFFFFFE0];
	_ =	sdelay $0x4  }
0x3b: {  	[tilespmem:$0x5080] =	vst v0  }
0x3c: {  	v0 =	vld [tilespmem:s28+$0xFFFFFFF0];
	_ =	sdelay $0x4  }
0x3d: {  	[tilespmem:$0x5090] =	vst v0  }
0x3e: {  	v0 =	vld [tilespmem:s28+$0x0];
	_ =	sdelay $0x4  }
0x3f: {  	[tilespmem:$0x50A0] =	vst v0  }
0x40: {  	v0 =	vld [tilespmem:s28+$0x10];
	_ =	sdelay $0x4  }
0x41: {  	[tilespmem:$0x50B0] =	vst v0  }
0x42: {  	v0 =	vld [tilespmem:s28+$0x20];
	_ =	sdelay $0x4  }
0x43: {  	[tilespmem:$0x50C0] =	vst v0  }
0x44: {  	[spmem:s2] =	stream.indirect.scatter.add.f32 [tilespmem:s15], [sflag:$0x1], $0x1, s19, s16, $0xb8;
	[tilespmem:$0x5480] =	vst v63  }
0x45: {  	v0 =	vld [tilespmem:s28+$0x30];
	_ =	sdelay $0x4  }
0x46: {  	[tilespmem:$0x5100] =	vst v0  }
0x47: {  	v0 =	vld [tilespmem:s30+$0x2880];
	_ =	sdelay $0x4  }
0x48: {  	[tilespmem:$0x5110] =	vst v0  }
0x49: {  	v0 =	vld [tilespmem:s28+$0x50];
	_ =	sdelay $0x4  }
0x4a: {  	[tilespmem:$0x5120] =	vst v0  }
0x4b: {  	v0 =	vld [tilespmem:s28+$0x60];
	_ =	sdelay $0x4  }
0x4c: {  	[tilespmem:$0x5130] =	vst v0  }
0x4d: {  	v0 =	vld [tilespmem:s28+$0x70];
	_ =	sdelay $0x4  }
0x4e: {  	[tilespmem:$0x5140] =	vst v0  }
0x4f: {  	[spmem:s2] =	stream.indirect.scatter.add.f32 [tilespmem:s15], [sflag:$0x1], $0x1, s20, s16, $0xb8;
	[tilespmem:$0x5480] =	vst v63  }
0x50: {  	v0 =	vld [tilespmem:s28+$0x80];
	_ =	sdelay $0x4  }
0x51: {  	[tilespmem:$0x5180] =	vst v0  }
0x52: {  	v0 =	vld [tilespmem:s28+$0x90];
	_ =	sdelay $0x4  }
0x53: {  	[tilespmem:$0x5190] =	vst v0  }
0x54: {  	v0 =	vld [tilespmem:s28+$0xA0];
	_ =	sdelay $0x4  }
0x55: {  	[tilespmem:$0x51A0] =	vst v0  }
0x56: {  	v0 =	vld [tilespmem:s28+$0xB0];
	_ =	sdelay $0x4  }
0x57: {  	[tilespmem:$0x51B0] =	vst v0  }
0x58: {  	v0 =	vld [tilespmem:s30+$0x2900];
	_ =	sdelay $0x4  }
0x59: {  	[tilespmem:$0x51C0] =	vst v0  }
0x5a: {  	[spmem:s2] =	stream.indirect.scatter.add.f32 [tilespmem:s15], [sflag:$0x1], $0x1, s21, s16, $0xb8;
	[tilespmem:$0x5480] =	vst v63  }
0x5b: {  	v0 =	vld [tilespmem:s28+$0xFFFFFF40]  }
0x5c: {  	v1 =	vld [tilespmem:s26+$0xFFFFFF40];
	_ =	sdelay $0x3  }
0x5d: {  	v0 =	vshll.u32 v0, $0x10  }
0x5e: {  	v0 =	vor.u32 v1, v0  }
0x5f: {  	[tilespmem:s26+$0xFFFFFF40] =	vst v0  }
0x60: {  	v0 =	vld [tilespmem:s28+$0xFFFFFF50]  }
0x61: {  	v40 =	vld [tilespmem:s26+$0xFFFFFF50];
	_ =	sdelay $0x3  }
0x62: {  	v0 =	vshll.u32 v0, $0x10  }
0x63: {  	v0 =	vor.u32 v40, v0  }
0x64: {  	[tilespmem:s26+$0xFFFFFF50] =	vst v0  }
0x65: {  	v0 =	vld [tilespmem:s28+$0xFFFFFF60]  }
0x66: {  	v41 =	vld [tilespmem:s26+$0xFFFFFF60];
	_ =	sdelay $0x3  }
0x67: {  	v0 =	vshll.u32 v0, $0x10  }
0x68: {  	v0 =	vor.u32 v41, v0  }
0x69: {  	[tilespmem:s26+$0xFFFFFF60] =	vst v0  }
0x6a: {  	v0 =	vld [tilespmem:s28+$0xFFFFFF70]  }
0x6b: {  	v42 =	vld [tilespmem:s26+$0xFFFFFF70];
	_ =	sdelay $0x3  }
0x6c: {  	v0 =	vshll.u32 v0, $0x10  }
0x6d: {  	v0 =	vor.u32 v42, v0  }
0x6e: {  	[tilespmem:s26+$0xFFFFFF70] =	vst v0  }
0x6f: {  	v0 =	vld [tilespmem:s28+$0xFFFFFF80]  }
0x70: {  	v43 =	vld [tilespmem:s26+$0xFFFFFF80];
	_ =	sdelay $0x3  }
0x71: {  	v0 =	vshll.u32 v0, $0x10  }
0x72: {  	v0 =	vor.u32 v43, v0  }
0x73: {  	[tilespmem:s26+$0xFFFFFF80] =	vst v0  }
0x74: {  	v0 =	vld [tilespmem:s28+$0xFFFFFF90]  }
0x75: {  	v44 =	vld [tilespmem:s26+$0xFFFFFF90];
	_ =	sdelay $0x3  }
0x76: {  	v0 =	vshll.u32 v0, $0x10  }
0x77: {  	v0 =	vor.u32 v44, v0  }
0x78: {  	[tilespmem:s26+$0xFFFFFF90] =	vst v0  }
0x79: {  	v0 =	vld [tilespmem:s28+$0xFFFFFFA0]  }
0x7a: {  	v45 =	vld [tilespmem:s26+$0xFFFFFFA0];
	_ =	sdelay $0x3  }
0x7b: {  	v0 =	vshll.u32 v0, $0x10  }
0x7c: {  	v0 =	vor.u32 v45, v0  }
0x7d: {  	[tilespmem:s26+$0xFFFFFFA0] =	vst v0  }
0x7e: {  	v0 =	vld [tilespmem:s28+$0xFFFFFFB0]  }
0x7f: {  	v46 =	vld [tilespmem:s26+$0xFFFFFFB0];
	_ =	sdelay $0x3  }
0x80: {  	v0 =	vshll.u32 v0, $0x10  }
0x81: {  	v0 =	vor.u32 v46, v0  }
0x82: {  	[tilespmem:s26+$0xFFFFFFB0] =	vst v0  }
0x83: {  	v0 =	vld [tilespmem:s30+$0x2800]  }
0x84: {  	v47 =	vld [tilespmem:s30+$0x80];
	_ =	sdelay $0x3  }
0x85: {  	v0 =	vshll.u32 v0, $0x10  }
0x86: {  	v0 =	vor.u32 v47, v0  }
0x87: {  	[tilespmem:s30+$0x80] =	vst v0  }
0x88: {  	v0 =	vld [tilespmem:s28+$0xFFFFFFD0]  }
0x89: {  	v48 =	vld [tilespmem:s26+$0xFFFFFFD0];
	_ =	sdelay $0x3  }
0x8a: {  	v0 =	vshll.u32 v0, $0x10  }
0x8b: {  	v0 =	vor.u32 v48, v0  }
0x8c: {  	[tilespmem:s26+$0xFFFFFFD0] =	vst v0  }
0x8d: {  	v0 =	vld [tilespmem:s28+$0xFFFFFFE0]  }
0x8e: {  	v49 =	vld [tilespmem:s26+$0xFFFFFFE0];
	_ =	sdelay $0x3  }
0x8f: {  	v0 =	vshll.u32 v0, $0x10  }
0x90: {  	v0 =	vor.u32 v49, v0  }
0x91: {  	[tilespmem:s26+$0xFFFFFFE0] =	vst v0  }
0x92: {  	v0 =	vld [tilespmem:s28+$0xFFFFFFF0]  }
0x93: {  	v50 =	vld [tilespmem:s26+$0xFFFFFFF0];
	_ =	sdelay $0x3  }
0x94: {  	v0 =	vshll.u32 v0, $0x10  }
0x95: {  	v0 =	vor.u32 v50, v0  }
0x96: {  	[tilespmem:s26+$0xFFFFFFF0] =	vst v0  }
0x97: {  	v0 =	vld [tilespmem:s28+$0x0]  }
0x98: {  	v51 =	vld [tilespmem:s26+$0x0];
	_ =	sdelay $0x3  }
0x99: {  	v0 =	vshll.u32 v0, $0x10  }
0x9a: {  	v0 =	vor.u32 v51, v0  }
0x9b: {  	[tilespmem:s26+$0x0] =	vst v0  }
0x9c: {  	v0 =	vld [tilespmem:s28+$0x10]  }
0x9d: {  	v52 =	vld [tilespmem:s26+$0x10];
	_ =	sdelay $0x3  }
0x9e: {  	v0 =	vshll.u32 v0, $0x10  }
0x9f: {  	v0 =	vor.u32 v52, v0  }
0xa0: {  	[tilespmem:s26+$0x10] =	vst v0  }
0xa1: {  	v0 =	vld [tilespmem:s28+$0x20]  }
0xa2: {  	v53 =	vld [tilespmem:s26+$0x20];
	_ =	sdelay $0x3  }
0xa3: {  	v0 =	vshll.u32 v0, $0x10  }
0xa4: {  	v0 =	vor.u32 v53, v0  }
0xa5: {  	[tilespmem:s26+$0x20] =	vst v0  }
0xa6: {  	v0 =	vld [tilespmem:s28+$0x30]  }
0xa7: {  	v54 =	vld [tilespmem:s26+$0x30];
	_ =	sdelay $0x3  }
0xa8: {  	v0 =	vshll.u32 v0, $0x10  }
0xa9: {  	v0 =	vor.u32 v54, v0  }
0xaa: {  	[tilespmem:s26+$0x30] =	vst v0  }
0xab: {  	v0 =	vld [tilespmem:s30+$0x2880]  }
0xac: {  	v55 =	vld [tilespmem:s30+$0x100];
	_ =	sdelay $0x3  }
0xad: {  	v0 =	vshll.u32 v0, $0x10  }
0xae: {  	v0 =	vor.u32 v55, v0  }
0xaf: {  	[tilespmem:s30+$0x100] =	vst v0  }
0xb0: {  	v0 =	vld [tilespmem:s28+$0x50]  }
0xb1: {  	v56 =	vld [tilespmem:s26+$0x50];
	_ =	sdelay $0x3  }
0xb2: {  	v0 =	vshll.u32 v0, $0x10  }
0xb3: {  	v0 =	vor.u32 v56, v0  }
0xb4: {  	[tilespmem:s26+$0x50] =	vst v0  }
0xb5: {  	v0 =	vld [tilespmem:s28+$0x60]  }
0xb6: {  	v57 =	vld [tilespmem:s26+$0x60];
	_ =	sdelay $0x3  }
0xb7: {  	v0 =	vshll.u32 v0, $0x10  }
0xb8: {  	v0 =	vor.u32 v57, v0  }
0xb9: {  	[tilespmem:s26+$0x60] =	vst v0  }
0xba: {  	v0 =	vld [tilespmem:s28+$0x70]  }
0xbb: {  	v58 =	vld [tilespmem:s26+$0x70];
	_ =	sdelay $0x3  }
0xbc: {  	v0 =	vshll.u32 v0, $0x10  }
0xbd: {  	v0 =	vor.u32 v58, v0  }
0xbe: {  	[tilespmem:s26+$0x70] =	vst v0  }
0xbf: {  	v0 =	vld [tilespmem:s28+$0x80]  }
0xc0: {  	v59 =	vld [tilespmem:s26+$0x80];
	_ =	sdelay $0x3  }
0xc1: {  	v0 =	vshll.u32 v0, $0x10  }
0xc2: {  	v0 =	vor.u32 v59, v0  }
0xc3: {  	[tilespmem:s26+$0x80] =	vst v0  }
0xc4: {  	v0 =	vld [tilespmem:s28+$0x90]  }
0xc5: {  	v60 =	vld [tilespmem:s26+$0x90];
	_ =	sdelay $0x3  }
0xc6: {  	v0 =	vshll.u32 v0, $0x10  }
0xc7: {  	v0 =	vor.u32 v60, v0  }
0xc8: {  	[tilespmem:s26+$0x90] =	vst v0  }
0xc9: {  	v0 =	vld [tilespmem:s28+$0xA0]  }
0xca: {  	v61 =	vld [tilespmem:s26+$0xA0];
	_ =	sdelay $0x3  }
0xcb: {  	v0 =	vshll.u32 v0, $0x10  }
0xcc: {  	v0 =	vor.u32 v61, v0  }
0xcd: {  	[tilespmem:s26+$0xA0] =	vst v0  }
0xce: {  	v0 =	vld [tilespmem:s28+$0xB0]  }
0xcf: {  	v62 =	vld [tilespmem:s26+$0xB0];
	_ =	sdelay $0x3  }
0xd0: {  	v0 =	vshll.u32 v0, $0x10  }
0xd1: {  	v0 =	vor.u32 v62, v0  }
0xd2: {  	[tilespmem:s26+$0xB0] =	vst v0  }
0xd3: {  	v0 =	vld [tilespmem:s30+$0x2900]  }
0xd4: {  	v63 =	vld [tilespmem:s30+$0x180];
	_ =	sdelay $0x3  }
0xd5: {  	v0 =	vshll.u32 v0, $0x10  }
0xd6: {  	v0 =	vor.u32 v63, v0  }
0xd7: {  	[tilespmem:s30+$0x180] =	vst v0  }
0xd8: {  	_ =	swait.ge [sflag:s22], $0x50  }
0xd9: {  	[sflag:s22] =	ssyncset.done $0x0  }
0xda: {  	[sflag:s22] =	ssyncadd.s32 $0xFFFFFFB0  }
0xdb: {  	_ =	swait.ge [sflag:s22], $0x50  }
0xdc: {  	[sflag:s22] =	ssyncset.done $0x0  }
0xdd: {  	[sflag:s22] =	ssyncadd.s32 $0xFFFFFFB0  }
0xde: {  	_ =	swait.ge [sflag:s22], $0x50  }
0xdf: {  	[sflag:s22] =	ssyncset.done $0x0  }
0xe0: {  	[sflag:s22] =	ssyncadd.s32 $0xFFFFFFB0  }
0xe1: {  	p0 =	sne.s32 s29, $0x2580;
	_ =	swait.ge [sflag:s22], $0x50  }
.Ltmp0:
0xe2: {  	[sflag:s22] =	ssyncset.done $0x0;
	(pc) =	sbr.rel @p0 .LBB2_2-.Ltmp0, $4  }
0xe3: {  	[sflag:s22] =	ssyncadd.s32 $0xFFFFFFB0  }
0xe4: {  	_ =	swait.ge [sflag:s22], $0x50  }
0xe5: {  	s29 =	sadd.s32 $0x190, s29;
	[sflag:s22] =	ssyncset.done $0x0  }
0xe6: {  	s28 =	sadd.s32 $0x190, s28;
	s26 =	sadd.s32 $0x190, s26;
	[sflag:s22] =	ssyncadd.s32 $0xFFFFFFB0  }
0xe7: {  	[hbm4b:s9+s3] =	stream.linear.scatter [tilespmem:s3], [sflag:$0x2], $0x2710, $0x38;
	[tilespmem:$0x5480] =	vst v63  }
0xe8: {  	_ =	swait.ge [sflag:s13], $0x2710  }
0xe9: {  	s25 =	sadd.s32 $0x1, s25;
	[sflag:s13] =	ssyncset.done $0x0  }
0xea: {  	p0 =	sne.s32 s25, s11;
	[sflag:s13] =	ssyncadd.s32 $0xFFFFD8F0  }
.Ltmp1:
0xeb: {  	[bflag:$0x0] =	sbarrier.arrive $0xFFFF;
	(pc) =	sbr.rel @p0 .LBB2_1-.Ltmp1, $4  }
0xec: {  	[hbm:s10@s23], [sflag:s6] =	dma.strided [spmem:s12@s24], $0x50, s22, $0x10   }
0xed: {  	_ =	swait.ge [sflag:s13], $0x50  }
0xee: {  	[sflag:s13] =	ssyncset.done $0x0  }
0xef: {  	[sflag:s13] =	ssyncadd.s32 $0xFFFFFFB0  }
0xf0: {  	_ =	sfence.sel $0x180000  }
0xf1: {  	[bflag:$0x0] =	sbarrier.arrive $0xFFFF  }
0xf2: {  	p0 =	sne.s32 s1, $0x0;
	_ =	strace $0x90000047  }
0xf3: {  	s0 =	sadd.s32 @!p0 $0x100000, s0;
	[bflag:$0x2] =	sbarrier.arrive $0xFFFF  }
0xf4: {  	[sflag:s0] =	ssyncadd.tile.s32 @!p0 $0x1;
	_ =	shalt  }
.Lfunc_end2:
_tile_overlayer_lowered:
.L_overlay_start_2:
0xf5: {  	(tag) =	ssettag $0x2  }
0xf6: {  	s0 =	rddreg [dreg:$0x0];
	s2 =	stileid.u32  }
0xf7: {  	s1 =	rddreg [dreg:$0x1];
	p0 =	sne.s32 s2, $0x0  }
0xf8: {  	s3 =	rddreg [dreg:$0x2];
	[bflag:$0x3] =	sbarrier.arrive $0xFFFF;
	s2 =	simm.s32 @!p0 $0x1C02  }
0xf9: {  	[timem:s3], [sflag:s2] =	dma.local @!p0 [hbm:s0], s1  }
0xfa: {  	s0 =	simm.s32 @!p0 $0x2  }
0xfb: {  	_ =	swait.ge @!p0 [sflag:s0], s1  }
0xfc: {  	s1 =	ssub.s32 @!p0 $0x0, s1;
	[sflag:s0] =	ssyncset.done @!p0 $0x0  }
0xfd: {  	[sflag:s0] =	ssyncadd.s32 @!p0 s1  }
0xfe: {  	[bflag:$0x3] =	sbarrier.arrive $0xFFFF  }
0xff: {  	_ =	shalt  }

</sc_bundles>
